<compile_context>
chip_gen: v7x
topology: tpu7x:2x2x1
jax: 0.10.2.dev20260603
libtpu: 0.0.44.dev20260713+nightly
codegen_flags: <defaults>
</compile_context>

<pallas_src>
import functools

import jax
import jax.numpy as jnp
from jax import lax
from jax.experimental import pallas as pl
from jax.experimental.pallas import tpu as pltpu
from jax.experimental.pallas import tpu_sc as plsc

B = 4096
S = 50
D = 128
NW = 32
BW = B // NW
CR = 64
NCH = S * BW // CR
NBUF = 4
LANES = 16
KSL = D // LANES
RUNROLL = 4


def _sc_body(preds_hbm, idx_hbm, table_hbm, out_hbm,
             idx_all, preds_v0, rows_v0, preds_v1, rows_v1,
             preds_v2, rows_v2, preds_v3, rows_v3, acc_v,
             sem_p0, sem_g0, sem_p1, sem_g1,
             sem_p2, sem_g2, sem_p3, sem_g3):
    c = lax.axis_index("c")
    s = lax.axis_index("s")
    wid = s * 2 + c
    bb = pl.multiple_of(wid * BW, BW)
    pltpu.sync_copy(idx_hbm.at[:, pl.ds(bb, BW)], idx_all)

    bufs = ((preds_v0, rows_v0, sem_p0, sem_g0),
            (preds_v1, rows_v1, sem_p1, sem_g1),
            (preds_v2, rows_v2, sem_p2, sem_g2),
            (preds_v3, rows_v3, sem_p3, sem_g3))

    def start(g, buf):
        preds_v, rows_v, sem_p, sem_g = buf
        sq = g // 2
        off = pl.multiple_of(bb + (g % 2) * CR, CR)
        pltpu.async_copy(
            table_hbm.at[idx_all.at[sq, pl.ds((g % 2) * CR, CR)]], rows_v, sem_g)
        pltpu.async_copy(preds_hbm.at[sq, pl.ds(off, CR)], preds_v, sem_p)

    def wait_data(buf):
        preds_v, rows_v, sem_p, sem_g = buf
        pltpu.make_async_copy(preds_hbm.at[0, pl.ds(0, CR)], preds_v, sem_p).wait()
        pltpu.make_async_copy(preds_hbm.at[0, pl.ds(0, CR)], rows_v, sem_g).wait()

    def compute(buf, accs):
        preds_v, rows_v, _, _ = buf

        def row_body(r, a):
            for u in range(RUNROLL):
                ru = r * RUNROLL + u
                new = []
                for k in range(KSL):
                    p = preds_v[ru, pl.ds(k * LANES, LANES)]
                    e = rows_v[ru, pl.ds(k * LANES, LANES)]
                    d = p - e
                    new.append(a[k] + d * d)
                a = tuple(new)
            return a

        return lax.fori_loop(0, CR // RUNROLL, row_body, accs)

    for b in range(NBUF):
        start(b, bufs[b])
    H = NCH // NBUF

    def ring_body(h, accs):
        for b in range(NBUF):
            g = h * NBUF + b
            wait_data(bufs[b])
            accs = compute(bufs[b], accs)

            @pl.when(g + NBUF < NCH)
            def _():
                start(g + NBUF, bufs[b])

        return accs

    accs = tuple(jnp.zeros((LANES,), jnp.float32) for _ in range(KSL))
    accs = lax.fori_loop(0, H, ring_body, accs)
    total = accs[0]
    for k in range(1, KSL):
        total = total + accs[k]
    acc_v[...] = total
    pltpu.sync_copy(acc_v, out_hbm.at[wid])


@jax.jit
def _sc_partials(preds_t, target_t, table):
    mesh = plsc.VectorSubcoreMesh(core_axis_name="c", subcore_axis_name="s")
    f = functools.partial(
        pl.kernel,
        mesh=mesh,
        out_type=jax.ShapeDtypeStruct((NW, LANES), jnp.float32),
        scratch_types=(
            [pltpu.VMEM((S, BW), jnp.int32)]
            + [pltpu.VMEM((CR, D), jnp.float32) for _ in range(2 * NBUF)]
            + [pltpu.VMEM((LANES,), jnp.float32)]
            + [pltpu.SemaphoreType.DMA for _ in range(2 * NBUF)]
        ),
    )(_sc_body)
    return f(preds_t, target_t, table)


def kernel(preds, target, table):
    preds_t = jnp.transpose(preds, (1, 0, 2))
    target_t = jnp.transpose(target, (1, 0))
    partials = _sc_partials(preds_t, target_t, table)
    return jnp.sum(partials) / jnp.float32(B * S * D)

# --- scband reference (transcript-rebuilt; emitter-appended) ---
"""Pipeline reference for scband-embedding-loss-25546465476805 (READ-ONLY COPY).

The authoritative reference and input builder live on the scoring server;
editing this copy changes nothing except your own understanding.
"""

import jax, jax.numpy as jnp
import numpy as np

VOCAB = 100000
EMB_DIM = 128
BATCH = 4096
SEQ = 50


def setup_inputs(seed: int = 0) -> dict:
    key = jax.random.key(seed)
    k1, k2, k3 = jax.random.split(key, 3)
    preds = jax.random.normal(k1, (BATCH, SEQ, EMB_DIM), dtype=jnp.float32)
    target = jax.random.randint(k2, (BATCH, SEQ), 0, VOCAB, dtype=jnp.int64)
    # pretrained (frozen) embedding table, as loaded via nn.Embedding.from_pretrained
    table = jax.random.normal(k3, (VOCAB, EMB_DIM), dtype=jnp.float32)
    return {"preds": preds, "target": target, "table": table}


def reference(preds, target, table):
    # self.tgt_embedding(target): gather rows of the pretrained table
    emb = jnp.take(table, target, axis=0)  # [B, S, D]
    # self.loss(preds, emb) with loss = MSELoss (mean reduction)
    return jnp.mean((preds - emb) ** 2)

if __name__ == "__main__":
    import jax
    _d = setup_inputs()
    print(jax.jit(kernel)(*tuple(_d.values())))

</pallas_src>

<mosaic_0001>
#map = affine_map<(d0, d1) -> (0, 0, 0)>
#map1 = affine_map<(d0, d1) -> (0, 0)>
module attributes {stable_mosaic.version = 14 : i64} {
  func.func @_sc_body(%arg0: i32, %arg1: i32, %arg2: memref<50x4096x128xf32, #tpu.memory_space<hbm>>, %arg3: memref<50x4096xi32, #tpu.memory_space<hbm>>, %arg4: memref<100000x128xf32, #tpu.memory_space<hbm>>, %arg5: memref<32x16xf32, #tpu.memory_space<hbm>>, %arg6: memref<50x128xi32, #tpu.memory_space<vmem>>, %arg7: memref<64x128xf32, #tpu.memory_space<vmem>>, %arg8: memref<64x128xf32, #tpu.memory_space<vmem>>, %arg9: memref<64x128xf32, #tpu.memory_space<vmem>>, %arg10: memref<64x128xf32, #tpu.memory_space<vmem>>, %arg11: memref<64x128xf32, #tpu.memory_space<vmem>>, %arg12: memref<64x128xf32, #tpu.memory_space<vmem>>, %arg13: memref<64x128xf32, #tpu.memory_space<vmem>>, %arg14: memref<64x128xf32, #tpu.memory_space<vmem>>, %arg15: memref<16xf32, #tpu.memory_space<vmem>>, %arg16: memref<!tpu.dma_semaphore, #tpu.memory_space<semaphore_mem>>, %arg17: memref<!tpu.dma_semaphore, #tpu.memory_space<semaphore_mem>>, %arg18: memref<!tpu.dma_semaphore, #tpu.memory_space<semaphore_mem>>, %arg19: memref<!tpu.dma_semaphore, #tpu.memory_space<semaphore_mem>>, %arg20: memref<!tpu.dma_semaphore, #tpu.memory_space<semaphore_mem>>, %arg21: memref<!tpu.dma_semaphore, #tpu.memory_space<semaphore_mem>>, %arg22: memref<!tpu.dma_semaphore, #tpu.memory_space<semaphore_mem>>, %arg23: memref<!tpu.dma_semaphore, #tpu.memory_space<semaphore_mem>>) attributes {dimension_semantics = [#tpu.dimension_semantics<core_parallel>, #tpu.dimension_semantics<subcore_parallel>], iteration_bounds = array<i64: 2, 16>, scalar_prefetch = 0 : i64, scratch_operands = 18 : i64, tpu.core_type = #tpu.core_type<sc_vector_subcore>, window_params = [{transform_indices = #map}, {transform_indices = #map1}, {transform_indices = #map1}, {transform_indices = #map1}]} {
    %mul3A = arith.constant 2 : i32
    %mul3A_0 = arith.muli %arg1, %mul3A : i32
    %add3A = arith.addi %mul3A_0, %arg0 : i32
    %mul3A_1 = arith.constant 128 : i32
    %mul3A_2 = arith.muli %add3A, %mul3A_1 : i32
    %multiple_of3A = tpu.assume_multiple %mul3A_2, 128 : i32
    "tpu.region"() ({
      %run_scoped3A = tpu.sem_alloc : memref<!tpu.dma_semaphore, #tpu.memory_space<semaphore_mem>>
      %dma_start3A_100 = arith.constant 0 : i32
      %dma_start3A_101 = tpu.memref_slice %arg3[%dma_start3A_100, %multiple_of3A] : memref<50x4096xi32, #tpu.memory_space<hbm>> -> memref<50x128xi32, #tpu.memory_space<hbm>>
      %dma_start3A_102 = arith.constant 0 : i32
      %dma_start3A_103 = tpu.memref_slice %arg3[%dma_start3A_102, %multiple_of3A] : memref<50x4096xi32, #tpu.memory_space<hbm>> -> memref<50x128xi32, #tpu.memory_space<hbm>>
      tpu.enqueue_dma source(%dma_start3A_103 : memref<50x128xi32, #tpu.memory_space<hbm>>) target(%arg6 : memref<50x128xi32, #tpu.memory_space<vmem>>) target_semaphore(%run_scoped3A : memref<!tpu.dma_semaphore, #tpu.memory_space<semaphore_mem>>)
      %dma_wait3A = arith.constant 0 : i32
      %dma_wait3A_104 = tpu.memref_slice %arg3[%dma_wait3A, %multiple_of3A] : memref<50x4096xi32, #tpu.memory_space<hbm>> -> memref<50x128xi32, #tpu.memory_space<hbm>>
      %dma_wait3A_105 = arith.constant 0 : i32
      %dma_wait3A_106 = tpu.memref_slice %arg3[%dma_wait3A_105, %multiple_of3A] : memref<50x4096xi32, #tpu.memory_space<hbm>> -> memref<50x128xi32, #tpu.memory_space<hbm>>
      tpu.wait_dma2 semaphore(%run_scoped3A : memref<!tpu.dma_semaphore, #tpu.memory_space<semaphore_mem>>) src(%dma_wait3A_106 : memref<50x128xi32, #tpu.memory_space<hbm>>) dst(%arg6 : memref<50x128xi32, #tpu.memory_space<vmem>>)
      tpu.yield
    }) : () -> ()
    %add3A_3 = arith.constant 0 : i32
    %add3A_4 = arith.addi %multiple_of3A, %add3A_3 : i32
    %multiple_of3A_5 = tpu.assume_multiple %add3A_4, 64 : i32
    %dma_start3A = arith.constant 0 : i32
    %dma_start3A_6 = arith.constant 0 : i32
    %dma_start3A_7 = tpu.memref_slice %arg6[%dma_start3A, %dma_start3A_6] : memref<50x128xi32, #tpu.memory_space<vmem>> -> memref<1x64xi32, #tpu.memory_space<vmem>>
    %dma_start3A_8 = tpu.memref_squeeze %dma_start3A_7 : memref<1x64xi32, #tpu.memory_space<vmem>> -> memref<64xi32, #tpu.memory_space<vmem>>
    %dma_start3A_9 = arith.constant 0 : i32
    %dma_start3A_10 = arith.constant 0 : i32
    %dma_start3A_11 = tpu.memref_slice %arg4[%dma_start3A_9, %dma_start3A_10] : memref<100000x128xf32, #tpu.memory_space<hbm>> -> memref<100000x128xf32, #tpu.memory_space<hbm>>
    tpu.enqueue_indirect_dma source(%dma_start3A_11 : memref<100000x128xf32, #tpu.memory_space<hbm>>) target(%arg8 : memref<64x128xf32, #tpu.memory_space<vmem>>) offsets(%dma_start3A_8 : memref<64xi32, #tpu.memory_space<vmem>>) semaphore(%arg17 : memref<!tpu.dma_semaphore, #tpu.memory_space<semaphore_mem>>)
    %dma_start3A_12 = arith.constant 0 : i32
    %dma_start3A_13 = arith.constant 0 : i32
    %dma_start3A_14 = tpu.memref_slice %arg2[%dma_start3A_12, %multiple_of3A_5, %dma_start3A_13] : memref<50x4096x128xf32, #tpu.memory_space<hbm>> -> memref<1x64x128xf32, #tpu.memory_space<hbm>>
    %dma_start3A_15 = tpu.memref_squeeze %dma_start3A_14 : memref<1x64x128xf32, #tpu.memory_space<hbm>> -> memref<64x128xf32, #tpu.memory_space<hbm>>
    %dma_start3A_16 = arith.constant 0 : i32
    %dma_start3A_17 = tpu.memref_slice %arg2[%dma_start3A_12, %multiple_of3A_5, %dma_start3A_16] : memref<50x4096x128xf32, #tpu.memory_space<hbm>> -> memref<1x64x128xf32, #tpu.memory_space<hbm>>
    %dma_start3A_18 = tpu.memref_squeeze %dma_start3A_17 : memref<1x64x128xf32, #tpu.memory_space<hbm>> -> memref<64x128xf32, #tpu.memory_space<hbm>>
    tpu.enqueue_dma source(%dma_start3A_18 : memref<64x128xf32, #tpu.memory_space<hbm>>) target(%arg7 : memref<64x128xf32, #tpu.memory_space<vmem>>) target_semaphore(%arg16 : memref<!tpu.dma_semaphore, #tpu.memory_space<semaphore_mem>>)
    %add3A_19 = arith.constant 64 : i32
    %add3A_20 = arith.addi %multiple_of3A, %add3A_19 : i32
    %multiple_of3A_21 = tpu.assume_multiple %add3A_20, 64 : i32
    %dma_start3A_22 = arith.constant 0 : i32
    %dma_start3A_23 = arith.constant 64 : i32
    %dma_start3A_24 = tpu.memref_slice %arg6[%dma_start3A_22, %dma_start3A_23] : memref<50x128xi32, #tpu.memory_space<vmem>> -> memref<1x64xi32, #tpu.memory_space<vmem>>
    %dma_start3A_25 = tpu.memref_squeeze %dma_start3A_24 : memref<1x64xi32, #tpu.memory_space<vmem>> -> memref<64xi32, #tpu.memory_space<vmem>>
    %dma_start3A_26 = arith.constant 0 : i32
    %dma_start3A_27 = arith.constant 0 : i32
    %dma_start3A_28 = tpu.memref_slice %arg4[%dma_start3A_26, %dma_start3A_27] : memref<100000x128xf32, #tpu.memory_space<hbm>> -> memref<100000x128xf32, #tpu.memory_space<hbm>>
    tpu.enqueue_indirect_dma source(%dma_start3A_28 : memref<100000x128xf32, #tpu.memory_space<hbm>>) target(%arg10 : memref<64x128xf32, #tpu.memory_space<vmem>>) offsets(%dma_start3A_25 : memref<64xi32, #tpu.memory_space<vmem>>) semaphore(%arg19 : memref<!tpu.dma_semaphore, #tpu.memory_space<semaphore_mem>>)
    %dma_start3A_29 = arith.constant 0 : i32
    %dma_start3A_30 = arith.constant 0 : i32
    %dma_start3A_31 = tpu.memref_slice %arg2[%dma_start3A_29, %multiple_of3A_21, %dma_start3A_30] : memref<50x4096x128xf32, #tpu.memory_space<hbm>> -> memref<1x64x128xf32, #tpu.memory_space<hbm>>
    %dma_start3A_32 = tpu.memref_squeeze %dma_start3A_31 : memref<1x64x128xf32, #tpu.memory_space<hbm>> -> memref<64x128xf32, #tpu.memory_space<hbm>>
    %dma_start3A_33 = arith.constant 0 : i32
    %dma_start3A_34 = tpu.memref_slice %arg2[%dma_start3A_29, %multiple_of3A_21, %dma_start3A_33] : memref<50x4096x128xf32, #tpu.memory_space<hbm>> -> memref<1x64x128xf32, #tpu.memory_space<hbm>>
    %dma_start3A_35 = tpu.memref_squeeze %dma_start3A_34 : memref<1x64x128xf32, #tpu.memory_space<hbm>> -> memref<64x128xf32, #tpu.memory_space<hbm>>
    tpu.enqueue_dma source(%dma_start3A_35 : memref<64x128xf32, #tpu.memory_space<hbm>>) target(%arg9 : memref<64x128xf32, #tpu.memory_space<vmem>>) target_semaphore(%arg18 : memref<!tpu.dma_semaphore, #tpu.memory_space<semaphore_mem>>)
    %add3A_36 = arith.constant 0 : i32
    %add3A_37 = arith.addi %multiple_of3A, %add3A_36 : i32
    %multiple_of3A_38 = tpu.assume_multiple %add3A_37, 64 : i32
    %dma_start3A_39 = arith.constant 1 : i32
    %dma_start3A_40 = arith.constant 0 : i32
    %dma_start3A_41 = tpu.memref_slice %arg6[%dma_start3A_39, %dma_start3A_40] : memref<50x128xi32, #tpu.memory_space<vmem>> -> memref<1x64xi32, #tpu.memory_space<vmem>>
    %dma_start3A_42 = tpu.memref_squeeze %dma_start3A_41 : memref<1x64xi32, #tpu.memory_space<vmem>> -> memref<64xi32, #tpu.memory_space<vmem>>
    %dma_start3A_43 = arith.constant 0 : i32
    %dma_start3A_44 = arith.constant 0 : i32
    %dma_start3A_45 = tpu.memref_slice %arg4[%dma_start3A_43, %dma_start3A_44] : memref<100000x128xf32, #tpu.memory_space<hbm>> -> memref<100000x128xf32, #tpu.memory_space<hbm>>
    tpu.enqueue_indirect_dma source(%dma_start3A_45 : memref<100000x128xf32, #tpu.memory_space<hbm>>) target(%arg12 : memref<64x128xf32, #tpu.memory_space<vmem>>) offsets(%dma_start3A_42 : memref<64xi32, #tpu.memory_space<vmem>>) semaphore(%arg21 : memref<!tpu.dma_semaphore, #tpu.memory_space<semaphore_mem>>)
    %dma_start3A_46 = arith.constant 1 : i32
    %dma_start3A_47 = arith.constant 0 : i32
    %dma_start3A_48 = tpu.memref_slice %arg2[%dma_start3A_46, %multiple_of3A_38, %dma_start3A_47] : memref<50x4096x128xf32, #tpu.memory_space<hbm>> -> memref<1x64x128xf32, #tpu.memory_space<hbm>>
    %dma_start3A_49 = tpu.memref_squeeze %dma_start3A_48 : memref<1x64x128xf32, #tpu.memory_space<hbm>> -> memref<64x128xf32, #tpu.memory_space<hbm>>
    %dma_start3A_50 = arith.constant 0 : i32
    %dma_start3A_51 = tpu.memref_slice %arg2[%dma_start3A_46, %multiple_of3A_38, %dma_start3A_50] : memref<50x4096x128xf32, #tpu.memory_space<hbm>> -> memref<1x64x128xf32, #tpu.memory_space<hbm>>
    %dma_start3A_52 = tpu.memref_squeeze %dma_start3A_51 : memref<1x64x128xf32, #tpu.memory_space<hbm>> -> memref<64x128xf32, #tpu.memory_space<hbm>>
    tpu.enqueue_dma source(%dma_start3A_52 : memref<64x128xf32, #tpu.memory_space<hbm>>) target(%arg11 : memref<64x128xf32, #tpu.memory_space<vmem>>) target_semaphore(%arg20 : memref<!tpu.dma_semaphore, #tpu.memory_space<semaphore_mem>>)
    %add3A_53 = arith.constant 64 : i32
    %add3A_54 = arith.addi %multiple_of3A, %add3A_53 : i32
    %multiple_of3A_55 = tpu.assume_multiple %add3A_54, 64 : i32
    %dma_start3A_56 = arith.constant 1 : i32
    %dma_start3A_57 = arith.constant 64 : i32
    %dma_start3A_58 = tpu.memref_slice %arg6[%dma_start3A_56, %dma_start3A_57] : memref<50x128xi32, #tpu.memory_space<vmem>> -> memref<1x64xi32, #tpu.memory_space<vmem>>
    %dma_start3A_59 = tpu.memref_squeeze %dma_start3A_58 : memref<1x64xi32, #tpu.memory_space<vmem>> -> memref<64xi32, #tpu.memory_space<vmem>>
    %dma_start3A_60 = arith.constant 0 : i32
    %dma_start3A_61 = arith.constant 0 : i32
    %dma_start3A_62 = tpu.memref_slice %arg4[%dma_start3A_60, %dma_start3A_61] : memref<100000x128xf32, #tpu.memory_space<hbm>> -> memref<100000x128xf32, #tpu.memory_space<hbm>>
    tpu.enqueue_indirect_dma source(%dma_start3A_62 : memref<100000x128xf32, #tpu.memory_space<hbm>>) target(%arg14 : memref<64x128xf32, #tpu.memory_space<vmem>>) offsets(%dma_start3A_59 : memref<64xi32, #tpu.memory_space<vmem>>) semaphore(%arg23 : memref<!tpu.dma_semaphore, #tpu.memory_space<semaphore_mem>>)
    %dma_start3A_63 = arith.constant 1 : i32
    %dma_start3A_64 = arith.constant 0 : i32
    %dma_start3A_65 = tpu.memref_slice %arg2[%dma_start3A_63, %multiple_of3A_55, %dma_start3A_64] : memref<50x4096x128xf32, #tpu.memory_space<hbm>> -> memref<1x64x128xf32, #tpu.memory_space<hbm>>
    %dma_start3A_66 = tpu.memref_squeeze %dma_start3A_65 : memref<1x64x128xf32, #tpu.memory_space<hbm>> -> memref<64x128xf32, #tpu.memory_space<hbm>>
    %dma_start3A_67 = arith.constant 0 : i32
    %dma_start3A_68 = tpu.memref_slice %arg2[%dma_start3A_63, %multiple_of3A_55, %dma_start3A_67] : memref<50x4096x128xf32, #tpu.memory_space<hbm>> -> memref<1x64x128xf32, #tpu.memory_space<hbm>>
    %dma_start3A_69 = tpu.memref_squeeze %dma_start3A_68 : memref<1x64x128xf32, #tpu.memory_space<hbm>> -> memref<64x128xf32, #tpu.memory_space<hbm>>
    tpu.enqueue_dma source(%dma_start3A_69 : memref<64x128xf32, #tpu.memory_space<hbm>>) target(%arg13 : memref<64x128xf32, #tpu.memory_space<vmem>>) target_semaphore(%arg22 : memref<!tpu.dma_semaphore, #tpu.memory_space<semaphore_mem>>)
    %broadcast_in_dim3A = arith.constant 0.000000e+00 : f32
    %broadcast_in_dim3A_70 = vector.broadcast %broadcast_in_dim3A : f32 to vector<16xf32>
    %broadcast_in_dim3A_71 = arith.constant 0.000000e+00 : f32
    %broadcast_in_dim3A_72 = vector.broadcast %broadcast_in_dim3A_71 : f32 to vector<16xf32>
    %broadcast_in_dim3A_73 = arith.constant 0.000000e+00 : f32
    %broadcast_in_dim3A_74 = vector.broadcast %broadcast_in_dim3A_73 : f32 to vector<16xf32>
    %broadcast_in_dim3A_75 = arith.constant 0.000000e+00 : f32
    %broadcast_in_dim3A_76 = vector.broadcast %broadcast_in_dim3A_75 : f32 to vector<16xf32>
    %broadcast_in_dim3A_77 = arith.constant 0.000000e+00 : f32
    %broadcast_in_dim3A_78 = vector.broadcast %broadcast_in_dim3A_77 : f32 to vector<16xf32>
    %broadcast_in_dim3A_79 = arith.constant 0.000000e+00 : f32
    %broadcast_in_dim3A_80 = vector.broadcast %broadcast_in_dim3A_79 : f32 to vector<16xf32>
    %broadcast_in_dim3A_81 = arith.constant 0.000000e+00 : f32
    %broadcast_in_dim3A_82 = vector.broadcast %broadcast_in_dim3A_81 : f32 to vector<16xf32>
    %broadcast_in_dim3A_83 = arith.constant 0.000000e+00 : f32
    %broadcast_in_dim3A_84 = vector.broadcast %broadcast_in_dim3A_83 : f32 to vector<16xf32>
    %scan3A = arith.constant 0 : i32
    %scan3A_85 = arith.constant 25 : i32
    %scan3A_86 = arith.addi %scan3A, %scan3A_85 : i32
    %scan3A_87 = arith.constant 1 : i32
    %scan3A_88:8 = scf.for %scan3A_100 = %scan3A to %scan3A_86 step %scan3A_87 iter_args(%scan3A_101 = %broadcast_in_dim3A_70, %scan3A_102 = %broadcast_in_dim3A_72, %scan3A_103 = %broadcast_in_dim3A_74, %scan3A_104 = %broadcast_in_dim3A_76, %scan3A_105 = %broadcast_in_dim3A_78, %scan3A_106 = %broadcast_in_dim3A_80, %scan3A_107 = %broadcast_in_dim3A_82, %scan3A_108 = %broadcast_in_dim3A_84) -> (vector<16xf32>, vector<16xf32>, vector<16xf32>, vector<16xf32>, vector<16xf32>, vector<16xf32>, vector<16xf32>, vector<16xf32>)  : i32 {
      %mul3A_109 = arith.constant 4 : i32
      %mul3A_110 = arith.muli %scan3A_100, %mul3A_109 : i32
      %add3A_111 = arith.constant 0 : i32
      %add3A_112 = arith.addi %mul3A_110, %add3A_111 : i32
      %dma_wait3A = arith.constant 0 : i32
      %dma_wait3A_113 = arith.constant 0 : i32
      %dma_wait3A_114 = arith.constant 0 : i32
      %dma_wait3A_115 = tpu.memref_slice %arg2[%dma_wait3A, %dma_wait3A_113, %dma_wait3A_114] : memref<50x4096x128xf32, #tpu.memory_space<hbm>> -> memref<1x64x128xf32, #tpu.memory_space<hbm>>
      %dma_wait3A_116 = tpu.memref_squeeze %dma_wait3A_115 : memref<1x64x128xf32, #tpu.memory_space<hbm>> -> memref<64x128xf32, #tpu.memory_space<hbm>>
      %dma_wait3A_117 = arith.constant 0 : i32
      %dma_wait3A_118 = arith.constant 0 : i32
      %dma_wait3A_119 = tpu.memref_slice %arg2[%dma_wait3A, %dma_wait3A_117, %dma_wait3A_118] : memref<50x4096x128xf32, #tpu.memory_space<hbm>> -> memref<1x64x128xf32, #tpu.memory_space<hbm>>
      %dma_wait3A_120 = tpu.memref_squeeze %dma_wait3A_119 : memref<1x64x128xf32, #tpu.memory_space<hbm>> -> memref<64x128xf32, #tpu.memory_space<hbm>>
      tpu.wait_dma2 semaphore(%arg16 : memref<!tpu.dma_semaphore, #tpu.memory_space<semaphore_mem>>) src(%dma_wait3A_120 : memref<64x128xf32, #tpu.memory_space<hbm>>) dst(%arg7 : memref<64x128xf32, #tpu.memory_space<vmem>>)
      %dma_wait3A_121 = arith.constant 0 : i32
      %dma_wait3A_122 = arith.constant 0 : i32
      %dma_wait3A_123 = arith.constant 0 : i32
      %dma_wait3A_124 = tpu.memref_slice %arg2[%dma_wait3A_121, %dma_wait3A_122, %dma_wait3A_123] : memref<50x4096x128xf32, #tpu.memory_space<hbm>> -> memref<1x64x128xf32, #tpu.memory_space<hbm>>
      %dma_wait3A_125 = tpu.memref_squeeze %dma_wait3A_124 : memref<1x64x128xf32, #tpu.memory_space<hbm>> -> memref<64x128xf32, #tpu.memory_space<hbm>>
      %dma_wait3A_126 = arith.constant 0 : i32
      %dma_wait3A_127 = arith.constant 0 : i32
      %dma_wait3A_128 = tpu.memref_slice %arg2[%dma_wait3A_121, %dma_wait3A_126, %dma_wait3A_127] : memref<50x4096x128xf32, #tpu.memory_space<hbm>> -> memref<1x64x128xf32, #tpu.memory_space<hbm>>
      %dma_wait3A_129 = tpu.memref_squeeze %dma_wait3A_128 : memref<1x64x128xf32, #tpu.memory_space<hbm>> -> memref<64x128xf32, #tpu.memory_space<hbm>>
      tpu.wait_dma2 semaphore(%arg17 : memref<!tpu.dma_semaphore, #tpu.memory_space<semaphore_mem>>) src(%dma_wait3A_129 : memref<64x128xf32, #tpu.memory_space<hbm>>) dst(%arg8 : memref<64x128xf32, #tpu.memory_space<vmem>>)
      %scan3A_130 = arith.constant 0 : i32
      %scan3A_131 = arith.constant 16 : i32
      %scan3A_132 = arith.addi %scan3A_130, %scan3A_131 : i32
      %scan3A_133 = arith.constant 1 : i32
      %scan3A_134:8 = scf.for %scan3A_245 = %scan3A_130 to %scan3A_132 step %scan3A_133 iter_args(%scan3A_246 = %scan3A_101, %scan3A_247 = %scan3A_102, %scan3A_248 = %scan3A_103, %scan3A_249 = %scan3A_104, %scan3A_250 = %scan3A_105, %scan3A_251 = %scan3A_106, %scan3A_252 = %scan3A_107, %scan3A_253 = %scan3A_108) -> (vector<16xf32>, vector<16xf32>, vector<16xf32>, vector<16xf32>, vector<16xf32>, vector<16xf32>, vector<16xf32>, vector<16xf32>)  : i32 {
        %mul3A_254 = arith.constant 4 : i32
        %mul3A_255 = arith.muli %scan3A_245, %mul3A_254 : i32
        %add3A_256 = arith.constant 0 : i32
        %add3A_257 = arith.addi %mul3A_255, %add3A_256 : i32
        %get3A = arith.index_cast %add3A_257 : i32 to index
        %get3A_258 = arith.constant 0 : index
        %get3A_259 = tpu.vector_load %arg7[%get3A, %get3A_258] {strides = array<i32>} : memref<64x128xf32, #tpu.memory_space<vmem>>, vector<1x16xf32>,
        %get3A_260 = vector.shape_cast %get3A_259 : vector<1x16xf32> to vector<16xf32>
        %get3A_261 = arith.index_cast %add3A_257 : i32 to index
        %get3A_262 = arith.constant 0 : index
        %get3A_263 = tpu.vector_load %arg8[%get3A_261, %get3A_262] {strides = array<i32>} : memref<64x128xf32, #tpu.memory_space<vmem>>, vector<1x16xf32>,
        %get3A_264 = vector.shape_cast %get3A_263 : vector<1x16xf32> to vector<16xf32>
        %sub3A = arith.subf %get3A_260, %get3A_264 : vector<16xf32>
        %mul3A_265 = arith.mulf %sub3A, %sub3A : vector<16xf32>
        %add3A_266 = arith.addf %scan3A_246, %mul3A_265 : vector<16xf32>
        %get3A_267 = arith.index_cast %add3A_257 : i32 to index
        %get3A_268 = arith.constant 16 : index
        %get3A_269 = tpu.vector_load %arg7[%get3A_267, %get3A_268] {strides = array<i32>} : memref<64x128xf32, #tpu.memory_space<vmem>>, vector<1x16xf32>,
        %get3A_270 = vector.shape_cast %get3A_269 : vector<1x16xf32> to vector<16xf32>
        %get3A_271 = arith.index_cast %add3A_257 : i32 to index
        %get3A_272 = arith.constant 16 : index
        %get3A_273 = tpu.vector_load %arg8[%get3A_271, %get3A_272] {strides = array<i32>} : memref<64x128xf32, #tpu.memory_space<vmem>>, vector<1x16xf32>,
        %get3A_274 = vector.shape_cast %get3A_273 : vector<1x16xf32> to vector<16xf32>
        %sub3A_275 = arith.subf %get3A_270, %get3A_274 : vector<16xf32>
        %mul3A_276 = arith.mulf %sub3A_275, %sub3A_275 : vector<16xf32>
        %add3A_277 = arith.addf %scan3A_247, %mul3A_276 : vector<16xf32>
        %get3A_278 = arith.index_cast %add3A_257 : i32 to index
        %get3A_279 = arith.constant 32 : index
        %get3A_280 = tpu.vector_load %arg7[%get3A_278, %get3A_279] {strides = array<i32>} : memref<64x128xf32, #tpu.memory_space<vmem>>, vector<1x16xf32>,
        %get3A_281 = vector.shape_cast %get3A_280 : vector<1x16xf32> to vector<16xf32>
        %get3A_282 = arith.index_cast %add3A_257 : i32 to index
        %get3A_283 = arith.constant 32 : index
        %get3A_284 = tpu.vector_load %arg8[%get3A_282, %get3A_283] {strides = array<i32>} : memref<64x128xf32, #tpu.memory_space<vmem>>, vector<1x16xf32>,
        %get3A_285 = vector.shape_cast %get3A_284 : vector<1x16xf32> to vector<16xf32>
        %sub3A_286 = arith.subf %get3A_281, %get3A_285 : vector<16xf32>
        %mul3A_287 = arith.mulf %sub3A_286, %sub3A_286 : vector<16xf32>
        %add3A_288 = arith.addf %scan3A_248, %mul3A_287 : vector<16xf32>
        %get3A_289 = arith.index_cast %add3A_257 : i32 to index
        %get3A_290 = arith.constant 48 : index
        %get3A_291 = tpu.vector_load %arg7[%get3A_289, %get3A_290] {strides = array<i32>} : memref<64x128xf32, #tpu.memory_space<vmem>>, vector<1x16xf32>,
        %get3A_292 = vector.shape_cast %get3A_291 : vector<1x16xf32> to vector<16xf32>
        %get3A_293 = arith.index_cast %add3A_257 : i32 to index
        %get3A_294 = arith.constant 48 : index
        %get3A_295 = tpu.vector_load %arg8[%get3A_293, %get3A_294] {strides = array<i32>} : memref<64x128xf32, #tpu.memory_space<vmem>>, vector<1x16xf32>,
        %get3A_296 = vector.shape_cast %get3A_295 : vector<1x16xf32> to vector<16xf32>
        %sub3A_297 = arith.subf %get3A_292, %get3A_296 : vector<16xf32>
        %mul3A_298 = arith.mulf %sub3A_297, %sub3A_297 : vector<16xf32>
        %add3A_299 = arith.addf %scan3A_249, %mul3A_298 : vector<16xf32>
        %get3A_300 = arith.index_cast %add3A_257 : i32 to index
        %get3A_301 = arith.constant 64 : index
        %get3A_302 = tpu.vector_load %arg7[%get3A_300, %get3A_301] {strides = array<i32>} : memref<64x128xf32, #tpu.memory_space<vmem>>, vector<1x16xf32>,
        %get3A_303 = vector.shape_cast %get3A_302 : vector<1x16xf32> to vector<16xf32>
        %get3A_304 = arith.index_cast %add3A_257 : i32 to index
        %get3A_305 = arith.constant 64 : index
        %get3A_306 = tpu.vector_load %arg8[%get3A_304, %get3A_305] {strides = array<i32>} : memref<64x128xf32, #tpu.memory_space<vmem>>, vector<1x16xf32>,
        %get3A_307 = vector.shape_cast %get3A_306 : vector<1x16xf32> to vector<16xf32>
        %sub3A_308 = arith.subf %get3A_303, %get3A_307 : vector<16xf32>
        %mul3A_309 = arith.mulf %sub3A_308, %sub3A_308 : vector<16xf32>
        %add3A_310 = arith.addf %scan3A_250, %mul3A_309 : vector<16xf32>
        %get3A_311 = arith.index_cast %add3A_257 : i32 to index
        %get3A_312 = arith.constant 80 : index
        %get3A_313 = tpu.vector_load %arg7[%get3A_311, %get3A_312] {strides = array<i32>} : memref<64x128xf32, #tpu.memory_space<vmem>>, vector<1x16xf32>,
        %get3A_314 = vector.shape_cast %get3A_313 : vector<1x16xf32> to vector<16xf32>
        %get3A_315 = arith.index_cast %add3A_257 : i32 to index
        %get3A_316 = arith.constant 80 : index
        %get3A_317 = tpu.vector_load %arg8[%get3A_315, %get3A_316] {strides = array<i32>} : memref<64x128xf32, #tpu.memory_space<vmem>>, vector<1x16xf32>,
        %get3A_318 = vector.shape_cast %get3A_317 : vector<1x16xf32> to vector<16xf32>
        %sub3A_319 = arith.subf %get3A_314, %get3A_318 : vector<16xf32>
        %mul3A_320 = arith.mulf %sub3A_319, %sub3A_319 : vector<16xf32>
        %add3A_321 = arith.addf %scan3A_251, %mul3A_320 : vector<16xf32>
        %get3A_322 = arith.index_cast %add3A_257 : i32 to index
        %get3A_323 = arith.constant 96 : index
        %get3A_324 = tpu.vector_load %arg7[%get3A_322, %get3A_323] {strides = array<i32>} : memref<64x128xf32, #tpu.memory_space<vmem>>, vector<1x16xf32>,
        %get3A_325 = vector.shape_cast %get3A_324 : vector<1x16xf32> to vector<16xf32>
        %get3A_326 = arith.index_cast %add3A_257 : i32 to index
        %get3A_327 = arith.constant 96 : index
        %get3A_328 = tpu.vector_load %arg8[%get3A_326, %get3A_327] {strides = array<i32>} : memref<64x128xf32, #tpu.memory_space<vmem>>, vector<1x16xf32>,
        %get3A_329 = vector.shape_cast %get3A_328 : vector<1x16xf32> to vector<16xf32>
        %sub3A_330 = arith.subf %get3A_325, %get3A_329 : vector<16xf32>
        %mul3A_331 = arith.mulf %sub3A_330, %sub3A_330 : vector<16xf32>
        %add3A_332 = arith.addf %scan3A_252, %mul3A_331 : vector<16xf32>
        %get3A_333 = arith.index_cast %add3A_257 : i32 to index
        %get3A_334 = arith.constant 112 : index
        %get3A_335 = tpu.vector_load %arg7[%get3A_333, %get3A_334] {strides = array<i32>} : memref<64x128xf32, #tpu.memory_space<vmem>>, vector<1x16xf32>,
        %get3A_336 = vector.shape_cast %get3A_335 : vector<1x16xf32> to vector<16xf32>
        %get3A_337 = arith.index_cast %add3A_257 : i32 to index
        %get3A_338 = arith.constant 112 : index
        %get3A_339 = tpu.vector_load %arg8[%get3A_337, %get3A_338] {strides = array<i32>} : memref<64x128xf32, #tpu.memory_space<vmem>>, vector<1x16xf32>,
        %get3A_340 = vector.shape_cast %get3A_339 : vector<1x16xf32> to vector<16xf32>
        %sub3A_341 = arith.subf %get3A_336, %get3A_340 : vector<16xf32>
        %mul3A_342 = arith.mulf %sub3A_341, %sub3A_341 : vector<16xf32>
        %add3A_343 = arith.addf %scan3A_253, %mul3A_342 : vector<16xf32>
        %mul3A_344 = arith.constant 4 : i32
        %mul3A_345 = arith.muli %scan3A_245, %mul3A_344 : i32
        %add3A_346 = arith.constant 1 : i32
        %add3A_347 = arith.addi %mul3A_345, %add3A_346 : i32
        %get3A_348 = arith.index_cast %add3A_347 : i32 to index
        %get3A_349 = arith.constant 0 : index
        %get3A_350 = tpu.vector_load %arg7[%get3A_348, %get3A_349] {strides = array<i32>} : memref<64x128xf32, #tpu.memory_space<vmem>>, vector<1x16xf32>,
        %get3A_351 = vector.shape_cast %get3A_350 : vector<1x16xf32> to vector<16xf32>
        %get3A_352 = arith.index_cast %add3A_347 : i32 to index
        %get3A_353 = arith.constant 0 : index
        %get3A_354 = tpu.vector_load %arg8[%get3A_352, %get3A_353] {strides = array<i32>} : memref<64x128xf32, #tpu.memory_space<vmem>>, vector<1x16xf32>,
        %get3A_355 = vector.shape_cast %get3A_354 : vector<1x16xf32> to vector<16xf32>
        %sub3A_356 = arith.subf %get3A_351, %get3A_355 : vector<16xf32>
        %mul3A_357 = arith.mulf %sub3A_356, %sub3A_356 : vector<16xf32>
        %add3A_358 = arith.addf %add3A_266, %mul3A_357 : vector<16xf32>
        %get3A_359 = arith.index_cast %add3A_347 : i32 to index
        %get3A_360 = arith.constant 16 : index
        %get3A_361 = tpu.vector_load %arg7[%get3A_359, %get3A_360] {strides = array<i32>} : memref<64x128xf32, #tpu.memory_space<vmem>>, vector<1x16xf32>,
        %get3A_362 = vector.shape_cast %get3A_361 : vector<1x16xf32> to vector<16xf32>
        %get3A_363 = arith.index_cast %add3A_347 : i32 to index
        %get3A_364 = arith.constant 16 : index
        %get3A_365 = tpu.vector_load %arg8[%get3A_363, %get3A_364] {strides = array<i32>} : memref<64x128xf32, #tpu.memory_space<vmem>>, vector<1x16xf32>,
        %get3A_366 = vector.shape_cast %get3A_365 : vector<1x16xf32> to vector<16xf32>
        %sub3A_367 = arith.subf %get3A_362, %get3A_366 : vector<16xf32>
        %mul3A_368 = arith.mulf %sub3A_367, %sub3A_367 : vector<16xf32>
        %add3A_369 = arith.addf %add3A_277, %mul3A_368 : vector<16xf32>
        %get3A_370 = arith.index_cast %add3A_347 : i32 to index
        %get3A_371 = arith.constant 32 : index
        %get3A_372 = tpu.vector_load %arg7[%get3A_370, %get3A_371] {strides = array<i32>} : memref<64x128xf32, #tpu.memory_space<vmem>>, vector<1x16xf32>,
        %get3A_373 = vector.shape_cast %get3A_372 : vector<1x16xf32> to vector<16xf32>
        %get3A_374 = arith.index_cast %add3A_347 : i32 to index
        %get3A_375 = arith.constant 32 : index
        %get3A_376 = tpu.vector_load %arg8[%get3A_374, %get3A_375] {strides = array<i32>} : memref<64x128xf32, #tpu.memory_space<vmem>>, vector<1x16xf32>,
        %get3A_377 = vector.shape_cast %get3A_376 : vector<1x16xf32> to vector<16xf32>
        %sub3A_378 = arith.subf %get3A_373, %get3A_377 : vector<16xf32>
        %mul3A_379 = arith.mulf %sub3A_378, %sub3A_378 : vector<16xf32>
        %add3A_380 = arith.addf %add3A_288, %mul3A_379 : vector<16xf32>
        %get3A_381 = arith.index_cast %add3A_347 : i32 to index
        %get3A_382 = arith.constant 48 : index
        %get3A_383 = tpu.vector_load %arg7[%get3A_381, %get3A_382] {strides = array<i32>} : memref<64x128xf32, #tpu.memory_space<vmem>>, vector<1x16xf32>,
        %get3A_384 = vector.shape_cast %get3A_383 : vector<1x16xf32> to vector<16xf32>
        %get3A_385 = arith.index_cast %add3A_347 : i32 to index
        %get3A_386 = arith.constant 48 : index
        %get3A_387 = tpu.vector_load %arg8[%get3A_385, %get3A_386] {strides = array<i32>} : memref<64x128xf32, #tpu.memory_space<vmem>>, vector<1x16xf32>,
        %get3A_388 = vector.shape_cast %get3A_387 : vector<1x16xf32> to vector<16xf32>
        %sub3A_389 = arith.subf %get3A_384, %get3A_388 : vector<16xf32>
        %mul3A_390 = arith.mulf %sub3A_389, %sub3A_389 : vector<16xf32>
        %add3A_391 = arith.addf %add3A_299, %mul3A_390 : vector<16xf32>
        %get3A_392 = arith.index_cast %add3A_347 : i32 to index
        %get3A_393 = arith.constant 64 : index
        %get3A_394 = tpu.vector_load %arg7[%get3A_392, %get3A_393] {strides = array<i32>} : memref<64x128xf32, #tpu.memory_space<vmem>>, vector<1x16xf32>,
        %get3A_395 = vector.shape_cast %get3A_394 : vector<1x16xf32> to vector<16xf32>
        %get3A_396 = arith.index_cast %add3A_347 : i32 to index
        %get3A_397 = arith.constant 64 : index
        %get3A_398 = tpu.vector_load %arg8[%get3A_396, %get3A_397] {strides = array<i32>} : memref<64x128xf32, #tpu.memory_space<vmem>>, vector<1x16xf32>,
        %get3A_399 = vector.shape_cast %get3A_398 : vector<1x16xf32> to vector<16xf32>
        %sub3A_400 = arith.subf %get3A_395, %get3A_399 : vector<16xf32>
        %mul3A_401 = arith.mulf %sub3A_400, %sub3A_400 : vector<16xf32>
        %add3A_402 = arith.addf %add3A_310, %mul3A_401 : vector<16xf32>
        %get3A_403 = arith.index_cast %add3A_347 : i32 to index
        %get3A_404 = arith.constant 80 : index
        %get3A_405 = tpu.vector_load %arg7[%get3A_403, %get3A_404] {strides = array<i32>} : memref<64x128xf32, #tpu.memory_space<vmem>>, vector<1x16xf32>,
        %get3A_406 = vector.shape_cast %get3A_405 : vector<1x16xf32> to vector<16xf32>
        %get3A_407 = arith.index_cast %add3A_347 : i32 to index
        %get3A_408 = arith.constant 80 : index
        %get3A_409 = tpu.vector_load %arg8[%get3A_407, %get3A_408] {strides = array<i32>} : memref<64x128xf32, #tpu.memory_space<vmem>>, vector<1x16xf32>,
        %get3A_410 = vector.shape_cast %get3A_409 : vector<1x16xf32> to vector<16xf32>
        %sub3A_411 = arith.subf %get3A_406, %get3A_410 : vector<16xf32>
        %mul3A_412 = arith.mulf %sub3A_411, %sub3A_411 : vector<16xf32>
        %add3A_413 = arith.addf %add3A_321, %mul3A_412 : vector<16xf32>
        %get3A_414 = arith.index_cast %add3A_347 : i32 to index
        %get3A_415 = arith.constant 96 : index
        %get3A_416 = tpu.vector_load %arg7[%get3A_414, %get3A_415] {strides = array<i32>} : memref<64x128xf32, #tpu.memory_space<vmem>>, vector<1x16xf32>,
        %get3A_417 = vector.shape_cast %get3A_416 : vector<1x16xf32> to vector<16xf32>
        %get3A_418 = arith.index_cast %add3A_347 : i32 to index
        %get3A_419 = arith.constant 96 : index
        %get3A_420 = tpu.vector_load %arg8[%get3A_418, %get3A_419] {strides = array<i32>} : memref<64x128xf32, #tpu.memory_space<vmem>>, vector<1x16xf32>,
        %get3A_421 = vector.shape_cast %get3A_420 : vector<1x16xf32> to vector<16xf32>
        %sub3A_422 = arith.subf %get3A_417, %get3A_421 : vector<16xf32>
        %mul3A_423 = arith.mulf %sub3A_422, %sub3A_422 : vector<16xf32>
        %add3A_424 = arith.addf %add3A_332, %mul3A_423 : vector<16xf32>
        %get3A_425 = arith.index_cast %add3A_347 : i32 to index
        %get3A_426 = arith.constant 112 : index
        %get3A_427 = tpu.vector_load %arg7[%get3A_425, %get3A_426] {strides = array<i32>} : memref<64x128xf32, #tpu.memory_space<vmem>>, vector<1x16xf32>,
        %get3A_428 = vector.shape_cast %get3A_427 : vector<1x16xf32> to vector<16xf32>
        %get3A_429 = arith.index_cast %add3A_347 : i32 to index
        %get3A_430 = arith.constant 112 : index
        %get3A_431 = tpu.vector_load %arg8[%get3A_429, %get3A_430] {strides = array<i32>} : memref<64x128xf32, #tpu.memory_space<vmem>>, vector<1x16xf32>,
        %get3A_432 = vector.shape_cast %get3A_431 : vector<1x16xf32> to vector<16xf32>
        %sub3A_433 = arith.subf %get3A_428, %get3A_432 : vector<16xf32>
        %mul3A_434 = arith.mulf %sub3A_433, %sub3A_433 : vector<16xf32>
        %add3A_435 = arith.addf %add3A_343, %mul3A_434 : vector<16xf32>
        %mul3A_436 = arith.constant 4 : i32
        %mul3A_437 = arith.muli %scan3A_245, %mul3A_436 : i32
        %add3A_438 = arith.constant 2 : i32
        %add3A_439 = arith.addi %mul3A_437, %add3A_438 : i32
        %get3A_440 = arith.index_cast %add3A_439 : i32 to index
        %get3A_441 = arith.constant 0 : index
        %get3A_442 = tpu.vector_load %arg7[%get3A_440, %get3A_441] {strides = array<i32>} : memref<64x128xf32, #tpu.memory_space<vmem>>, vector<1x16xf32>,
        %get3A_443 = vector.shape_cast %get3A_442 : vector<1x16xf32> to vector<16xf32>
        %get3A_444 = arith.index_cast %add3A_439 : i32 to index
        %get3A_445 = arith.constant 0 : index
        %get3A_446 = tpu.vector_load %arg8[%get3A_444, %get3A_445] {strides = array<i32>} : memref<64x128xf32, #tpu.memory_space<vmem>>, vector<1x16xf32>,
        %get3A_447 = vector.shape_cast %get3A_446 : vector<1x16xf32> to vector<16xf32>
        %sub3A_448 = arith.subf %get3A_443, %get3A_447 : vector<16xf32>
        %mul3A_449 = arith.mulf %sub3A_448, %sub3A_448 : vector<16xf32>
        %add3A_450 = arith.addf %add3A_358, %mul3A_449 : vector<16xf32>
        %get3A_451 = arith.index_cast %add3A_439 : i32 to index
        %get3A_452 = arith.constant 16 : index
        %get3A_453 = tpu.vector_load %arg7[%get3A_451, %get3A_452] {strides = array<i32>} : memref<64x128xf32, #tpu.memory_space<vmem>>, vector<1x16xf32>,
        %get3A_454 = vector.shape_cast %get3A_453 : vector<1x16xf32> to vector<16xf32>
        %get3A_455 = arith.index_cast %add3A_439 : i32 to index
        %get3A_456 = arith.constant 16 : index
        %get3A_457 = tpu.vector_load %arg8[%get3A_455, %get3A_456] {strides = array<i32>} : memref<64x128xf32, #tpu.memory_space<vmem>>, vector<1x16xf32>,
        %get3A_458 = vector.shape_cast %get3A_457 : vector<1x16xf32> to vector<16xf32>
        %sub3A_459 = arith.subf %get3A_454, %get3A_458 : vector<16xf32>
        %mul3A_460 = arith.mulf %sub3A_459, %sub3A_459 : vector<16xf32>
        %add3A_461 = arith.addf %add3A_369, %mul3A_460 : vector<16xf32>
        %get3A_462 = arith.index_cast %add3A_439 : i32 to index
        %get3A_463 = arith.constant 32 : index
        %get3A_464 = tpu.vector_load %arg7[%get3A_462, %get3A_463] {strides = array<i32>} : memref<64x128xf32, #tpu.memory_space<vmem>>, vector<1x16xf32>,
        %get3A_465 = vector.shape_cast %get3A_464 : vector<1x16xf32> to vector<16xf32>
        %get3A_466 = arith.index_cast %add3A_439 : i32 to index
        %get3A_467 = arith.constant 32 : index
        %get3A_468 = tpu.vector_load %arg8[%get3A_466, %get3A_467] {strides = array<i32>} : memref<64x128xf32, #tpu.memory_space<vmem>>, vector<1x16xf32>,
        %get3A_469 = vector.shape_cast %get3A_468 : vector<1x16xf32> to vector<16xf32>
        %sub3A_470 = arith.subf %get3A_465, %get3A_469 : vector<16xf32>
        %mul3A_471 = arith.mulf %sub3A_470, %sub3A_470 : vector<16xf32>
        %add3A_472 = arith.addf %add3A_380, %mul3A_471 : vector<16xf32>
        %get3A_473 = arith.index_cast %add3A_439 : i32 to index
        %get3A_474 = arith.constant 48 : index
        %get3A_475 = tpu.vector_load %arg7[%get3A_473, %get3A_474] {strides = array<i32>} : memref<64x128xf32, #tpu.memory_space<vmem>>, vector<1x16xf32>,
        %get3A_476 = vector.shape_cast %get3A_475 : vector<1x16xf32> to vector<16xf32>
        %get3A_477 = arith.index_cast %add3A_439 : i32 to index
        %get3A_478 = arith.constant 48 : index
        %get3A_479 = tpu.vector_load %arg8[%get3A_477, %get3A_478] {strides = array<i32>} : memref<64x128xf32, #tpu.memory_space<vmem>>, vector<1x16xf32>,
        %get3A_480 = vector.shape_cast %get3A_479 : vector<1x16xf32> to vector<16xf32>
        %sub3A_481 = arith.subf %get3A_476, %get3A_480 : vector<16xf32>
        %mul3A_482 = arith.mulf %sub3A_481, %sub3A_481 : vector<16xf32>
        %add3A_483 = arith.addf %add3A_391, %mul3A_482 : vector<16xf32>
        %get3A_484 = arith.index_cast %add3A_439 : i32 to index
        %get3A_485 = arith.constant 64 : index
        %get3A_486 = tpu.vector_load %arg7[%get3A_484, %get3A_485] {strides = array<i32>} : memref<64x128xf32, #tpu.memory_space<vmem>>, vector<1x16xf32>,
        %get3A_487 = vector.shape_cast %get3A_486 : vector<1x16xf32> to vector<16xf32>
        %get3A_488 = arith.index_cast %add3A_439 : i32 to index
        %get3A_489 = arith.constant 64 : index
        %get3A_490 = tpu.vector_load %arg8[%get3A_488, %get3A_489] {strides = array<i32>} : memref<64x128xf32, #tpu.memory_space<vmem>>, vector<1x16xf32>,
        %get3A_491 = vector.shape_cast %get3A_490 : vector<1x16xf32> to vector<16xf32>
        %sub3A_492 = arith.subf %get3A_487, %get3A_491 : vector<16xf32>
        %mul3A_493 = arith.mulf %sub3A_492, %sub3A_492 : vector<16xf32>
        %add3A_494 = arith.addf %add3A_402, %mul3A_493 : vector<16xf32>
        %get3A_495 = arith.index_cast %add3A_439 : i32 to index
        %get3A_496 = arith.constant 80 : index
        %get3A_497 = tpu.vector_load %arg7[%get3A_495, %get3A_496] {strides = array<i32>} : memref<64x128xf32, #tpu.memory_space<vmem>>, vector<1x16xf32>,
        %get3A_498 = vector.shape_cast %get3A_497 : vector<1x16xf32> to vector<16xf32>
        %get3A_499 = arith.index_cast %add3A_439 : i32 to index
        %get3A_500 = arith.constant 80 : index
        %get3A_501 = tpu.vector_load %arg8[%get3A_499, %get3A_500] {strides = array<i32>} : memref<64x128xf32, #tpu.memory_space<vmem>>, vector<1x16xf32>,
        %get3A_502 = vector.shape_cast %get3A_501 : vector<1x16xf32> to vector<16xf32>
        %sub3A_503 = arith.subf %get3A_498, %get3A_502 : vector<16xf32>
        %mul3A_504 = arith.mulf %sub3A_503, %sub3A_503 : vector<16xf32>
        %add3A_505 = arith.addf %add3A_413, %mul3A_504 : vector<16xf32>
        %get3A_506 = arith.index_cast %add3A_439 : i32 to index
        %get3A_507 = arith.constant 96 : index
        %get3A_508 = tpu.vector_load %arg7[%get3A_506, %get3A_507] {strides = array<i32>} : memref<64x128xf32, #tpu.memory_space<vmem>>, vector<1x16xf32>,
        %get3A_509 = vector.shape_cast %get3A_508 : vector<1x16xf32> to vector<16xf32>
        %get3A_510 = arith.index_cast %add3A_439 : i32 to index
        %get3A_511 = arith.constant 96 : index
        %get3A_512 = tpu.vector_load %arg8[%get3A_510, %get3A_511] {strides = array<i32>} : memref<64x128xf32, #tpu.memory_space<vmem>>, vector<1x16xf32>,
        %get3A_513 = vector.shape_cast %get3A_512 : vector<1x16xf32> to vector<16xf32>
        %sub3A_514 = arith.subf %get3A_509, %get3A_513 : vector<16xf32>
        %mul3A_515 = arith.mulf %sub3A_514, %sub3A_514 : vector<16xf32>
        %add3A_516 = arith.addf %add3A_424, %mul3A_515 : vector<16xf32>
        %get3A_517 = arith.index_cast %add3A_439 : i32 to index
        %get3A_518 = arith.constant 112 : index
        %get3A_519 = tpu.vector_load %arg7[%get3A_517, %get3A_518] {strides = array<i32>} : memref<64x128xf32, #tpu.memory_space<vmem>>, vector<1x16xf32>,
        %get3A_520 = vector.shape_cast %get3A_519 : vector<1x16xf32> to vector<16xf32>
        %get3A_521 = arith.index_cast %add3A_439 : i32 to index
        %get3A_522 = arith.constant 112 : index
        %get3A_523 = tpu.vector_load %arg8[%get3A_521, %get3A_522] {strides = array<i32>} : memref<64x128xf32, #tpu.memory_space<vmem>>, vector<1x16xf32>,
        %get3A_524 = vector.shape_cast %get3A_523 : vector<1x16xf32> to vector<16xf32>
        %sub3A_525 = arith.subf %get3A_520, %get3A_524 : vector<16xf32>
        %mul3A_526 = arith.mulf %sub3A_525, %sub3A_525 : vector<16xf32>
        %add3A_527 = arith.addf %add3A_435, %mul3A_526 : vector<16xf32>
        %mul3A_528 = arith.constant 4 : i32
        %mul3A_529 = arith.muli %scan3A_245, %mul3A_528 : i32
        %add3A_530 = arith.constant 3 : i32
        %add3A_531 = arith.addi %mul3A_529, %add3A_530 : i32
        %get3A_532 = arith.index_cast %add3A_531 : i32 to index
        %get3A_533 = arith.constant 0 : index
        %get3A_534 = tpu.vector_load %arg7[%get3A_532, %get3A_533] {strides = array<i32>} : memref<64x128xf32, #tpu.memory_space<vmem>>, vector<1x16xf32>,
        %get3A_535 = vector.shape_cast %get3A_534 : vector<1x16xf32> to vector<16xf32>
        %get3A_536 = arith.index_cast %add3A_531 : i32 to index
        %get3A_537 = arith.constant 0 : index
        %get3A_538 = tpu.vector_load %arg8[%get3A_536, %get3A_537] {strides = array<i32>} : memref<64x128xf32, #tpu.memory_space<vmem>>, vector<1x16xf32>,
        %get3A_539 = vector.shape_cast %get3A_538 : vector<1x16xf32> to vector<16xf32>
        %sub3A_540 = arith.subf %get3A_535, %get3A_539 : vector<16xf32>
        %mul3A_541 = arith.mulf %sub3A_540, %sub3A_540 : vector<16xf32>
        %add3A_542 = arith.addf %add3A_450, %mul3A_541 : vector<16xf32>
        %get3A_543 = arith.index_cast %add3A_531 : i32 to index
        %get3A_544 = arith.constant 16 : index
        %get3A_545 = tpu.vector_load %arg7[%get3A_543, %get3A_544] {strides = array<i32>} : memref<64x128xf32, #tpu.memory_space<vmem>>, vector<1x16xf32>,
        %get3A_546 = vector.shape_cast %get3A_545 : vector<1x16xf32> to vector<16xf32>
        %get3A_547 = arith.index_cast %add3A_531 : i32 to index
        %get3A_548 = arith.constant 16 : index
        %get3A_549 = tpu.vector_load %arg8[%get3A_547, %get3A_548] {strides = array<i32>} : memref<64x128xf32, #tpu.memory_space<vmem>>, vector<1x16xf32>,
        %get3A_550 = vector.shape_cast %get3A_549 : vector<1x16xf32> to vector<16xf32>
        %sub3A_551 = arith.subf %get3A_546, %get3A_550 : vector<16xf32>
        %mul3A_552 = arith.mulf %sub3A_551, %sub3A_551 : vector<16xf32>
        %add3A_553 = arith.addf %add3A_461, %mul3A_552 : vector<16xf32>
        %get3A_554 = arith.index_cast %add3A_531 : i32 to index
        %get3A_555 = arith.constant 32 : index
        %get3A_556 = tpu.vector_load %arg7[%get3A_554, %get3A_555] {strides = array<i32>} : memref<64x128xf32, #tpu.memory_space<vmem>>, vector<1x16xf32>,
        %get3A_557 = vector.shape_cast %get3A_556 : vector<1x16xf32> to vector<16xf32>
        %get3A_558 = arith.index_cast %add3A_531 : i32 to index
        %get3A_559 = arith.constant 32 : index
        %get3A_560 = tpu.vector_load %arg8[%get3A_558, %get3A_559] {strides = array<i32>} : memref<64x128xf32, #tpu.memory_space<vmem>>, vector<1x16xf32>,
        %get3A_561 = vector.shape_cast %get3A_560 : vector<1x16xf32> to vector<16xf32>
        %sub3A_562 = arith.subf %get3A_557, %get3A_561 : vector<16xf32>
        %mul3A_563 = arith.mulf %sub3A_562, %sub3A_562 : vector<16xf32>
        %add3A_564 = arith.addf %add3A_472, %mul3A_563 : vector<16xf32>
        %get3A_565 = arith.index_cast %add3A_531 : i32 to index
        %get3A_566 = arith.constant 48 : index
        %get3A_567 = tpu.vector_load %arg7[%get3A_565, %get3A_566] {strides = array<i32>} : memref<64x128xf32, #tpu.memory_space<vmem>>, vector<1x16xf32>,
        %get3A_568 = vector.shape_cast %get3A_567 : vector<1x16xf32> to vector<16xf32>
        %get3A_569 = arith.index_cast %add3A_531 : i32 to index
        %get3A_570 = arith.constant 48 : index
        %get3A_571 = tpu.vector_load %arg8[%get3A_569, %get3A_570] {strides = array<i32>} : memref<64x128xf32, #tpu.memory_space<vmem>>, vector<1x16xf32>,
        %get3A_572 = vector.shape_cast %get3A_571 : vector<1x16xf32> to vector<16xf32>
        %sub3A_573 = arith.subf %get3A_568, %get3A_572 : vector<16xf32>
        %mul3A_574 = arith.mulf %sub3A_573, %sub3A_573 : vector<16xf32>
        %add3A_575 = arith.addf %add3A_483, %mul3A_574 : vector<16xf32>
        %get3A_576 = arith.index_cast %add3A_531 : i32 to index
        %get3A_577 = arith.constant 64 : index
        %get3A_578 = tpu.vector_load %arg7[%get3A_576, %get3A_577] {strides = array<i32>} : memref<64x128xf32, #tpu.memory_space<vmem>>, vector<1x16xf32>,
        %get3A_579 = vector.shape_cast %get3A_578 : vector<1x16xf32> to vector<16xf32>
        %get3A_580 = arith.index_cast %add3A_531 : i32 to index
        %get3A_581 = arith.constant 64 : index
        %get3A_582 = tpu.vector_load %arg8[%get3A_580, %get3A_581] {strides = array<i32>} : memref<64x128xf32, #tpu.memory_space<vmem>>, vector<1x16xf32>,
        %get3A_583 = vector.shape_cast %get3A_582 : vector<1x16xf32> to vector<16xf32>
        %sub3A_584 = arith.subf %get3A_579, %get3A_583 : vector<16xf32>
        %mul3A_585 = arith.mulf %sub3A_584, %sub3A_584 : vector<16xf32>
        %add3A_586 = arith.addf %add3A_494, %mul3A_585 : vector<16xf32>
        %get3A_587 = arith.index_cast %add3A_531 : i32 to index
        %get3A_588 = arith.constant 80 : index
        %get3A_589 = tpu.vector_load %arg7[%get3A_587, %get3A_588] {strides = array<i32>} : memref<64x128xf32, #tpu.memory_space<vmem>>, vector<1x16xf32>,
        %get3A_590 = vector.shape_cast %get3A_589 : vector<1x16xf32> to vector<16xf32>
        %get3A_591 = arith.index_cast %add3A_531 : i32 to index
        %get3A_592 = arith.constant 80 : index
        %get3A_593 = tpu.vector_load %arg8[%get3A_591, %get3A_592] {strides = array<i32>} : memref<64x128xf32, #tpu.memory_space<vmem>>, vector<1x16xf32>,
        %get3A_594 = vector.shape_cast %get3A_593 : vector<1x16xf32> to vector<16xf32>
        %sub3A_595 = arith.subf %get3A_590, %get3A_594 : vector<16xf32>
        %mul3A_596 = arith.mulf %sub3A_595, %sub3A_595 : vector<16xf32>
        %add3A_597 = arith.addf %add3A_505, %mul3A_596 : vector<16xf32>
        %get3A_598 = arith.index_cast %add3A_531 : i32 to index
        %get3A_599 = arith.constant 96 : index
        %get3A_600 = tpu.vector_load %arg7[%get3A_598, %get3A_599] {strides = array<i32>} : memref<64x128xf32, #tpu.memory_space<vmem>>, vector<1x16xf32>,
        %get3A_601 = vector.shape_cast %get3A_600 : vector<1x16xf32> to vector<16xf32>
        %get3A_602 = arith.index_cast %add3A_531 : i32 to index
        %get3A_603 = arith.constant 96 : index
        %get3A_604 = tpu.vector_load %arg8[%get3A_602, %get3A_603] {strides = array<i32>} : memref<64x128xf32, #tpu.memory_space<vmem>>, vector<1x16xf32>,
        %get3A_605 = vector.shape_cast %get3A_604 : vector<1x16xf32> to vector<16xf32>
        %sub3A_606 = arith.subf %get3A_601, %get3A_605 : vector<16xf32>
        %mul3A_607 = arith.mulf %sub3A_606, %sub3A_606 : vector<16xf32>
        %add3A_608 = arith.addf %add3A_516, %mul3A_607 : vector<16xf32>
        %get3A_609 = arith.index_cast %add3A_531 : i32 to index
        %get3A_610 = arith.constant 112 : index
        %get3A_611 = tpu.vector_load %arg7[%get3A_609, %get3A_610] {strides = array<i32>} : memref<64x128xf32, #tpu.memory_space<vmem>>, vector<1x16xf32>,
        %get3A_612 = vector.shape_cast %get3A_611 : vector<1x16xf32> to vector<16xf32>
        %get3A_613 = arith.index_cast %add3A_531 : i32 to index
        %get3A_614 = arith.constant 112 : index
        %get3A_615 = tpu.vector_load %arg8[%get3A_613, %get3A_614] {strides = array<i32>} : memref<64x128xf32, #tpu.memory_space<vmem>>, vector<1x16xf32>,
        %get3A_616 = vector.shape_cast %get3A_615 : vector<1x16xf32> to vector<16xf32>
        %sub3A_617 = arith.subf %get3A_612, %get3A_616 : vector<16xf32>
        %mul3A_618 = arith.mulf %sub3A_617, %sub3A_617 : vector<16xf32>
        %add3A_619 = arith.addf %add3A_527, %mul3A_618 : vector<16xf32>
        scf.yield %add3A_542, %add3A_553, %add3A_564, %add3A_575, %add3A_586, %add3A_597, %add3A_608, %add3A_619 : vector<16xf32>, vector<16xf32>, vector<16xf32>, vector<16xf32>, vector<16xf32>, vector<16xf32>, vector<16xf32>, vector<16xf32>
      }
      %scan3A_135 = arith.constant 16 : i32
      %add3A_136 = arith.constant 4 : i32
      %add3A_137 = arith.addi %add3A_112, %add3A_136 : i32
      %lt3A = arith.constant 100 : i32
      %lt3A_138 = arith.cmpi slt, %add3A_137, %lt3A : i32
      %convert_element_type3A = arith.extui %lt3A_138 : i1 to i32
      %cond3A = arith.constant 0 : i32
      %cond3A_139 = arith.cmpi ne, %convert_element_type3A, %cond3A : i32
      scf.if %cond3A_139 {
        %add3A_245 = arith.constant 4 : i32
        %add3A_246 = arith.addi %add3A_112, %add3A_245 : i32
        %jit3A = arith.constant 2 : i32
        %div3A = arith.divsi %add3A_246, %jit3A : i32
        %sign3A = arith.constant 0 : i32
        %sign3A_247 = arith.cmpi sgt, %add3A_246, %sign3A : i32
        %sign3A_248 = arith.extui %sign3A_247 : i1 to i32
        %sign3A_249 = arith.constant 0 : i32
        %sign3A_250 = arith.cmpi slt, %add3A_246, %sign3A_249 : i32
        %sign3A_251 = arith.extui %sign3A_250 : i1 to i32
        %sign3A_252 = arith.subi %sign3A_248, %sign3A_251 : i32
        %sign3A_253 = arith.constant 0 : i32
        %sign3A_254 = arith.cmpi sgt, %jit3A, %sign3A_253 : i32
        %sign3A_255 = arith.extui %sign3A_254 : i1 to i32
        %sign3A_256 = arith.constant 0 : i32
        %sign3A_257 = arith.cmpi slt, %jit3A, %sign3A_256 : i32
        %sign3A_258 = arith.extui %sign3A_257 : i1 to i32
        %sign3A_259 = arith.subi %sign3A_255, %sign3A_258 : i32
        %ne3A = arith.cmpi ne, %sign3A_252, %sign3A_259 : i32
        %rem3A = arith.remsi %add3A_246, %jit3A : i32
        %ne3A_260 = arith.constant 0 : i32
        %ne3A_261 = arith.cmpi ne, %rem3A, %ne3A_260 : i32
        %and3A = arith.andi %ne3A, %ne3A_261 : i1
        %sub3A = arith.constant 1 : i32
        %sub3A_262 = arith.subi %div3A, %sub3A : i32
        %select_n3A = arith.select %and3A, %sub3A_262, %div3A : i32
        %jit3A_263 = arith.constant 2 : i32
        %eq3A = arith.constant 0 : i32
        %eq3A_264 = arith.cmpi eq, %jit3A_263, %eq3A : i32
        %jit3A_265 = arith.constant 1 : i32
        %select_n3A_266 = arith.select %eq3A_264, %jit3A_265, %jit3A_263 : i32
        %rem3A_267 = arith.remsi %add3A_246, %select_n3A_266 : i32
        %ne3A_268 = arith.constant 0 : i32
        %ne3A_269 = arith.cmpi ne, %rem3A_267, %ne3A_268 : i32
        %lt3A_270 = arith.constant 0 : i32
        %lt3A_271 = arith.cmpi slt, %rem3A_267, %lt3A_270 : i32
        %lt3A_272 = arith.constant 0 : i32
        %lt3A_273 = arith.cmpi slt, %select_n3A_266, %lt3A_272 : i32
        %ne3A_274 = arith.xori %lt3A_271, %lt3A_273 : i1
        %and3A_275 = arith.andi %ne3A_274, %ne3A_269 : i1
        %add3A_276 = arith.addi %rem3A_267, %select_n3A_266 : i32
        %select_n3A_277 = arith.select %and3A_275, %add3A_276, %rem3A_267 : i32
        %mul3A_278 = arith.constant 64 : i32
        %mul3A_279 = arith.muli %select_n3A_277, %mul3A_278 : i32
        %add3A_280 = arith.addi %multiple_of3A, %mul3A_279 : i32
        %multiple_of3A_281 = tpu.assume_multiple %add3A_280, 64 : i32
        %jit3A_282 = arith.constant 2 : i32
        %eq3A_283 = arith.constant 0 : i32
        %eq3A_284 = arith.cmpi eq, %jit3A_282, %eq3A_283 : i32
        %jit3A_285 = arith.constant 1 : i32
        %select_n3A_286 = arith.select %eq3A_284, %jit3A_285, %jit3A_282 : i32
        %rem3A_287 = arith.remsi %add3A_246, %select_n3A_286 : i32
        %ne3A_288 = arith.constant 0 : i32
        %ne3A_289 = arith.cmpi ne, %rem3A_287, %ne3A_288 : i32
        %lt3A_290 = arith.constant 0 : i32
        %lt3A_291 = arith.cmpi slt, %rem3A_287, %lt3A_290 : i32
        %lt3A_292 = arith.constant 0 : i32
        %lt3A_293 = arith.cmpi slt, %select_n3A_286, %lt3A_292 : i32
        %ne3A_294 = arith.xori %lt3A_291, %lt3A_293 : i1
        %and3A_295 = arith.andi %ne3A_294, %ne3A_289 : i1
        %add3A_296 = arith.addi %rem3A_287, %select_n3A_286 : i32
        %select_n3A_297 = arith.select %and3A_295, %add3A_296, %rem3A_287 : i32
        %mul3A_298 = arith.constant 64 : i32
        %mul3A_299 = arith.muli %select_n3A_297, %mul3A_298 : i32
        %dma_start3A_300 = tpu.memref_slice %arg6[%select_n3A, %mul3A_299] : memref<50x128xi32, #tpu.memory_space<vmem>> -> memref<1x64xi32, #tpu.memory_space<vmem>>
        %dma_start3A_301 = tpu.memref_squeeze %dma_start3A_300 : memref<1x64xi32, #tpu.memory_space<vmem>> -> memref<64xi32, #tpu.memory_space<vmem>>
        %dma_start3A_302 = arith.constant 0 : i32
        %dma_start3A_303 = arith.constant 0 : i32
        %dma_start3A_304 = tpu.memref_slice %arg4[%dma_start3A_302, %dma_start3A_303] : memref<100000x128xf32, #tpu.memory_space<hbm>> -> memref<100000x128xf32, #tpu.memory_space<hbm>>
        tpu.enqueue_indirect_dma source(%dma_start3A_304 : memref<100000x128xf32, #tpu.memory_space<hbm>>) target(%arg8 : memref<64x128xf32, #tpu.memory_space<vmem>>) offsets(%dma_start3A_301 : memref<64xi32, #tpu.memory_space<vmem>>) semaphore(%arg17 : memref<!tpu.dma_semaphore, #tpu.memory_space<semaphore_mem>>)
        %dma_start3A_305 = arith.constant 0 : i32
        %dma_start3A_306 = tpu.memref_slice %arg2[%select_n3A, %multiple_of3A_281, %dma_start3A_305] : memref<50x4096x128xf32, #tpu.memory_space<hbm>> -> memref<1x64x128xf32, #tpu.memory_space<hbm>>
        %dma_start3A_307 = tpu.memref_squeeze %dma_start3A_306 : memref<1x64x128xf32, #tpu.memory_space<hbm>> -> memref<64x128xf32, #tpu.memory_space<hbm>>
        %dma_start3A_308 = arith.constant 0 : i32
        %dma_start3A_309 = tpu.memref_slice %arg2[%select_n3A, %multiple_of3A_281, %dma_start3A_308] : memref<50x4096x128xf32, #tpu.memory_space<hbm>> -> memref<1x64x128xf32, #tpu.memory_space<hbm>>
        %dma_start3A_310 = tpu.memref_squeeze %dma_start3A_309 : memref<1x64x128xf32, #tpu.memory_space<hbm>> -> memref<64x128xf32, #tpu.memory_space<hbm>>
        tpu.enqueue_dma source(%dma_start3A_310 : memref<64x128xf32, #tpu.memory_space<hbm>>) target(%arg7 : memref<64x128xf32, #tpu.memory_space<vmem>>) target_semaphore(%arg16 : memref<!tpu.dma_semaphore, #tpu.memory_space<semaphore_mem>>)
      } else {
      }
      %mul3A_140 = arith.constant 4 : i32
      %mul3A_141 = arith.muli %scan3A_100, %mul3A_140 : i32
      %add3A_142 = arith.constant 1 : i32
      %add3A_143 = arith.addi %mul3A_141, %add3A_142 : i32
      %dma_wait3A_144 = arith.constant 0 : i32
      %dma_wait3A_145 = arith.constant 0 : i32
      %dma_wait3A_146 = arith.constant 0 : i32
      %dma_wait3A_147 = tpu.memref_slice %arg2[%dma_wait3A_144, %dma_wait3A_145, %dma_wait3A_146] : memref<50x4096x128xf32, #tpu.memory_space<hbm>> -> memref<1x64x128xf32, #tpu.memory_space<hbm>>
      %dma_wait3A_148 = tpu.memref_squeeze %dma_wait3A_147 : memref<1x64x128xf32, #tpu.memory_space<hbm>> -> memref<64x128xf32, #tpu.memory_space<hbm>>
      %dma_wait3A_149 = arith.constant 0 : i32
      %dma_wait3A_150 = arith.constant 0 : i32
      %dma_wait3A_151 = tpu.memref_slice %arg2[%dma_wait3A_144, %dma_wait3A_149, %dma_wait3A_150] : memref<50x4096x128xf32, #tpu.memory_space<hbm>> -> memref<1x64x128xf32, #tpu.memory_space<hbm>>
      %dma_wait3A_152 = tpu.memref_squeeze %dma_wait3A_151 : memref<1x64x128xf32, #tpu.memory_space<hbm>> -> memref<64x128xf32, #tpu.memory_space<hbm>>
      tpu.wait_dma2 semaphore(%arg18 : memref<!tpu.dma_semaphore, #tpu.memory_space<semaphore_mem>>) src(%dma_wait3A_152 : memref<64x128xf32, #tpu.memory_space<hbm>>) dst(%arg9 : memref<64x128xf32, #tpu.memory_space<vmem>>)
      %dma_wait3A_153 = arith.constant 0 : i32
      %dma_wait3A_154 = arith.constant 0 : i32
      %dma_wait3A_155 = arith.constant 0 : i32
      %dma_wait3A_156 = tpu.memref_slice %arg2[%dma_wait3A_153, %dma_wait3A_154, %dma_wait3A_155] : memref<50x4096x128xf32, #tpu.memory_space<hbm>> -> memref<1x64x128xf32, #tpu.memory_space<hbm>>
      %dma_wait3A_157 = tpu.memref_squeeze %dma_wait3A_156 : memref<1x64x128xf32, #tpu.memory_space<hbm>> -> memref<64x128xf32, #tpu.memory_space<hbm>>
      %dma_wait3A_158 = arith.constant 0 : i32
      %dma_wait3A_159 = arith.constant 0 : i32
      %dma_wait3A_160 = tpu.memref_slice %arg2[%dma_wait3A_153, %dma_wait3A_158, %dma_wait3A_159] : memref<50x4096x128xf32, #tpu.memory_space<hbm>> -> memref<1x64x128xf32, #tpu.memory_space<hbm>>
      %dma_wait3A_161 = tpu.memref_squeeze %dma_wait3A_160 : memref<1x64x128xf32, #tpu.memory_space<hbm>> -> memref<64x128xf32, #tpu.memory_space<hbm>>
      tpu.wait_dma2 semaphore(%arg19 : memref<!tpu.dma_semaphore, #tpu.memory_space<semaphore_mem>>) src(%dma_wait3A_161 : memref<64x128xf32, #tpu.memory_space<hbm>>) dst(%arg10 : memref<64x128xf32, #tpu.memory_space<vmem>>)
      %scan3A_162 = arith.constant 0 : i32
      %scan3A_163 = arith.constant 16 : i32
      %scan3A_164 = arith.addi %scan3A_162, %scan3A_163 : i32
      %scan3A_165 = arith.constant 1 : i32
      %scan3A_166:8 = scf.for %scan3A_245 = %scan3A_162 to %scan3A_164 step %scan3A_165 iter_args(%scan3A_246 = %scan3A_134#0, %scan3A_247 = %scan3A_134#1, %scan3A_248 = %scan3A_134#2, %scan3A_249 = %scan3A_134#3, %scan3A_250 = %scan3A_134#4, %scan3A_251 = %scan3A_134#5, %scan3A_252 = %scan3A_134#6, %scan3A_253 = %scan3A_134#7) -> (vector<16xf32>, vector<16xf32>, vector<16xf32>, vector<16xf32>, vector<16xf32>, vector<16xf32>, vector<16xf32>, vector<16xf32>)  : i32 {
        %mul3A_254 = arith.constant 4 : i32
        %mul3A_255 = arith.muli %scan3A_245, %mul3A_254 : i32
        %add3A_256 = arith.constant 0 : i32
        %add3A_257 = arith.addi %mul3A_255, %add3A_256 : i32
        %get3A = arith.index_cast %add3A_257 : i32 to index
        %get3A_258 = arith.constant 0 : index
        %get3A_259 = tpu.vector_load %arg9[%get3A, %get3A_258] {strides = array<i32>} : memref<64x128xf32, #tpu.memory_space<vmem>>, vector<1x16xf32>,
        %get3A_260 = vector.shape_cast %get3A_259 : vector<1x16xf32> to vector<16xf32>
        %get3A_261 = arith.index_cast %add3A_257 : i32 to index
        %get3A_262 = arith.constant 0 : index
        %get3A_263 = tpu.vector_load %arg10[%get3A_261, %get3A_262] {strides = array<i32>} : memref<64x128xf32, #tpu.memory_space<vmem>>, vector<1x16xf32>,
        %get3A_264 = vector.shape_cast %get3A_263 : vector<1x16xf32> to vector<16xf32>
        %sub3A = arith.subf %get3A_260, %get3A_264 : vector<16xf32>
        %mul3A_265 = arith.mulf %sub3A, %sub3A : vector<16xf32>
        %add3A_266 = arith.addf %scan3A_246, %mul3A_265 : vector<16xf32>
        %get3A_267 = arith.index_cast %add3A_257 : i32 to index
        %get3A_268 = arith.constant 16 : index
        %get3A_269 = tpu.vector_load %arg9[%get3A_267, %get3A_268] {strides = array<i32>} : memref<64x128xf32, #tpu.memory_space<vmem>>, vector<1x16xf32>,
        %get3A_270 = vector.shape_cast %get3A_269 : vector<1x16xf32> to vector<16xf32>
        %get3A_271 = arith.index_cast %add3A_257 : i32 to index
        %get3A_272 = arith.constant 16 : index
        %get3A_273 = tpu.vector_load %arg10[%get3A_271, %get3A_272] {strides = array<i32>} : memref<64x128xf32, #tpu.memory_space<vmem>>, vector<1x16xf32>,
        %get3A_274 = vector.shape_cast %get3A_273 : vector<1x16xf32> to vector<16xf32>
        %sub3A_275 = arith.subf %get3A_270, %get3A_274 : vector<16xf32>
        %mul3A_276 = arith.mulf %sub3A_275, %sub3A_275 : vector<16xf32>
        %add3A_277 = arith.addf %scan3A_247, %mul3A_276 : vector<16xf32>
        %get3A_278 = arith.index_cast %add3A_257 : i32 to index
        %get3A_279 = arith.constant 32 : index
        %get3A_280 = tpu.vector_load %arg9[%get3A_278, %get3A_279] {strides = array<i32>} : memref<64x128xf32, #tpu.memory_space<vmem>>, vector<1x16xf32>,
        %get3A_281 = vector.shape_cast %get3A_280 : vector<1x16xf32> to vector<16xf32>
        %get3A_282 = arith.index_cast %add3A_257 : i32 to index
        %get3A_283 = arith.constant 32 : index
        %get3A_284 = tpu.vector_load %arg10[%get3A_282, %get3A_283] {strides = array<i32>} : memref<64x128xf32, #tpu.memory_space<vmem>>, vector<1x16xf32>,
        %get3A_285 = vector.shape_cast %get3A_284 : vector<1x16xf32> to vector<16xf32>
        %sub3A_286 = arith.subf %get3A_281, %get3A_285 : vector<16xf32>
        %mul3A_287 = arith.mulf %sub3A_286, %sub3A_286 : vector<16xf32>
        %add3A_288 = arith.addf %scan3A_248, %mul3A_287 : vector<16xf32>
        %get3A_289 = arith.index_cast %add3A_257 : i32 to index
        %get3A_290 = arith.constant 48 : index
        %get3A_291 = tpu.vector_load %arg9[%get3A_289, %get3A_290] {strides = array<i32>} : memref<64x128xf32, #tpu.memory_space<vmem>>, vector<1x16xf32>,
        %get3A_292 = vector.shape_cast %get3A_291 : vector<1x16xf32> to vector<16xf32>
        %get3A_293 = arith.index_cast %add3A_257 : i32 to index
        %get3A_294 = arith.constant 48 : index
        %get3A_295 = tpu.vector_load %arg10[%get3A_293, %get3A_294] {strides = array<i32>} : memref<64x128xf32, #tpu.memory_space<vmem>>, vector<1x16xf32>,
        %get3A_296 = vector.shape_cast %get3A_295 : vector<1x16xf32> to vector<16xf32>
        %sub3A_297 = arith.subf %get3A_292, %get3A_296 : vector<16xf32>
        %mul3A_298 = arith.mulf %sub3A_297, %sub3A_297 : vector<16xf32>
        %add3A_299 = arith.addf %scan3A_249, %mul3A_298 : vector<16xf32>
        %get3A_300 = arith.index_cast %add3A_257 : i32 to index
        %get3A_301 = arith.constant 64 : index
        %get3A_302 = tpu.vector_load %arg9[%get3A_300, %get3A_301] {strides = array<i32>} : memref<64x128xf32, #tpu.memory_space<vmem>>, vector<1x16xf32>,
        %get3A_303 = vector.shape_cast %get3A_302 : vector<1x16xf32> to vector<16xf32>
        %get3A_304 = arith.index_cast %add3A_257 : i32 to index
        %get3A_305 = arith.constant 64 : index
        %get3A_306 = tpu.vector_load %arg10[%get3A_304, %get3A_305] {strides = array<i32>} : memref<64x128xf32, #tpu.memory_space<vmem>>, vector<1x16xf32>,
        %get3A_307 = vector.shape_cast %get3A_306 : vector<1x16xf32> to vector<16xf32>
        %sub3A_308 = arith.subf %get3A_303, %get3A_307 : vector<16xf32>
        %mul3A_309 = arith.mulf %sub3A_308, %sub3A_308 : vector<16xf32>
        %add3A_310 = arith.addf %scan3A_250, %mul3A_309 : vector<16xf32>
        %get3A_311 = arith.index_cast %add3A_257 : i32 to index
        %get3A_312 = arith.constant 80 : index
        %get3A_313 = tpu.vector_load %arg9[%get3A_311, %get3A_312] {strides = array<i32>} : memref<64x128xf32, #tpu.memory_space<vmem>>, vector<1x16xf32>,
        %get3A_314 = vector.shape_cast %get3A_313 : vector<1x16xf32> to vector<16xf32>
        %get3A_315 = arith.index_cast %add3A_257 : i32 to index
        %get3A_316 = arith.constant 80 : index
        %get3A_317 = tpu.vector_load %arg10[%get3A_315, %get3A_316] {strides = array<i32>} : memref<64x128xf32, #tpu.memory_space<vmem>>, vector<1x16xf32>,
        %get3A_318 = vector.shape_cast %get3A_317 : vector<1x16xf32> to vector<16xf32>
        %sub3A_319 = arith.subf %get3A_314, %get3A_318 : vector<16xf32>
        %mul3A_320 = arith.mulf %sub3A_319, %sub3A_319 : vector<16xf32>
        %add3A_321 = arith.addf %scan3A_251, %mul3A_320 : vector<16xf32>
        %get3A_322 = arith.index_cast %add3A_257 : i32 to index
        %get3A_323 = arith.constant 96 : index
        %get3A_324 = tpu.vector_load %arg9[%get3A_322, %get3A_323] {strides = array<i32>} : memref<64x128xf32, #tpu.memory_space<vmem>>, vector<1x16xf32>,
        %get3A_325 = vector.shape_cast %get3A_324 : vector<1x16xf32> to vector<16xf32>
        %get3A_326 = arith.index_cast %add3A_257 : i32 to index
        %get3A_327 = arith.constant 96 : index
        %get3A_328 = tpu.vector_load %arg10[%get3A_326, %get3A_327] {strides = array<i32>} : memref<64x128xf32, #tpu.memory_space<vmem>>, vector<1x16xf32>,
        %get3A_329 = vector.shape_cast %get3A_328 : vector<1x16xf32> to vector<16xf32>
        %sub3A_330 = arith.subf %get3A_325, %get3A_329 : vector<16xf32>
        %mul3A_331 = arith.mulf %sub3A_330, %sub3A_330 : vector<16xf32>
        %add3A_332 = arith.addf %scan3A_252, %mul3A_331 : vector<16xf32>
        %get3A_333 = arith.index_cast %add3A_257 : i32 to index
        %get3A_334 = arith.constant 112 : index
        %get3A_335 = tpu.vector_load %arg9[%get3A_333, %get3A_334] {strides = array<i32>} : memref<64x128xf32, #tpu.memory_space<vmem>>, vector<1x16xf32>,
        %get3A_336 = vector.shape_cast %get3A_335 : vector<1x16xf32> to vector<16xf32>
        %get3A_337 = arith.index_cast %add3A_257 : i32 to index
        %get3A_338 = arith.constant 112 : index
        %get3A_339 = tpu.vector_load %arg10[%get3A_337, %get3A_338] {strides = array<i32>} : memref<64x128xf32, #tpu.memory_space<vmem>>, vector<1x16xf32>,
        %get3A_340 = vector.shape_cast %get3A_339 : vector<1x16xf32> to vector<16xf32>
        %sub3A_341 = arith.subf %get3A_336, %get3A_340 : vector<16xf32>
        %mul3A_342 = arith.mulf %sub3A_341, %sub3A_341 : vector<16xf32>
        %add3A_343 = arith.addf %scan3A_253, %mul3A_342 : vector<16xf32>
        %mul3A_344 = arith.constant 4 : i32
        %mul3A_345 = arith.muli %scan3A_245, %mul3A_344 : i32
        %add3A_346 = arith.constant 1 : i32
        %add3A_347 = arith.addi %mul3A_345, %add3A_346 : i32
        %get3A_348 = arith.index_cast %add3A_347 : i32 to index
        %get3A_349 = arith.constant 0 : index
        %get3A_350 = tpu.vector_load %arg9[%get3A_348, %get3A_349] {strides = array<i32>} : memref<64x128xf32, #tpu.memory_space<vmem>>, vector<1x16xf32>,
        %get3A_351 = vector.shape_cast %get3A_350 : vector<1x16xf32> to vector<16xf32>
        %get3A_352 = arith.index_cast %add3A_347 : i32 to index
        %get3A_353 = arith.constant 0 : index
        %get3A_354 = tpu.vector_load %arg10[%get3A_352, %get3A_353] {strides = array<i32>} : memref<64x128xf32, #tpu.memory_space<vmem>>, vector<1x16xf32>,
        %get3A_355 = vector.shape_cast %get3A_354 : vector<1x16xf32> to vector<16xf32>
        %sub3A_356 = arith.subf %get3A_351, %get3A_355 : vector<16xf32>
        %mul3A_357 = arith.mulf %sub3A_356, %sub3A_356 : vector<16xf32>
        %add3A_358 = arith.addf %add3A_266, %mul3A_357 : vector<16xf32>
        %get3A_359 = arith.index_cast %add3A_347 : i32 to index
        %get3A_360 = arith.constant 16 : index
        %get3A_361 = tpu.vector_load %arg9[%get3A_359, %get3A_360] {strides = array<i32>} : memref<64x128xf32, #tpu.memory_space<vmem>>, vector<1x16xf32>,
        %get3A_362 = vector.shape_cast %get3A_361 : vector<1x16xf32> to vector<16xf32>
        %get3A_363 = arith.index_cast %add3A_347 : i32 to index
        %get3A_364 = arith.constant 16 : index
        %get3A_365 = tpu.vector_load %arg10[%get3A_363, %get3A_364] {strides = array<i32>} : memref<64x128xf32, #tpu.memory_space<vmem>>, vector<1x16xf32>,
        %get3A_366 = vector.shape_cast %get3A_365 : vector<1x16xf32> to vector<16xf32>
        %sub3A_367 = arith.subf %get3A_362, %get3A_366 : vector<16xf32>
        %mul3A_368 = arith.mulf %sub3A_367, %sub3A_367 : vector<16xf32>
        %add3A_369 = arith.addf %add3A_277, %mul3A_368 : vector<16xf32>
        %get3A_370 = arith.index_cast %add3A_347 : i32 to index
        %get3A_371 = arith.constant 32 : index
        %get3A_372 = tpu.vector_load %arg9[%get3A_370, %get3A_371] {strides = array<i32>} : memref<64x128xf32, #tpu.memory_space<vmem>>, vector<1x16xf32>,
        %get3A_373 = vector.shape_cast %get3A_372 : vector<1x16xf32> to vector<16xf32>
        %get3A_374 = arith.index_cast %add3A_347 : i32 to index
        %get3A_375 = arith.constant 32 : index
        %get3A_376 = tpu.vector_load %arg10[%get3A_374, %get3A_375] {strides = array<i32>} : memref<64x128xf32, #tpu.memory_space<vmem>>, vector<1x16xf32>,
        %get3A_377 = vector.shape_cast %get3A_376 : vector<1x16xf32> to vector<16xf32>
        %sub3A_378 = arith.subf %get3A_373, %get3A_377 : vector<16xf32>
        %mul3A_379 = arith.mulf %sub3A_378, %sub3A_378 : vector<16xf32>
        %add3A_380 = arith.addf %add3A_288, %mul3A_379 : vector<16xf32>
        %get3A_381 = arith.index_cast %add3A_347 : i32 to index
        %get3A_382 = arith.constant 48 : index
        %get3A_383 = tpu.vector_load %arg9[%get3A_381, %get3A_382] {strides = array<i32>} : memref<64x128xf32, #tpu.memory_space<vmem>>, vector<1x16xf32>,
        %get3A_384 = vector.shape_cast %get3A_383 : vector<1x16xf32> to vector<16xf32>
        %get3A_385 = arith.index_cast %add3A_347 : i32 to index
        %get3A_386 = arith.constant 48 : index
        %get3A_387 = tpu.vector_load %arg10[%get3A_385, %get3A_386] {strides = array<i32>} : memref<64x128xf32, #tpu.memory_space<vmem>>, vector<1x16xf32>,
        %get3A_388 = vector.shape_cast %get3A_387 : vector<1x16xf32> to vector<16xf32>
        %sub3A_389 = arith.subf %get3A_384, %get3A_388 : vector<16xf32>
        %mul3A_390 = arith.mulf %sub3A_389, %sub3A_389 : vector<16xf32>
        %add3A_391 = arith.addf %add3A_299, %mul3A_390 : vector<16xf32>
        %get3A_392 = arith.index_cast %add3A_347 : i32 to index
        %get3A_393 = arith.constant 64 : index
        %get3A_394 = tpu.vector_load %arg9[%get3A_392, %get3A_393] {strides = array<i32>} : memref<64x128xf32, #tpu.memory_space<vmem>>, vector<1x16xf32>,
        %get3A_395 = vector.shape_cast %get3A_394 : vector<1x16xf32> to vector<16xf32>
        %get3A_396 = arith.index_cast %add3A_347 : i32 to index
        %get3A_397 = arith.constant 64 : index
        %get3A_398 = tpu.vector_load %arg10[%get3A_396, %get3A_397] {strides = array<i32>} : memref<64x128xf32, #tpu.memory_space<vmem>>, vector<1x16xf32>,
        %get3A_399 = vector.shape_cast %get3A_398 : vector<1x16xf32> to vector<16xf32>
        %sub3A_400 = arith.subf %get3A_395, %get3A_399 : vector<16xf32>
        %mul3A_401 = arith.mulf %sub3A_400, %sub3A_400 : vector<16xf32>
        %add3A_402 = arith.addf %add3A_310, %mul3A_401 : vector<16xf32>
        %get3A_403 = arith.index_cast %add3A_347 : i32 to index
        %get3A_404 = arith.constant 80 : index
        %get3A_405 = tpu.vector_load %arg9[%get3A_403, %get3A_404] {strides = array<i32>} : memref<64x128xf32, #tpu.memory_space<vmem>>, vector<1x16xf32>,
        %get3A_406 = vector.shape_cast %get3A_405 : vector<1x16xf32> to vector<16xf32>
        %get3A_407 = arith.index_cast %add3A_347 : i32 to index
        %get3A_408 = arith.constant 80 : index
        %get3A_409 = tpu.vector_load %arg10[%get3A_407, %get3A_408] {strides = array<i32>} : memref<64x128xf32, #tpu.memory_space<vmem>>, vector<1x16xf32>,
        %get3A_410 = vector.shape_cast %get3A_409 : vector<1x16xf32> to vector<16xf32>
        %sub3A_411 = arith.subf %get3A_406, %get3A_410 : vector<16xf32>
        %mul3A_412 = arith.mulf %sub3A_411, %sub3A_411 : vector<16xf32>
        %add3A_413 = arith.addf %add3A_321, %mul3A_412 : vector<16xf32>
        %get3A_414 = arith.index_cast %add3A_347 : i32 to index
        %get3A_415 = arith.constant 96 : index
        %get3A_416 = tpu.vector_load %arg9[%get3A_414, %get3A_415] {strides = array<i32>} : memref<64x128xf32, #tpu.memory_space<vmem>>, vector<1x16xf32>,
        %get3A_417 = vector.shape_cast %get3A_416 : vector<1x16xf32> to vector<16xf32>
        %get3A_418 = arith.index_cast %add3A_347 : i32 to index
        %get3A_419 = arith.constant 96 : index
        %get3A_420 = tpu.vector_load %arg10[%get3A_418, %get3A_419] {strides = array<i32>} : memref<64x128xf32, #tpu.memory_space<vmem>>, vector<1x16xf32>,
        %get3A_421 = vector.shape_cast %get3A_420 : vector<1x16xf32> to vector<16xf32>
        %sub3A_422 = arith.subf %get3A_417, %get3A_421 : vector<16xf32>
        %mul3A_423 = arith.mulf %sub3A_422, %sub3A_422 : vector<16xf32>
        %add3A_424 = arith.addf %add3A_332, %mul3A_423 : vector<16xf32>
        %get3A_425 = arith.index_cast %add3A_347 : i32 to index
        %get3A_426 = arith.constant 112 : index
        %get3A_427 = tpu.vector_load %arg9[%get3A_425, %get3A_426] {strides = array<i32>} : memref<64x128xf32, #tpu.memory_space<vmem>>, vector<1x16xf32>,
        %get3A_428 = vector.shape_cast %get3A_427 : vector<1x16xf32> to vector<16xf32>
        %get3A_429 = arith.index_cast %add3A_347 : i32 to index
        %get3A_430 = arith.constant 112 : index
        %get3A_431 = tpu.vector_load %arg10[%get3A_429, %get3A_430] {strides = array<i32>} : memref<64x128xf32, #tpu.memory_space<vmem>>, vector<1x16xf32>,
        %get3A_432 = vector.shape_cast %get3A_431 : vector<1x16xf32> to vector<16xf32>
        %sub3A_433 = arith.subf %get3A_428, %get3A_432 : vector<16xf32>
        %mul3A_434 = arith.mulf %sub3A_433, %sub3A_433 : vector<16xf32>
        %add3A_435 = arith.addf %add3A_343, %mul3A_434 : vector<16xf32>
        %mul3A_436 = arith.constant 4 : i32
        %mul3A_437 = arith.muli %scan3A_245, %mul3A_436 : i32
        %add3A_438 = arith.constant 2 : i32
        %add3A_439 = arith.addi %mul3A_437, %add3A_438 : i32
        %get3A_440 = arith.index_cast %add3A_439 : i32 to index
        %get3A_441 = arith.constant 0 : index
        %get3A_442 = tpu.vector_load %arg9[%get3A_440, %get3A_441] {strides = array<i32>} : memref<64x128xf32, #tpu.memory_space<vmem>>, vector<1x16xf32>,
        %get3A_443 = vector.shape_cast %get3A_442 : vector<1x16xf32> to vector<16xf32>
        %get3A_444 = arith.index_cast %add3A_439 : i32 to index
        %get3A_445 = arith.constant 0 : index
        %get3A_446 = tpu.vector_load %arg10[%get3A_444, %get3A_445] {strides = array<i32>} : memref<64x128xf32, #tpu.memory_space<vmem>>, vector<1x16xf32>,
        %get3A_447 = vector.shape_cast %get3A_446 : vector<1x16xf32> to vector<16xf32>
        %sub3A_448 = arith.subf %get3A_443, %get3A_447 : vector<16xf32>
        %mul3A_449 = arith.mulf %sub3A_448, %sub3A_448 : vector<16xf32>
        %add3A_450 = arith.addf %add3A_358, %mul3A_449 : vector<16xf32>
        %get3A_451 = arith.index_cast %add3A_439 : i32 to index
        %get3A_452 = arith.constant 16 : index
        %get3A_453 = tpu.vector_load %arg9[%get3A_451, %get3A_452] {strides = array<i32>} : memref<64x128xf32, #tpu.memory_space<vmem>>, vector<1x16xf32>,
        %get3A_454 = vector.shape_cast %get3A_453 : vector<1x16xf32> to vector<16xf32>
        %get3A_455 = arith.index_cast %add3A_439 : i32 to index
        %get3A_456 = arith.constant 16 : index
        %get3A_457 = tpu.vector_load %arg10[%get3A_455, %get3A_456] {strides = array<i32>} : memref<64x128xf32, #tpu.memory_space<vmem>>, vector<1x16xf32>,
        %get3A_458 = vector.shape_cast %get3A_457 : vector<1x16xf32> to vector<16xf32>
        %sub3A_459 = arith.subf %get3A_454, %get3A_458 : vector<16xf32>
        %mul3A_460 = arith.mulf %sub3A_459, %sub3A_459 : vector<16xf32>
        %add3A_461 = arith.addf %add3A_369, %mul3A_460 : vector<16xf32>
        %get3A_462 = arith.index_cast %add3A_439 : i32 to index
        %get3A_463 = arith.constant 32 : index
        %get3A_464 = tpu.vector_load %arg9[%get3A_462, %get3A_463] {strides = array<i32>} : memref<64x128xf32, #tpu.memory_space<vmem>>, vector<1x16xf32>,
        %get3A_465 = vector.shape_cast %get3A_464 : vector<1x16xf32> to vector<16xf32>
        %get3A_466 = arith.index_cast %add3A_439 : i32 to index
        %get3A_467 = arith.constant 32 : index
        %get3A_468 = tpu.vector_load %arg10[%get3A_466, %get3A_467] {strides = array<i32>} : memref<64x128xf32, #tpu.memory_space<vmem>>, vector<1x16xf32>,
        %get3A_469 = vector.shape_cast %get3A_468 : vector<1x16xf32> to vector<16xf32>
        %sub3A_470 = arith.subf %get3A_465, %get3A_469 : vector<16xf32>
        %mul3A_471 = arith.mulf %sub3A_470, %sub3A_470 : vector<16xf32>
        %add3A_472 = arith.addf %add3A_380, %mul3A_471 : vector<16xf32>
        %get3A_473 = arith.index_cast %add3A_439 : i32 to index
        %get3A_474 = arith.constant 48 : index
        %get3A_475 = tpu.vector_load %arg9[%get3A_473, %get3A_474] {strides = array<i32>} : memref<64x128xf32, #tpu.memory_space<vmem>>, vector<1x16xf32>,
        %get3A_476 = vector.shape_cast %get3A_475 : vector<1x16xf32> to vector<16xf32>
        %get3A_477 = arith.index_cast %add3A_439 : i32 to index
        %get3A_478 = arith.constant 48 : index
        %get3A_479 = tpu.vector_load %arg10[%get3A_477, %get3A_478] {strides = array<i32>} : memref<64x128xf32, #tpu.memory_space<vmem>>, vector<1x16xf32>,
        %get3A_480 = vector.shape_cast %get3A_479 : vector<1x16xf32> to vector<16xf32>
        %sub3A_481 = arith.subf %get3A_476, %get3A_480 : vector<16xf32>
        %mul3A_482 = arith.mulf %sub3A_481, %sub3A_481 : vector<16xf32>
        %add3A_483 = arith.addf %add3A_391, %mul3A_482 : vector<16xf32>
        %get3A_484 = arith.index_cast %add3A_439 : i32 to index
        %get3A_485 = arith.constant 64 : index
        %get3A_486 = tpu.vector_load %arg9[%get3A_484, %get3A_485] {strides = array<i32>} : memref<64x128xf32, #tpu.memory_space<vmem>>, vector<1x16xf32>,
        %get3A_487 = vector.shape_cast %get3A_486 : vector<1x16xf32> to vector<16xf32>
        %get3A_488 = arith.index_cast %add3A_439 : i32 to index
        %get3A_489 = arith.constant 64 : index
        %get3A_490 = tpu.vector_load %arg10[%get3A_488, %get3A_489] {strides = array<i32>} : memref<64x128xf32, #tpu.memory_space<vmem>>, vector<1x16xf32>,
        %get3A_491 = vector.shape_cast %get3A_490 : vector<1x16xf32> to vector<16xf32>
        %sub3A_492 = arith.subf %get3A_487, %get3A_491 : vector<16xf32>
        %mul3A_493 = arith.mulf %sub3A_492, %sub3A_492 : vector<16xf32>
        %add3A_494 = arith.addf %add3A_402, %mul3A_493 : vector<16xf32>
        %get3A_495 = arith.index_cast %add3A_439 : i32 to index
        %get3A_496 = arith.constant 80 : index
        %get3A_497 = tpu.vector_load %arg9[%get3A_495, %get3A_496] {strides = array<i32>} : memref<64x128xf32, #tpu.memory_space<vmem>>, vector<1x16xf32>,
        %get3A_498 = vector.shape_cast %get3A_497 : vector<1x16xf32> to vector<16xf32>
        %get3A_499 = arith.index_cast %add3A_439 : i32 to index
        %get3A_500 = arith.constant 80 : index
        %get3A_501 = tpu.vector_load %arg10[%get3A_499, %get3A_500] {strides = array<i32>} : memref<64x128xf32, #tpu.memory_space<vmem>>, vector<1x16xf32>,
        %get3A_502 = vector.shape_cast %get3A_501 : vector<1x16xf32> to vector<16xf32>
        %sub3A_503 = arith.subf %get3A_498, %get3A_502 : vector<16xf32>
        %mul3A_504 = arith.mulf %sub3A_503, %sub3A_503 : vector<16xf32>
        %add3A_505 = arith.addf %add3A_413, %mul3A_504 : vector<16xf32>
        %get3A_506 = arith.index_cast %add3A_439 : i32 to index
        %get3A_507 = arith.constant 96 : index
        %get3A_508 = tpu.vector_load %arg9[%get3A_506, %get3A_507] {strides = array<i32>} : memref<64x128xf32, #tpu.memory_space<vmem>>, vector<1x16xf32>,
        %get3A_509 = vector.shape_cast %get3A_508 : vector<1x16xf32> to vector<16xf32>
        %get3A_510 = arith.index_cast %add3A_439 : i32 to index
        %get3A_511 = arith.constant 96 : index
        %get3A_512 = tpu.vector_load %arg10[%get3A_510, %get3A_511] {strides = array<i32>} : memref<64x128xf32, #tpu.memory_space<vmem>>, vector<1x16xf32>,
        %get3A_513 = vector.shape_cast %get3A_512 : vector<1x16xf32> to vector<16xf32>
        %sub3A_514 = arith.subf %get3A_509, %get3A_513 : vector<16xf32>
        %mul3A_515 = arith.mulf %sub3A_514, %sub3A_514 : vector<16xf32>
        %add3A_516 = arith.addf %add3A_424, %mul3A_515 : vector<16xf32>
        %get3A_517 = arith.index_cast %add3A_439 : i32 to index
        %get3A_518 = arith.constant 112 : index
        %get3A_519 = tpu.vector_load %arg9[%get3A_517, %get3A_518] {strides = array<i32>} : memref<64x128xf32, #tpu.memory_space<vmem>>, vector<1x16xf32>,
        %get3A_520 = vector.shape_cast %get3A_519 : vector<1x16xf32> to vector<16xf32>
        %get3A_521 = arith.index_cast %add3A_439 : i32 to index
        %get3A_522 = arith.constant 112 : index
        %get3A_523 = tpu.vector_load %arg10[%get3A_521, %get3A_522] {strides = array<i32>} : memref<64x128xf32, #tpu.memory_space<vmem>>, vector<1x16xf32>,
        %get3A_524 = vector.shape_cast %get3A_523 : vector<1x16xf32> to vector<16xf32>
        %sub3A_525 = arith.subf %get3A_520, %get3A_524 : vector<16xf32>
        %mul3A_526 = arith.mulf %sub3A_525, %sub3A_525 : vector<16xf32>
        %add3A_527 = arith.addf %add3A_435, %mul3A_526 : vector<16xf32>
        %mul3A_528 = arith.constant 4 : i32
        %mul3A_529 = arith.muli %scan3A_245, %mul3A_528 : i32
        %add3A_530 = arith.constant 3 : i32
        %add3A_531 = arith.addi %mul3A_529, %add3A_530 : i32
        %get3A_532 = arith.index_cast %add3A_531 : i32 to index
        %get3A_533 = arith.constant 0 : index
        %get3A_534 = tpu.vector_load %arg9[%get3A_532, %get3A_533] {strides = array<i32>} : memref<64x128xf32, #tpu.memory_space<vmem>>, vector<1x16xf32>,
        %get3A_535 = vector.shape_cast %get3A_534 : vector<1x16xf32> to vector<16xf32>
        %get3A_536 = arith.index_cast %add3A_531 : i32 to index
        %get3A_537 = arith.constant 0 : index
        %get3A_538 = tpu.vector_load %arg10[%get3A_536, %get3A_537] {strides = array<i32>} : memref<64x128xf32, #tpu.memory_space<vmem>>, vector<1x16xf32>,
        %get3A_539 = vector.shape_cast %get3A_538 : vector<1x16xf32> to vector<16xf32>
        %sub3A_540 = arith.subf %get3A_535, %get3A_539 : vector<16xf32>
        %mul3A_541 = arith.mulf %sub3A_540, %sub3A_540 : vector<16xf32>
        %add3A_542 = arith.addf %add3A_450, %mul3A_541 : vector<16xf32>
        %get3A_543 = arith.index_cast %add3A_531 : i32 to index
        %get3A_544 = arith.constant 16 : index
        %get3A_545 = tpu.vector_load %arg9[%get3A_543, %get3A_544] {strides = array<i32>} : memref<64x128xf32, #tpu.memory_space<vmem>>, vector<1x16xf32>,
        %get3A_546 = vector.shape_cast %get3A_545 : vector<1x16xf32> to vector<16xf32>
        %get3A_547 = arith.index_cast %add3A_531 : i32 to index
        %get3A_548 = arith.constant 16 : index
        %get3A_549 = tpu.vector_load %arg10[%get3A_547, %get3A_548] {strides = array<i32>} : memref<64x128xf32, #tpu.memory_space<vmem>>, vector<1x16xf32>,
        %get3A_550 = vector.shape_cast %get3A_549 : vector<1x16xf32> to vector<16xf32>
        %sub3A_551 = arith.subf %get3A_546, %get3A_550 : vector<16xf32>
        %mul3A_552 = arith.mulf %sub3A_551, %sub3A_551 : vector<16xf32>
        %add3A_553 = arith.addf %add3A_461, %mul3A_552 : vector<16xf32>
        %get3A_554 = arith.index_cast %add3A_531 : i32 to index
        %get3A_555 = arith.constant 32 : index
        %get3A_556 = tpu.vector_load %arg9[%get3A_554, %get3A_555] {strides = array<i32>} : memref<64x128xf32, #tpu.memory_space<vmem>>, vector<1x16xf32>,
        %get3A_557 = vector.shape_cast %get3A_556 : vector<1x16xf32> to vector<16xf32>
        %get3A_558 = arith.index_cast %add3A_531 : i32 to index
        %get3A_559 = arith.constant 32 : index
        %get3A_560 = tpu.vector_load %arg10[%get3A_558, %get3A_559] {strides = array<i32>} : memref<64x128xf32, #tpu.memory_space<vmem>>, vector<1x16xf32>,
        %get3A_561 = vector.shape_cast %get3A_560 : vector<1x16xf32> to vector<16xf32>
        %sub3A_562 = arith.subf %get3A_557, %get3A_561 : vector<16xf32>
        %mul3A_563 = arith.mulf %sub3A_562, %sub3A_562 : vector<16xf32>
        %add3A_564 = arith.addf %add3A_472, %mul3A_563 : vector<16xf32>
        %get3A_565 = arith.index_cast %add3A_531 : i32 to index
        %get3A_566 = arith.constant 48 : index
        %get3A_567 = tpu.vector_load %arg9[%get3A_565, %get3A_566] {strides = array<i32>} : memref<64x128xf32, #tpu.memory_space<vmem>>, vector<1x16xf32>,
        %get3A_568 = vector.shape_cast %get3A_567 : vector<1x16xf32> to vector<16xf32>
        %get3A_569 = arith.index_cast %add3A_531 : i32 to index
        %get3A_570 = arith.constant 48 : index
        %get3A_571 = tpu.vector_load %arg10[%get3A_569, %get3A_570] {strides = array<i32>} : memref<64x128xf32, #tpu.memory_space<vmem>>, vector<1x16xf32>,
        %get3A_572 = vector.shape_cast %get3A_571 : vector<1x16xf32> to vector<16xf32>
        %sub3A_573 = arith.subf %get3A_568, %get3A_572 : vector<16xf32>
        %mul3A_574 = arith.mulf %sub3A_573, %sub3A_573 : vector<16xf32>
        %add3A_575 = arith.addf %add3A_483, %mul3A_574 : vector<16xf32>
        %get3A_576 = arith.index_cast %add3A_531 : i32 to index
        %get3A_577 = arith.constant 64 : index
        %get3A_578 = tpu.vector_load %arg9[%get3A_576, %get3A_577] {strides = array<i32>} : memref<64x128xf32, #tpu.memory_space<vmem>>, vector<1x16xf32>,
        %get3A_579 = vector.shape_cast %get3A_578 : vector<1x16xf32> to vector<16xf32>
        %get3A_580 = arith.index_cast %add3A_531 : i32 to index
        %get3A_581 = arith.constant 64 : index
        %get3A_582 = tpu.vector_load %arg10[%get3A_580, %get3A_581] {strides = array<i32>} : memref<64x128xf32, #tpu.memory_space<vmem>>, vector<1x16xf32>,
        %get3A_583 = vector.shape_cast %get3A_582 : vector<1x16xf32> to vector<16xf32>
        %sub3A_584 = arith.subf %get3A_579, %get3A_583 : vector<16xf32>
        %mul3A_585 = arith.mulf %sub3A_584, %sub3A_584 : vector<16xf32>
        %add3A_586 = arith.addf %add3A_494, %mul3A_585 : vector<16xf32>
        %get3A_587 = arith.index_cast %add3A_531 : i32 to index
        %get3A_588 = arith.constant 80 : index
        %get3A_589 = tpu.vector_load %arg9[%get3A_587, %get3A_588] {strides = array<i32>} : memref<64x128xf32, #tpu.memory_space<vmem>>, vector<1x16xf32>,
        %get3A_590 = vector.shape_cast %get3A_589 : vector<1x16xf32> to vector<16xf32>
        %get3A_591 = arith.index_cast %add3A_531 : i32 to index
        %get3A_592 = arith.constant 80 : index
        %get3A_593 = tpu.vector_load %arg10[%get3A_591, %get3A_592] {strides = array<i32>} : memref<64x128xf32, #tpu.memory_space<vmem>>, vector<1x16xf32>,
        %get3A_594 = vector.shape_cast %get3A_593 : vector<1x16xf32> to vector<16xf32>
        %sub3A_595 = arith.subf %get3A_590, %get3A_594 : vector<16xf32>
        %mul3A_596 = arith.mulf %sub3A_595, %sub3A_595 : vector<16xf32>
        %add3A_597 = arith.addf %add3A_505, %mul3A_596 : vector<16xf32>
        %get3A_598 = arith.index_cast %add3A_531 : i32 to index
        %get3A_599 = arith.constant 96 : index
        %get3A_600 = tpu.vector_load %arg9[%get3A_598, %get3A_599] {strides = array<i32>} : memref<64x128xf32, #tpu.memory_space<vmem>>, vector<1x16xf32>,
        %get3A_601 = vector.shape_cast %get3A_600 : vector<1x16xf32> to vector<16xf32>
        %get3A_602 = arith.index_cast %add3A_531 : i32 to index
        %get3A_603 = arith.constant 96 : index
        %get3A_604 = tpu.vector_load %arg10[%get3A_602, %get3A_603] {strides = array<i32>} : memref<64x128xf32, #tpu.memory_space<vmem>>, vector<1x16xf32>,
        %get3A_605 = vector.shape_cast %get3A_604 : vector<1x16xf32> to vector<16xf32>
        %sub3A_606 = arith.subf %get3A_601, %get3A_605 : vector<16xf32>
        %mul3A_607 = arith.mulf %sub3A_606, %sub3A_606 : vector<16xf32>
        %add3A_608 = arith.addf %add3A_516, %mul3A_607 : vector<16xf32>
        %get3A_609 = arith.index_cast %add3A_531 : i32 to index
        %get3A_610 = arith.constant 112 : index
        %get3A_611 = tpu.vector_load %arg9[%get3A_609, %get3A_610] {strides = array<i32>} : memref<64x128xf32, #tpu.memory_space<vmem>>, vector<1x16xf32>,
        %get3A_612 = vector.shape_cast %get3A_611 : vector<1x16xf32> to vector<16xf32>
        %get3A_613 = arith.index_cast %add3A_531 : i32 to index
        %get3A_614 = arith.constant 112 : index
        %get3A_615 = tpu.vector_load %arg10[%get3A_613, %get3A_614] {strides = array<i32>} : memref<64x128xf32, #tpu.memory_space<vmem>>, vector<1x16xf32>,
        %get3A_616 = vector.shape_cast %get3A_615 : vector<1x16xf32> to vector<16xf32>
        %sub3A_617 = arith.subf %get3A_612, %get3A_616 : vector<16xf32>
        %mul3A_618 = arith.mulf %sub3A_617, %sub3A_617 : vector<16xf32>
        %add3A_619 = arith.addf %add3A_527, %mul3A_618 : vector<16xf32>
        scf.yield %add3A_542, %add3A_553, %add3A_564, %add3A_575, %add3A_586, %add3A_597, %add3A_608, %add3A_619 : vector<16xf32>, vector<16xf32>, vector<16xf32>, vector<16xf32>, vector<16xf32>, vector<16xf32>, vector<16xf32>, vector<16xf32>
      }
      %scan3A_167 = arith.constant 16 : i32
      %add3A_168 = arith.constant 4 : i32
      %add3A_169 = arith.addi %add3A_143, %add3A_168 : i32
      %lt3A_170 = arith.constant 100 : i32
      %lt3A_171 = arith.cmpi slt, %add3A_169, %lt3A_170 : i32
      %convert_element_type3A_172 = arith.extui %lt3A_171 : i1 to i32
      %cond3A_173 = arith.constant 0 : i32
      %cond3A_174 = arith.cmpi ne, %convert_element_type3A_172, %cond3A_173 : i32
      scf.if %cond3A_174 {
        %add3A_245 = arith.constant 4 : i32
        %add3A_246 = arith.addi %add3A_143, %add3A_245 : i32
        %jit3A = arith.constant 2 : i32
        %div3A = arith.divsi %add3A_246, %jit3A : i32
        %sign3A = arith.constant 0 : i32
        %sign3A_247 = arith.cmpi sgt, %add3A_246, %sign3A : i32
        %sign3A_248 = arith.extui %sign3A_247 : i1 to i32
        %sign3A_249 = arith.constant 0 : i32
        %sign3A_250 = arith.cmpi slt, %add3A_246, %sign3A_249 : i32
        %sign3A_251 = arith.extui %sign3A_250 : i1 to i32
        %sign3A_252 = arith.subi %sign3A_248, %sign3A_251 : i32
        %sign3A_253 = arith.constant 0 : i32
        %sign3A_254 = arith.cmpi sgt, %jit3A, %sign3A_253 : i32
        %sign3A_255 = arith.extui %sign3A_254 : i1 to i32
        %sign3A_256 = arith.constant 0 : i32
        %sign3A_257 = arith.cmpi slt, %jit3A, %sign3A_256 : i32
        %sign3A_258 = arith.extui %sign3A_257 : i1 to i32
        %sign3A_259 = arith.subi %sign3A_255, %sign3A_258 : i32
        %ne3A = arith.cmpi ne, %sign3A_252, %sign3A_259 : i32
        %rem3A = arith.remsi %add3A_246, %jit3A : i32
        %ne3A_260 = arith.constant 0 : i32
        %ne3A_261 = arith.cmpi ne, %rem3A, %ne3A_260 : i32
        %and3A = arith.andi %ne3A, %ne3A_261 : i1
        %sub3A = arith.constant 1 : i32
        %sub3A_262 = arith.subi %div3A, %sub3A : i32
        %select_n3A = arith.select %and3A, %sub3A_262, %div3A : i32
        %jit3A_263 = arith.constant 2 : i32
        %eq3A = arith.constant 0 : i32
        %eq3A_264 = arith.cmpi eq, %jit3A_263, %eq3A : i32
        %jit3A_265 = arith.constant 1 : i32
        %select_n3A_266 = arith.select %eq3A_264, %jit3A_265, %jit3A_263 : i32
        %rem3A_267 = arith.remsi %add3A_246, %select_n3A_266 : i32
        %ne3A_268 = arith.constant 0 : i32
        %ne3A_269 = arith.cmpi ne, %rem3A_267, %ne3A_268 : i32
        %lt3A_270 = arith.constant 0 : i32
        %lt3A_271 = arith.cmpi slt, %rem3A_267, %lt3A_270 : i32
        %lt3A_272 = arith.constant 0 : i32
        %lt3A_273 = arith.cmpi slt, %select_n3A_266, %lt3A_272 : i32
        %ne3A_274 = arith.xori %lt3A_271, %lt3A_273 : i1
        %and3A_275 = arith.andi %ne3A_274, %ne3A_269 : i1
        %add3A_276 = arith.addi %rem3A_267, %select_n3A_266 : i32
        %select_n3A_277 = arith.select %and3A_275, %add3A_276, %rem3A_267 : i32
        %mul3A_278 = arith.constant 64 : i32
        %mul3A_279 = arith.muli %select_n3A_277, %mul3A_278 : i32
        %add3A_280 = arith.addi %multiple_of3A, %mul3A_279 : i32
        %multiple_of3A_281 = tpu.assume_multiple %add3A_280, 64 : i32
        %jit3A_282 = arith.constant 2 : i32
        %eq3A_283 = arith.constant 0 : i32
        %eq3A_284 = arith.cmpi eq, %jit3A_282, %eq3A_283 : i32
        %jit3A_285 = arith.constant 1 : i32
        %select_n3A_286 = arith.select %eq3A_284, %jit3A_285, %jit3A_282 : i32
        %rem3A_287 = arith.remsi %add3A_246, %select_n3A_286 : i32
        %ne3A_288 = arith.constant 0 : i32
        %ne3A_289 = arith.cmpi ne, %rem3A_287, %ne3A_288 : i32
        %lt3A_290 = arith.constant 0 : i32
        %lt3A_291 = arith.cmpi slt, %rem3A_287, %lt3A_290 : i32
        %lt3A_292 = arith.constant 0 : i32
        %lt3A_293 = arith.cmpi slt, %select_n3A_286, %lt3A_292 : i32
        %ne3A_294 = arith.xori %lt3A_291, %lt3A_293 : i1
        %and3A_295 = arith.andi %ne3A_294, %ne3A_289 : i1
        %add3A_296 = arith.addi %rem3A_287, %select_n3A_286 : i32
        %select_n3A_297 = arith.select %and3A_295, %add3A_296, %rem3A_287 : i32
        %mul3A_298 = arith.constant 64 : i32
        %mul3A_299 = arith.muli %select_n3A_297, %mul3A_298 : i32
        %dma_start3A_300 = tpu.memref_slice %arg6[%select_n3A, %mul3A_299] : memref<50x128xi32, #tpu.memory_space<vmem>> -> memref<1x64xi32, #tpu.memory_space<vmem>>
        %dma_start3A_301 = tpu.memref_squeeze %dma_start3A_300 : memref<1x64xi32, #tpu.memory_space<vmem>> -> memref<64xi32, #tpu.memory_space<vmem>>
        %dma_start3A_302 = arith.constant 0 : i32
        %dma_start3A_303 = arith.constant 0 : i32
        %dma_start3A_304 = tpu.memref_slice %arg4[%dma_start3A_302, %dma_start3A_303] : memref<100000x128xf32, #tpu.memory_space<hbm>> -> memref<100000x128xf32, #tpu.memory_space<hbm>>
        tpu.enqueue_indirect_dma source(%dma_start3A_304 : memref<100000x128xf32, #tpu.memory_space<hbm>>) target(%arg10 : memref<64x128xf32, #tpu.memory_space<vmem>>) offsets(%dma_start3A_301 : memref<64xi32, #tpu.memory_space<vmem>>) semaphore(%arg19 : memref<!tpu.dma_semaphore, #tpu.memory_space<semaphore_mem>>)
        %dma_start3A_305 = arith.constant 0 : i32
        %dma_start3A_306 = tpu.memref_slice %arg2[%select_n3A, %multiple_of3A_281, %dma_start3A_305] : memref<50x4096x128xf32, #tpu.memory_space<hbm>> -> memref<1x64x128xf32, #tpu.memory_space<hbm>>
        %dma_start3A_307 = tpu.memref_squeeze %dma_start3A_306 : memref<1x64x128xf32, #tpu.memory_space<hbm>> -> memref<64x128xf32, #tpu.memory_space<hbm>>
        %dma_start3A_308 = arith.constant 0 : i32
        %dma_start3A_309 = tpu.memref_slice %arg2[%select_n3A, %multiple_of3A_281, %dma_start3A_308] : memref<50x4096x128xf32, #tpu.memory_space<hbm>> -> memref<1x64x128xf32, #tpu.memory_space<hbm>>
        %dma_start3A_310 = tpu.memref_squeeze %dma_start3A_309 : memref<1x64x128xf32, #tpu.memory_space<hbm>> -> memref<64x128xf32, #tpu.memory_space<hbm>>
        tpu.enqueue_dma source(%dma_start3A_310 : memref<64x128xf32, #tpu.memory_space<hbm>>) target(%arg9 : memref<64x128xf32, #tpu.memory_space<vmem>>) target_semaphore(%arg18 : memref<!tpu.dma_semaphore, #tpu.memory_space<semaphore_mem>>)
      } else {
      }
      %mul3A_175 = arith.constant 4 : i32
      %mul3A_176 = arith.muli %scan3A_100, %mul3A_175 : i32
      %add3A_177 = arith.constant 2 : i32
      %add3A_178 = arith.addi %mul3A_176, %add3A_177 : i32
      %dma_wait3A_179 = arith.constant 0 : i32
      %dma_wait3A_180 = arith.constant 0 : i32
      %dma_wait3A_181 = arith.constant 0 : i32
      %dma_wait3A_182 = tpu.memref_slice %arg2[%dma_wait3A_179, %dma_wait3A_180, %dma_wait3A_181] : memref<50x4096x128xf32, #tpu.memory_space<hbm>> -> memref<1x64x128xf32, #tpu.memory_space<hbm>>
      %dma_wait3A_183 = tpu.memref_squeeze %dma_wait3A_182 : memref<1x64x128xf32, #tpu.memory_space<hbm>> -> memref<64x128xf32, #tpu.memory_space<hbm>>
      %dma_wait3A_184 = arith.constant 0 : i32
      %dma_wait3A_185 = arith.constant 0 : i32
      %dma_wait3A_186 = tpu.memref_slice %arg2[%dma_wait3A_179, %dma_wait3A_184, %dma_wait3A_185] : memref<50x4096x128xf32, #tpu.memory_space<hbm>> -> memref<1x64x128xf32, #tpu.memory_space<hbm>>
      %dma_wait3A_187 = tpu.memref_squeeze %dma_wait3A_186 : memref<1x64x128xf32, #tpu.memory_space<hbm>> -> memref<64x128xf32, #tpu.memory_space<hbm>>
      tpu.wait_dma2 semaphore(%arg20 : memref<!tpu.dma_semaphore, #tpu.memory_space<semaphore_mem>>) src(%dma_wait3A_187 : memref<64x128xf32, #tpu.memory_space<hbm>>) dst(%arg11 : memref<64x128xf32, #tpu.memory_space<vmem>>)
      %dma_wait3A_188 = arith.constant 0 : i32
      %dma_wait3A_189 = arith.constant 0 : i32
      %dma_wait3A_190 = arith.constant 0 : i32
      %dma_wait3A_191 = tpu.memref_slice %arg2[%dma_wait3A_188, %dma_wait3A_189, %dma_wait3A_190] : memref<50x4096x128xf32, #tpu.memory_space<hbm>> -> memref<1x64x128xf32, #tpu.memory_space<hbm>>
      %dma_wait3A_192 = tpu.memref_squeeze %dma_wait3A_191 : memref<1x64x128xf32, #tpu.memory_space<hbm>> -> memref<64x128xf32, #tpu.memory_space<hbm>>
      %dma_wait3A_193 = arith.constant 0 : i32
      %dma_wait3A_194 = arith.constant 0 : i32
      %dma_wait3A_195 = tpu.memref_slice %arg2[%dma_wait3A_188, %dma_wait3A_193, %dma_wait3A_194] : memref<50x4096x128xf32, #tpu.memory_space<hbm>> -> memref<1x64x128xf32, #tpu.memory_space<hbm>>
      %dma_wait3A_196 = tpu.memref_squeeze %dma_wait3A_195 : memref<1x64x128xf32, #tpu.memory_space<hbm>> -> memref<64x128xf32, #tpu.memory_space<hbm>>
      tpu.wait_dma2 semaphore(%arg21 : memref<!tpu.dma_semaphore, #tpu.memory_space<semaphore_mem>>) src(%dma_wait3A_196 : memref<64x128xf32, #tpu.memory_space<hbm>>) dst(%arg12 : memref<64x128xf32, #tpu.memory_space<vmem>>)
      %scan3A_197 = arith.constant 0 : i32
      %scan3A_198 = arith.constant 16 : i32
      %scan3A_199 = arith.addi %scan3A_197, %scan3A_198 : i32
      %scan3A_200 = arith.constant 1 : i32
      %scan3A_201:8 = scf.for %scan3A_245 = %scan3A_197 to %scan3A_199 step %scan3A_200 iter_args(%scan3A_246 = %scan3A_166#0, %scan3A_247 = %scan3A_166#1, %scan3A_248 = %scan3A_166#2, %scan3A_249 = %scan3A_166#3, %scan3A_250 = %scan3A_166#4, %scan3A_251 = %scan3A_166#5, %scan3A_252 = %scan3A_166#6, %scan3A_253 = %scan3A_166#7) -> (vector<16xf32>, vector<16xf32>, vector<16xf32>, vector<16xf32>, vector<16xf32>, vector<16xf32>, vector<16xf32>, vector<16xf32>)  : i32 {
        %mul3A_254 = arith.constant 4 : i32
        %mul3A_255 = arith.muli %scan3A_245, %mul3A_254 : i32
        %add3A_256 = arith.constant 0 : i32
        %add3A_257 = arith.addi %mul3A_255, %add3A_256 : i32
        %get3A = arith.index_cast %add3A_257 : i32 to index
        %get3A_258 = arith.constant 0 : index
        %get3A_259 = tpu.vector_load %arg11[%get3A, %get3A_258] {strides = array<i32>} : memref<64x128xf32, #tpu.memory_space<vmem>>, vector<1x16xf32>,
        %get3A_260 = vector.shape_cast %get3A_259 : vector<1x16xf32> to vector<16xf32>
        %get3A_261 = arith.index_cast %add3A_257 : i32 to index
        %get3A_262 = arith.constant 0 : index
        %get3A_263 = tpu.vector_load %arg12[%get3A_261, %get3A_262] {strides = array<i32>} : memref<64x128xf32, #tpu.memory_space<vmem>>, vector<1x16xf32>,
        %get3A_264 = vector.shape_cast %get3A_263 : vector<1x16xf32> to vector<16xf32>
        %sub3A = arith.subf %get3A_260, %get3A_264 : vector<16xf32>
        %mul3A_265 = arith.mulf %sub3A, %sub3A : vector<16xf32>
        %add3A_266 = arith.addf %scan3A_246, %mul3A_265 : vector<16xf32>
        %get3A_267 = arith.index_cast %add3A_257 : i32 to index
        %get3A_268 = arith.constant 16 : index
        %get3A_269 = tpu.vector_load %arg11[%get3A_267, %get3A_268] {strides = array<i32>} : memref<64x128xf32, #tpu.memory_space<vmem>>, vector<1x16xf32>,
        %get3A_270 = vector.shape_cast %get3A_269 : vector<1x16xf32> to vector<16xf32>
        %get3A_271 = arith.index_cast %add3A_257 : i32 to index
        %get3A_272 = arith.constant 16 : index
        %get3A_273 = tpu.vector_load %arg12[%get3A_271, %get3A_272] {strides = array<i32>} : memref<64x128xf32, #tpu.memory_space<vmem>>, vector<1x16xf32>,
        %get3A_274 = vector.shape_cast %get3A_273 : vector<1x16xf32> to vector<16xf32>
        %sub3A_275 = arith.subf %get3A_270, %get3A_274 : vector<16xf32>
        %mul3A_276 = arith.mulf %sub3A_275, %sub3A_275 : vector<16xf32>
        %add3A_277 = arith.addf %scan3A_247, %mul3A_276 : vector<16xf32>
        %get3A_278 = arith.index_cast %add3A_257 : i32 to index
        %get3A_279 = arith.constant 32 : index
        %get3A_280 = tpu.vector_load %arg11[%get3A_278, %get3A_279] {strides = array<i32>} : memref<64x128xf32, #tpu.memory_space<vmem>>, vector<1x16xf32>,
        %get3A_281 = vector.shape_cast %get3A_280 : vector<1x16xf32> to vector<16xf32>
        %get3A_282 = arith.index_cast %add3A_257 : i32 to index
        %get3A_283 = arith.constant 32 : index
        %get3A_284 = tpu.vector_load %arg12[%get3A_282, %get3A_283] {strides = array<i32>} : memref<64x128xf32, #tpu.memory_space<vmem>>, vector<1x16xf32>,
        %get3A_285 = vector.shape_cast %get3A_284 : vector<1x16xf32> to vector<16xf32>
        %sub3A_286 = arith.subf %get3A_281, %get3A_285 : vector<16xf32>
        %mul3A_287 = arith.mulf %sub3A_286, %sub3A_286 : vector<16xf32>
        %add3A_288 = arith.addf %scan3A_248, %mul3A_287 : vector<16xf32>
        %get3A_289 = arith.index_cast %add3A_257 : i32 to index
        %get3A_290 = arith.constant 48 : index
        %get3A_291 = tpu.vector_load %arg11[%get3A_289, %get3A_290] {strides = array<i32>} : memref<64x128xf32, #tpu.memory_space<vmem>>, vector<1x16xf32>,
        %get3A_292 = vector.shape_cast %get3A_291 : vector<1x16xf32> to vector<16xf32>
        %get3A_293 = arith.index_cast %add3A_257 : i32 to index
        %get3A_294 = arith.constant 48 : index
        %get3A_295 = tpu.vector_load %arg12[%get3A_293, %get3A_294] {strides = array<i32>} : memref<64x128xf32, #tpu.memory_space<vmem>>, vector<1x16xf32>,
        %get3A_296 = vector.shape_cast %get3A_295 : vector<1x16xf32> to vector<16xf32>
        %sub3A_297 = arith.subf %get3A_292, %get3A_296 : vector<16xf32>
        %mul3A_298 = arith.mulf %sub3A_297, %sub3A_297 : vector<16xf32>
        %add3A_299 = arith.addf %scan3A_249, %mul3A_298 : vector<16xf32>
        %get3A_300 = arith.index_cast %add3A_257 : i32 to index
        %get3A_301 = arith.constant 64 : index
        %get3A_302 = tpu.vector_load %arg11[%get3A_300, %get3A_301] {strides = array<i32>} : memref<64x128xf32, #tpu.memory_space<vmem>>, vector<1x16xf32>,
        %get3A_303 = vector.shape_cast %get3A_302 : vector<1x16xf32> to vector<16xf32>
        %get3A_304 = arith.index_cast %add3A_257 : i32 to index
        %get3A_305 = arith.constant 64 : index
        %get3A_306 = tpu.vector_load %arg12[%get3A_304, %get3A_305] {strides = array<i32>} : memref<64x128xf32, #tpu.memory_space<vmem>>, vector<1x16xf32>,
        %get3A_307 = vector.shape_cast %get3A_306 : vector<1x16xf32> to vector<16xf32>
        %sub3A_308 = arith.subf %get3A_303, %get3A_307 : vector<16xf32>
        %mul3A_309 = arith.mulf %sub3A_308, %sub3A_308 : vector<16xf32>
        %add3A_310 = arith.addf %scan3A_250, %mul3A_309 : vector<16xf32>
        %get3A_311 = arith.index_cast %add3A_257 : i32 to index
        %get3A_312 = arith.constant 80 : index
        %get3A_313 = tpu.vector_load %arg11[%get3A_311, %get3A_312] {strides = array<i32>} : memref<64x128xf32, #tpu.memory_space<vmem>>, vector<1x16xf32>,
        %get3A_314 = vector.shape_cast %get3A_313 : vector<1x16xf32> to vector<16xf32>
        %get3A_315 = arith.index_cast %add3A_257 : i32 to index
        %get3A_316 = arith.constant 80 : index
        %get3A_317 = tpu.vector_load %arg12[%get3A_315, %get3A_316] {strides = array<i32>} : memref<64x128xf32, #tpu.memory_space<vmem>>, vector<1x16xf32>,
        %get3A_318 = vector.shape_cast %get3A_317 : vector<1x16xf32> to vector<16xf32>
        %sub3A_319 = arith.subf %get3A_314, %get3A_318 : vector<16xf32>
        %mul3A_320 = arith.mulf %sub3A_319, %sub3A_319 : vector<16xf32>
        %add3A_321 = arith.addf %scan3A_251, %mul3A_320 : vector<16xf32>
        %get3A_322 = arith.index_cast %add3A_257 : i32 to index
        %get3A_323 = arith.constant 96 : index
        %get3A_324 = tpu.vector_load %arg11[%get3A_322, %get3A_323] {strides = array<i32>} : memref<64x128xf32, #tpu.memory_space<vmem>>, vector<1x16xf32>,
        %get3A_325 = vector.shape_cast %get3A_324 : vector<1x16xf32> to vector<16xf32>
        %get3A_326 = arith.index_cast %add3A_257 : i32 to index
        %get3A_327 = arith.constant 96 : index
        %get3A_328 = tpu.vector_load %arg12[%get3A_326, %get3A_327] {strides = array<i32>} : memref<64x128xf32, #tpu.memory_space<vmem>>, vector<1x16xf32>,
        %get3A_329 = vector.shape_cast %get3A_328 : vector<1x16xf32> to vector<16xf32>
        %sub3A_330 = arith.subf %get3A_325, %get3A_329 : vector<16xf32>
        %mul3A_331 = arith.mulf %sub3A_330, %sub3A_330 : vector<16xf32>
        %add3A_332 = arith.addf %scan3A_252, %mul3A_331 : vector<16xf32>
        %get3A_333 = arith.index_cast %add3A_257 : i32 to index
        %get3A_334 = arith.constant 112 : index
        %get3A_335 = tpu.vector_load %arg11[%get3A_333, %get3A_334] {strides = array<i32>} : memref<64x128xf32, #tpu.memory_space<vmem>>, vector<1x16xf32>,
        %get3A_336 = vector.shape_cast %get3A_335 : vector<1x16xf32> to vector<16xf32>
        %get3A_337 = arith.index_cast %add3A_257 : i32 to index
        %get3A_338 = arith.constant 112 : index
        %get3A_339 = tpu.vector_load %arg12[%get3A_337, %get3A_338] {strides = array<i32>} : memref<64x128xf32, #tpu.memory_space<vmem>>, vector<1x16xf32>,
        %get3A_340 = vector.shape_cast %get3A_339 : vector<1x16xf32> to vector<16xf32>
        %sub3A_341 = arith.subf %get3A_336, %get3A_340 : vector<16xf32>
        %mul3A_342 = arith.mulf %sub3A_341, %sub3A_341 : vector<16xf32>
        %add3A_343 = arith.addf %scan3A_253, %mul3A_342 : vector<16xf32>
        %mul3A_344 = arith.constant 4 : i32
        %mul3A_345 = arith.muli %scan3A_245, %mul3A_344 : i32
        %add3A_346 = arith.constant 1 : i32
        %add3A_347 = arith.addi %mul3A_345, %add3A_346 : i32
        %get3A_348 = arith.index_cast %add3A_347 : i32 to index
        %get3A_349 = arith.constant 0 : index
        %get3A_350 = tpu.vector_load %arg11[%get3A_348, %get3A_349] {strides = array<i32>} : memref<64x128xf32, #tpu.memory_space<vmem>>, vector<1x16xf32>,
        %get3A_351 = vector.shape_cast %get3A_350 : vector<1x16xf32> to vector<16xf32>
        %get3A_352 = arith.index_cast %add3A_347 : i32 to index
        %get3A_353 = arith.constant 0 : index
        %get3A_354 = tpu.vector_load %arg12[%get3A_352, %get3A_353] {strides = array<i32>} : memref<64x128xf32, #tpu.memory_space<vmem>>, vector<1x16xf32>,
        %get3A_355 = vector.shape_cast %get3A_354 : vector<1x16xf32> to vector<16xf32>
        %sub3A_356 = arith.subf %get3A_351, %get3A_355 : vector<16xf32>
        %mul3A_357 = arith.mulf %sub3A_356, %sub3A_356 : vector<16xf32>
        %add3A_358 = arith.addf %add3A_266, %mul3A_357 : vector<16xf32>
        %get3A_359 = arith.index_cast %add3A_347 : i32 to index
        %get3A_360 = arith.constant 16 : index
        %get3A_361 = tpu.vector_load %arg11[%get3A_359, %get3A_360] {strides = array<i32>} : memref<64x128xf32, #tpu.memory_space<vmem>>, vector<1x16xf32>,
        %get3A_362 = vector.shape_cast %get3A_361 : vector<1x16xf32> to vector<16xf32>
        %get3A_363 = arith.index_cast %add3A_347 : i32 to index
        %get3A_364 = arith.constant 16 : index
        %get3A_365 = tpu.vector_load %arg12[%get3A_363, %get3A_364] {strides = array<i32>} : memref<64x128xf32, #tpu.memory_space<vmem>>, vector<1x16xf32>,
        %get3A_366 = vector.shape_cast %get3A_365 : vector<1x16xf32> to vector<16xf32>
        %sub3A_367 = arith.subf %get3A_362, %get3A_366 : vector<16xf32>
        %mul3A_368 = arith.mulf %sub3A_367, %sub3A_367 : vector<16xf32>
        %add3A_369 = arith.addf %add3A_277, %mul3A_368 : vector<16xf32>
        %get3A_370 = arith.index_cast %add3A_347 : i32 to index
        %get3A_371 = arith.constant 32 : index
        %get3A_372 = tpu.vector_load %arg11[%get3A_370, %get3A_371] {strides = array<i32>} : memref<64x128xf32, #tpu.memory_space<vmem>>, vector<1x16xf32>,
        %get3A_373 = vector.shape_cast %get3A_372 : vector<1x16xf32> to vector<16xf32>
        %get3A_374 = arith.index_cast %add3A_347 : i32 to index
        %get3A_375 = arith.constant 32 : index
        %get3A_376 = tpu.vector_load %arg12[%get3A_374, %get3A_375] {strides = array<i32>} : memref<64x128xf32, #tpu.memory_space<vmem>>, vector<1x16xf32>,
        %get3A_377 = vector.shape_cast %get3A_376 : vector<1x16xf32> to vector<16xf32>
        %sub3A_378 = arith.subf %get3A_373, %get3A_377 : vector<16xf32>
        %mul3A_379 = arith.mulf %sub3A_378, %sub3A_378 : vector<16xf32>
        %add3A_380 = arith.addf %add3A_288, %mul3A_379 : vector<16xf32>
        %get3A_381 = arith.index_cast %add3A_347 : i32 to index
        %get3A_382 = arith.constant 48 : index
        %get3A_383 = tpu.vector_load %arg11[%get3A_381, %get3A_382] {strides = array<i32>} : memref<64x128xf32, #tpu.memory_space<vmem>>, vector<1x16xf32>,
        %get3A_384 = vector.shape_cast %get3A_383 : vector<1x16xf32> to vector<16xf32>
        %get3A_385 = arith.index_cast %add3A_347 : i32 to index
        %get3A_386 = arith.constant 48 : index
        %get3A_387 = tpu.vector_load %arg12[%get3A_385, %get3A_386] {strides = array<i32>} : memref<64x128xf32, #tpu.memory_space<vmem>>, vector<1x16xf32>,
        %get3A_388 = vector.shape_cast %get3A_387 : vector<1x16xf32> to vector<16xf32>
        %sub3A_389 = arith.subf %get3A_384, %get3A_388 : vector<16xf32>
        %mul3A_390 = arith.mulf %sub3A_389, %sub3A_389 : vector<16xf32>
        %add3A_391 = arith.addf %add3A_299, %mul3A_390 : vector<16xf32>
        %get3A_392 = arith.index_cast %add3A_347 : i32 to index
        %get3A_393 = arith.constant 64 : index
        %get3A_394 = tpu.vector_load %arg11[%get3A_392, %get3A_393] {strides = array<i32>} : memref<64x128xf32, #tpu.memory_space<vmem>>, vector<1x16xf32>,
        %get3A_395 = vector.shape_cast %get3A_394 : vector<1x16xf32> to vector<16xf32>
        %get3A_396 = arith.index_cast %add3A_347 : i32 to index
        %get3A_397 = arith.constant 64 : index
        %get3A_398 = tpu.vector_load %arg12[%get3A_396, %get3A_397] {strides = array<i32>} : memref<64x128xf32, #tpu.memory_space<vmem>>, vector<1x16xf32>,
        %get3A_399 = vector.shape_cast %get3A_398 : vector<1x16xf32> to vector<16xf32>
        %sub3A_400 = arith.subf %get3A_395, %get3A_399 : vector<16xf32>
        %mul3A_401 = arith.mulf %sub3A_400, %sub3A_400 : vector<16xf32>
        %add3A_402 = arith.addf %add3A_310, %mul3A_401 : vector<16xf32>
        %get3A_403 = arith.index_cast %add3A_347 : i32 to index
        %get3A_404 = arith.constant 80 : index
        %get3A_405 = tpu.vector_load %arg11[%get3A_403, %get3A_404] {strides = array<i32>} : memref<64x128xf32, #tpu.memory_space<vmem>>, vector<1x16xf32>,
        %get3A_406 = vector.shape_cast %get3A_405 : vector<1x16xf32> to vector<16xf32>
        %get3A_407 = arith.index_cast %add3A_347 : i32 to index
        %get3A_408 = arith.constant 80 : index
        %get3A_409 = tpu.vector_load %arg12[%get3A_407, %get3A_408] {strides = array<i32>} : memref<64x128xf32, #tpu.memory_space<vmem>>, vector<1x16xf32>,
        %get3A_410 = vector.shape_cast %get3A_409 : vector<1x16xf32> to vector<16xf32>
        %sub3A_411 = arith.subf %get3A_406, %get3A_410 : vector<16xf32>
        %mul3A_412 = arith.mulf %sub3A_411, %sub3A_411 : vector<16xf32>
        %add3A_413 = arith.addf %add3A_321, %mul3A_412 : vector<16xf32>
        %get3A_414 = arith.index_cast %add3A_347 : i32 to index
        %get3A_415 = arith.constant 96 : index
        %get3A_416 = tpu.vector_load %arg11[%get3A_414, %get3A_415] {strides = array<i32>} : memref<64x128xf32, #tpu.memory_space<vmem>>, vector<1x16xf32>,
        %get3A_417 = vector.shape_cast %get3A_416 : vector<1x16xf32> to vector<16xf32>
        %get3A_418 = arith.index_cast %add3A_347 : i32 to index
        %get3A_419 = arith.constant 96 : index
        %get3A_420 = tpu.vector_load %arg12[%get3A_418, %get3A_419] {strides = array<i32>} : memref<64x128xf32, #tpu.memory_space<vmem>>, vector<1x16xf32>,
        %get3A_421 = vector.shape_cast %get3A_420 : vector<1x16xf32> to vector<16xf32>
        %sub3A_422 = arith.subf %get3A_417, %get3A_421 : vector<16xf32>
        %mul3A_423 = arith.mulf %sub3A_422, %sub3A_422 : vector<16xf32>
        %add3A_424 = arith.addf %add3A_332, %mul3A_423 : vector<16xf32>
        %get3A_425 = arith.index_cast %add3A_347 : i32 to index
        %get3A_426 = arith.constant 112 : index
        %get3A_427 = tpu.vector_load %arg11[%get3A_425, %get3A_426] {strides = array<i32>} : memref<64x128xf32, #tpu.memory_space<vmem>>, vector<1x16xf32>,
        %get3A_428 = vector.shape_cast %get3A_427 : vector<1x16xf32> to vector<16xf32>
        %get3A_429 = arith.index_cast %add3A_347 : i32 to index
        %get3A_430 = arith.constant 112 : index
        %get3A_431 = tpu.vector_load %arg12[%get3A_429, %get3A_430] {strides = array<i32>} : memref<64x128xf32, #tpu.memory_space<vmem>>, vector<1x16xf32>,
        %get3A_432 = vector.shape_cast %get3A_431 : vector<1x16xf32> to vector<16xf32>
        %sub3A_433 = arith.subf %get3A_428, %get3A_432 : vector<16xf32>
        %mul3A_434 = arith.mulf %sub3A_433, %sub3A_433 : vector<16xf32>
        %add3A_435 = arith.addf %add3A_343, %mul3A_434 : vector<16xf32>
        %mul3A_436 = arith.constant 4 : i32
        %mul3A_437 = arith.muli %scan3A_245, %mul3A_436 : i32
        %add3A_438 = arith.constant 2 : i32
        %add3A_439 = arith.addi %mul3A_437, %add3A_438 : i32
        %get3A_440 = arith.index_cast %add3A_439 : i32 to index
        %get3A_441 = arith.constant 0 : index
        %get3A_442 = tpu.vector_load %arg11[%get3A_440, %get3A_441] {strides = array<i32>} : memref<64x128xf32, #tpu.memory_space<vmem>>, vector<1x16xf32>,
        %get3A_443 = vector.shape_cast %get3A_442 : vector<1x16xf32> to vector<16xf32>
        %get3A_444 = arith.index_cast %add3A_439 : i32 to index
        %get3A_445 = arith.constant 0 : index
        %get3A_446 = tpu.vector_load %arg12[%get3A_444, %get3A_445] {strides = array<i32>} : memref<64x128xf32, #tpu.memory_space<vmem>>, vector<1x16xf32>,
        %get3A_447 = vector.shape_cast %get3A_446 : vector<1x16xf32> to vector<16xf32>
        %sub3A_448 = arith.subf %get3A_443, %get3A_447 : vector<16xf32>
        %mul3A_449 = arith.mulf %sub3A_448, %sub3A_448 : vector<16xf32>
        %add3A_450 = arith.addf %add3A_358, %mul3A_449 : vector<16xf32>
        %get3A_451 = arith.index_cast %add3A_439 : i32 to index
        %get3A_452 = arith.constant 16 : index
        %get3A_453 = tpu.vector_load %arg11[%get3A_451, %get3A_452] {strides = array<i32>} : memref<64x128xf32, #tpu.memory_space<vmem>>, vector<1x16xf32>,
        %get3A_454 = vector.shape_cast %get3A_453 : vector<1x16xf32> to vector<16xf32>
        %get3A_455 = arith.index_cast %add3A_439 : i32 to index
        %get3A_456 = arith.constant 16 : index
        %get3A_457 = tpu.vector_load %arg12[%get3A_455, %get3A_456] {strides = array<i32>} : memref<64x128xf32, #tpu.memory_space<vmem>>, vector<1x16xf32>,
        %get3A_458 = vector.shape_cast %get3A_457 : vector<1x16xf32> to vector<16xf32>
        %sub3A_459 = arith.subf %get3A_454, %get3A_458 : vector<16xf32>
        %mul3A_460 = arith.mulf %sub3A_459, %sub3A_459 : vector<16xf32>
        %add3A_461 = arith.addf %add3A_369, %mul3A_460 : vector<16xf32>
        %get3A_462 = arith.index_cast %add3A_439 : i32 to index
        %get3A_463 = arith.constant 32 : index
        %get3A_464 = tpu.vector_load %arg11[%get3A_462, %get3A_463] {strides = array<i32>} : memref<64x128xf32, #tpu.memory_space<vmem>>, vector<1x16xf32>,
        %get3A_465 = vector.shape_cast %get3A_464 : vector<1x16xf32> to vector<16xf32>
        %get3A_466 = arith.index_cast %add3A_439 : i32 to index
        %get3A_467 = arith.constant 32 : index
        %get3A_468 = tpu.vector_load %arg12[%get3A_466, %get3A_467] {strides = array<i32>} : memref<64x128xf32, #tpu.memory_space<vmem>>, vector<1x16xf32>,
        %get3A_469 = vector.shape_cast %get3A_468 : vector<1x16xf32> to vector<16xf32>
        %sub3A_470 = arith.subf %get3A_465, %get3A_469 : vector<16xf32>
        %mul3A_471 = arith.mulf %sub3A_470, %sub3A_470 : vector<16xf32>
        %add3A_472 = arith.addf %add3A_380, %mul3A_471 : vector<16xf32>
        %get3A_473 = arith.index_cast %add3A_439 : i32 to index
        %get3A_474 = arith.constant 48 : index
        %get3A_475 = tpu.vector_load %arg11[%get3A_473, %get3A_474] {strides = array<i32>} : memref<64x128xf32, #tpu.memory_space<vmem>>, vector<1x16xf32>,
        %get3A_476 = vector.shape_cast %get3A_475 : vector<1x16xf32> to vector<16xf32>
        %get3A_477 = arith.index_cast %add3A_439 : i32 to index
        %get3A_478 = arith.constant 48 : index
        %get3A_479 = tpu.vector_load %arg12[%get3A_477, %get3A_478] {strides = array<i32>} : memref<64x128xf32, #tpu.memory_space<vmem>>, vector<1x16xf32>,
        %get3A_480 = vector.shape_cast %get3A_479 : vector<1x16xf32> to vector<16xf32>
        %sub3A_481 = arith.subf %get3A_476, %get3A_480 : vector<16xf32>
        %mul3A_482 = arith.mulf %sub3A_481, %sub3A_481 : vector<16xf32>
        %add3A_483 = arith.addf %add3A_391, %mul3A_482 : vector<16xf32>
        %get3A_484 = arith.index_cast %add3A_439 : i32 to index
        %get3A_485 = arith.constant 64 : index
        %get3A_486 = tpu.vector_load %arg11[%get3A_484, %get3A_485] {strides = array<i32>} : memref<64x128xf32, #tpu.memory_space<vmem>>, vector<1x16xf32>,
        %get3A_487 = vector.shape_cast %get3A_486 : vector<1x16xf32> to vector<16xf32>
        %get3A_488 = arith.index_cast %add3A_439 : i32 to index
        %get3A_489 = arith.constant 64 : index
        %get3A_490 = tpu.vector_load %arg12[%get3A_488, %get3A_489] {strides = array<i32>} : memref<64x128xf32, #tpu.memory_space<vmem>>, vector<1x16xf32>,
        %get3A_491 = vector.shape_cast %get3A_490 : vector<1x16xf32> to vector<16xf32>
        %sub3A_492 = arith.subf %get3A_487, %get3A_491 : vector<16xf32>
        %mul3A_493 = arith.mulf %sub3A_492, %sub3A_492 : vector<16xf32>
        %add3A_494 = arith.addf %add3A_402, %mul3A_493 : vector<16xf32>
        %get3A_495 = arith.index_cast %add3A_439 : i32 to index
        %get3A_496 = arith.constant 80 : index
        %get3A_497 = tpu.vector_load %arg11[%get3A_495, %get3A_496] {strides = array<i32>} : memref<64x128xf32, #tpu.memory_space<vmem>>, vector<1x16xf32>,
        %get3A_498 = vector.shape_cast %get3A_497 : vector<1x16xf32> to vector<16xf32>
        %get3A_499 = arith.index_cast %add3A_439 : i32 to index
        %get3A_500 = arith.constant 80 : index
        %get3A_501 = tpu.vector_load %arg12[%get3A_499, %get3A_500] {strides = array<i32>} : memref<64x128xf32, #tpu.memory_space<vmem>>, vector<1x16xf32>,
        %get3A_502 = vector.shape_cast %get3A_501 : vector<1x16xf32> to vector<16xf32>
        %sub3A_503 = arith.subf %get3A_498, %get3A_502 : vector<16xf32>
        %mul3A_504 = arith.mulf %sub3A_503, %sub3A_503 : vector<16xf32>
        %add3A_505 = arith.addf %add3A_413, %mul3A_504 : vector<16xf32>
        %get3A_506 = arith.index_cast %add3A_439 : i32 to index
        %get3A_507 = arith.constant 96 : index
        %get3A_508 = tpu.vector_load %arg11[%get3A_506, %get3A_507] {strides = array<i32>} : memref<64x128xf32, #tpu.memory_space<vmem>>, vector<1x16xf32>,
        %get3A_509 = vector.shape_cast %get3A_508 : vector<1x16xf32> to vector<16xf32>
        %get3A_510 = arith.index_cast %add3A_439 : i32 to index
        %get3A_511 = arith.constant 96 : index
        %get3A_512 = tpu.vector_load %arg12[%get3A_510, %get3A_511] {strides = array<i32>} : memref<64x128xf32, #tpu.memory_space<vmem>>, vector<1x16xf32>,
        %get3A_513 = vector.shape_cast %get3A_512 : vector<1x16xf32> to vector<16xf32>
        %sub3A_514 = arith.subf %get3A_509, %get3A_513 : vector<16xf32>
        %mul3A_515 = arith.mulf %sub3A_514, %sub3A_514 : vector<16xf32>
        %add3A_516 = arith.addf %add3A_424, %mul3A_515 : vector<16xf32>
        %get3A_517 = arith.index_cast %add3A_439 : i32 to index
        %get3A_518 = arith.constant 112 : index
        %get3A_519 = tpu.vector_load %arg11[%get3A_517, %get3A_518] {strides = array<i32>} : memref<64x128xf32, #tpu.memory_space<vmem>>, vector<1x16xf32>,
        %get3A_520 = vector.shape_cast %get3A_519 : vector<1x16xf32> to vector<16xf32>
        %get3A_521 = arith.index_cast %add3A_439 : i32 to index
        %get3A_522 = arith.constant 112 : index
        %get3A_523 = tpu.vector_load %arg12[%get3A_521, %get3A_522] {strides = array<i32>} : memref<64x128xf32, #tpu.memory_space<vmem>>, vector<1x16xf32>,
        %get3A_524 = vector.shape_cast %get3A_523 : vector<1x16xf32> to vector<16xf32>
        %sub3A_525 = arith.subf %get3A_520, %get3A_524 : vector<16xf32>
        %mul3A_526 = arith.mulf %sub3A_525, %sub3A_525 : vector<16xf32>
        %add3A_527 = arith.addf %add3A_435, %mul3A_526 : vector<16xf32>
        %mul3A_528 = arith.constant 4 : i32
        %mul3A_529 = arith.muli %scan3A_245, %mul3A_528 : i32
        %add3A_530 = arith.constant 3 : i32
        %add3A_531 = arith.addi %mul3A_529, %add3A_530 : i32
        %get3A_532 = arith.index_cast %add3A_531 : i32 to index
        %get3A_533 = arith.constant 0 : index
        %get3A_534 = tpu.vector_load %arg11[%get3A_532, %get3A_533] {strides = array<i32>} : memref<64x128xf32, #tpu.memory_space<vmem>>, vector<1x16xf32>,
        %get3A_535 = vector.shape_cast %get3A_534 : vector<1x16xf32> to vector<16xf32>
        %get3A_536 = arith.index_cast %add3A_531 : i32 to index
        %get3A_537 = arith.constant 0 : index
        %get3A_538 = tpu.vector_load %arg12[%get3A_536, %get3A_537] {strides = array<i32>} : memref<64x128xf32, #tpu.memory_space<vmem>>, vector<1x16xf32>,
        %get3A_539 = vector.shape_cast %get3A_538 : vector<1x16xf32> to vector<16xf32>
        %sub3A_540 = arith.subf %get3A_535, %get3A_539 : vector<16xf32>
        %mul3A_541 = arith.mulf %sub3A_540, %sub3A_540 : vector<16xf32>
        %add3A_542 = arith.addf %add3A_450, %mul3A_541 : vector<16xf32>
        %get3A_543 = arith.index_cast %add3A_531 : i32 to index
        %get3A_544 = arith.constant 16 : index
        %get3A_545 = tpu.vector_load %arg11[%get3A_543, %get3A_544] {strides = array<i32>} : memref<64x128xf32, #tpu.memory_space<vmem>>, vector<1x16xf32>,
        %get3A_546 = vector.shape_cast %get3A_545 : vector<1x16xf32> to vector<16xf32>
        %get3A_547 = arith.index_cast %add3A_531 : i32 to index
        %get3A_548 = arith.constant 16 : index
        %get3A_549 = tpu.vector_load %arg12[%get3A_547, %get3A_548] {strides = array<i32>} : memref<64x128xf32, #tpu.memory_space<vmem>>, vector<1x16xf32>,
        %get3A_550 = vector.shape_cast %get3A_549 : vector<1x16xf32> to vector<16xf32>
        %sub3A_551 = arith.subf %get3A_546, %get3A_550 : vector<16xf32>
        %mul3A_552 = arith.mulf %sub3A_551, %sub3A_551 : vector<16xf32>
        %add3A_553 = arith.addf %add3A_461, %mul3A_552 : vector<16xf32>
        %get3A_554 = arith.index_cast %add3A_531 : i32 to index
        %get3A_555 = arith.constant 32 : index
        %get3A_556 = tpu.vector_load %arg11[%get3A_554, %get3A_555] {strides = array<i32>} : memref<64x128xf32, #tpu.memory_space<vmem>>, vector<1x16xf32>,
        %get3A_557 = vector.shape_cast %get3A_556 : vector<1x16xf32> to vector<16xf32>
        %get3A_558 = arith.index_cast %add3A_531 : i32 to index
        %get3A_559 = arith.constant 32 : index
        %get3A_560 = tpu.vector_load %arg12[%get3A_558, %get3A_559] {strides = array<i32>} : memref<64x128xf32, #tpu.memory_space<vmem>>, vector<1x16xf32>,
        %get3A_561 = vector.shape_cast %get3A_560 : vector<1x16xf32> to vector<16xf32>
        %sub3A_562 = arith.subf %get3A_557, %get3A_561 : vector<16xf32>
        %mul3A_563 = arith.mulf %sub3A_562, %sub3A_562 : vector<16xf32>
        %add3A_564 = arith.addf %add3A_472, %mul3A_563 : vector<16xf32>
        %get3A_565 = arith.index_cast %add3A_531 : i32 to index
        %get3A_566 = arith.constant 48 : index
        %get3A_567 = tpu.vector_load %arg11[%get3A_565, %get3A_566] {strides = array<i32>} : memref<64x128xf32, #tpu.memory_space<vmem>>, vector<1x16xf32>,
        %get3A_568 = vector.shape_cast %get3A_567 : vector<1x16xf32> to vector<16xf32>
        %get3A_569 = arith.index_cast %add3A_531 : i32 to index
        %get3A_570 = arith.constant 48 : index
        %get3A_571 = tpu.vector_load %arg12[%get3A_569, %get3A_570] {strides = array<i32>} : memref<64x128xf32, #tpu.memory_space<vmem>>, vector<1x16xf32>,
        %get3A_572 = vector.shape_cast %get3A_571 : vector<1x16xf32> to vector<16xf32>
        %sub3A_573 = arith.subf %get3A_568, %get3A_572 : vector<16xf32>
        %mul3A_574 = arith.mulf %sub3A_573, %sub3A_573 : vector<16xf32>
        %add3A_575 = arith.addf %add3A_483, %mul3A_574 : vector<16xf32>
        %get3A_576 = arith.index_cast %add3A_531 : i32 to index
        %get3A_577 = arith.constant 64 : index
        %get3A_578 = tpu.vector_load %arg11[%get3A_576, %get3A_577] {strides = array<i32>} : memref<64x128xf32, #tpu.memory_space<vmem>>, vector<1x16xf32>,
        %get3A_579 = vector.shape_cast %get3A_578 : vector<1x16xf32> to vector<16xf32>
        %get3A_580 = arith.index_cast %add3A_531 : i32 to index
        %get3A_581 = arith.constant 64 : index
        %get3A_582 = tpu.vector_load %arg12[%get3A_580, %get3A_581] {strides = array<i32>} : memref<64x128xf32, #tpu.memory_space<vmem>>, vector<1x16xf32>,
        %get3A_583 = vector.shape_cast %get3A_582 : vector<1x16xf32> to vector<16xf32>
        %sub3A_584 = arith.subf %get3A_579, %get3A_583 : vector<16xf32>
        %mul3A_585 = arith.mulf %sub3A_584, %sub3A_584 : vector<16xf32>
        %add3A_586 = arith.addf %add3A_494, %mul3A_585 : vector<16xf32>
        %get3A_587 = arith.index_cast %add3A_531 : i32 to index
        %get3A_588 = arith.constant 80 : index
        %get3A_589 = tpu.vector_load %arg11[%get3A_587, %get3A_588] {strides = array<i32>} : memref<64x128xf32, #tpu.memory_space<vmem>>, vector<1x16xf32>,
        %get3A_590 = vector.shape_cast %get3A_589 : vector<1x16xf32> to vector<16xf32>
        %get3A_591 = arith.index_cast %add3A_531 : i32 to index
        %get3A_592 = arith.constant 80 : index
        %get3A_593 = tpu.vector_load %arg12[%get3A_591, %get3A_592] {strides = array<i32>} : memref<64x128xf32, #tpu.memory_space<vmem>>, vector<1x16xf32>,
        %get3A_594 = vector.shape_cast %get3A_593 : vector<1x16xf32> to vector<16xf32>
        %sub3A_595 = arith.subf %get3A_590, %get3A_594 : vector<16xf32>
        %mul3A_596 = arith.mulf %sub3A_595, %sub3A_595 : vector<16xf32>
        %add3A_597 = arith.addf %add3A_505, %mul3A_596 : vector<16xf32>
        %get3A_598 = arith.index_cast %add3A_531 : i32 to index
        %get3A_599 = arith.constant 96 : index
        %get3A_600 = tpu.vector_load %arg11[%get3A_598, %get3A_599] {strides = array<i32>} : memref<64x128xf32, #tpu.memory_space<vmem>>, vector<1x16xf32>,
        %get3A_601 = vector.shape_cast %get3A_600 : vector<1x16xf32> to vector<16xf32>
        %get3A_602 = arith.index_cast %add3A_531 : i32 to index
        %get3A_603 = arith.constant 96 : index
        %get3A_604 = tpu.vector_load %arg12[%get3A_602, %get3A_603] {strides = array<i32>} : memref<64x128xf32, #tpu.memory_space<vmem>>, vector<1x16xf32>,
        %get3A_605 = vector.shape_cast %get3A_604 : vector<1x16xf32> to vector<16xf32>
        %sub3A_606 = arith.subf %get3A_601, %get3A_605 : vector<16xf32>
        %mul3A_607 = arith.mulf %sub3A_606, %sub3A_606 : vector<16xf32>
        %add3A_608 = arith.addf %add3A_516, %mul3A_607 : vector<16xf32>
        %get3A_609 = arith.index_cast %add3A_531 : i32 to index
        %get3A_610 = arith.constant 112 : index
        %get3A_611 = tpu.vector_load %arg11[%get3A_609, %get3A_610] {strides = array<i32>} : memref<64x128xf32, #tpu.memory_space<vmem>>, vector<1x16xf32>,
        %get3A_612 = vector.shape_cast %get3A_611 : vector<1x16xf32> to vector<16xf32>
        %get3A_613 = arith.index_cast %add3A_531 : i32 to index
        %get3A_614 = arith.constant 112 : index
        %get3A_615 = tpu.vector_load %arg12[%get3A_613, %get3A_614] {strides = array<i32>} : memref<64x128xf32, #tpu.memory_space<vmem>>, vector<1x16xf32>,
        %get3A_616 = vector.shape_cast %get3A_615 : vector<1x16xf32> to vector<16xf32>
        %sub3A_617 = arith.subf %get3A_612, %get3A_616 : vector<16xf32>
        %mul3A_618 = arith.mulf %sub3A_617, %sub3A_617 : vector<16xf32>
        %add3A_619 = arith.addf %add3A_527, %mul3A_618 : vector<16xf32>
        scf.yield %add3A_542, %add3A_553, %add3A_564, %add3A_575, %add3A_586, %add3A_597, %add3A_608, %add3A_619 : vector<16xf32>, vector<16xf32>, vector<16xf32>, vector<16xf32>, vector<16xf32>, vector<16xf32>, vector<16xf32>, vector<16xf32>
      }
      %scan3A_202 = arith.constant 16 : i32
      %add3A_203 = arith.constant 4 : i32
      %add3A_204 = arith.addi %add3A_178, %add3A_203 : i32
      %lt3A_205 = arith.constant 100 : i32
      %lt3A_206 = arith.cmpi slt, %add3A_204, %lt3A_205 : i32
      %convert_element_type3A_207 = arith.extui %lt3A_206 : i1 to i32
      %cond3A_208 = arith.constant 0 : i32
      %cond3A_209 = arith.cmpi ne, %convert_element_type3A_207, %cond3A_208 : i32
      scf.if %cond3A_209 {
        %add3A_245 = arith.constant 4 : i32
        %add3A_246 = arith.addi %add3A_178, %add3A_245 : i32
        %jit3A = arith.constant 2 : i32
        %div3A = arith.divsi %add3A_246, %jit3A : i32
        %sign3A = arith.constant 0 : i32
        %sign3A_247 = arith.cmpi sgt, %add3A_246, %sign3A : i32
        %sign3A_248 = arith.extui %sign3A_247 : i1 to i32
        %sign3A_249 = arith.constant 0 : i32
        %sign3A_250 = arith.cmpi slt, %add3A_246, %sign3A_249 : i32
        %sign3A_251 = arith.extui %sign3A_250 : i1 to i32
        %sign3A_252 = arith.subi %sign3A_248, %sign3A_251 : i32
        %sign3A_253 = arith.constant 0 : i32
        %sign3A_254 = arith.cmpi sgt, %jit3A, %sign3A_253 : i32
        %sign3A_255 = arith.extui %sign3A_254 : i1 to i32
        %sign3A_256 = arith.constant 0 : i32
        %sign3A_257 = arith.cmpi slt, %jit3A, %sign3A_256 : i32
        %sign3A_258 = arith.extui %sign3A_257 : i1 to i32
        %sign3A_259 = arith.subi %sign3A_255, %sign3A_258 : i32
        %ne3A = arith.cmpi ne, %sign3A_252, %sign3A_259 : i32
        %rem3A = arith.remsi %add3A_246, %jit3A : i32
        %ne3A_260 = arith.constant 0 : i32
        %ne3A_261 = arith.cmpi ne, %rem3A, %ne3A_260 : i32
        %and3A = arith.andi %ne3A, %ne3A_261 : i1
        %sub3A = arith.constant 1 : i32
        %sub3A_262 = arith.subi %div3A, %sub3A : i32
        %select_n3A = arith.select %and3A, %sub3A_262, %div3A : i32
        %jit3A_263 = arith.constant 2 : i32
        %eq3A = arith.constant 0 : i32
        %eq3A_264 = arith.cmpi eq, %jit3A_263, %eq3A : i32
        %jit3A_265 = arith.constant 1 : i32
        %select_n3A_266 = arith.select %eq3A_264, %jit3A_265, %jit3A_263 : i32
        %rem3A_267 = arith.remsi %add3A_246, %select_n3A_266 : i32
        %ne3A_268 = arith.constant 0 : i32
        %ne3A_269 = arith.cmpi ne, %rem3A_267, %ne3A_268 : i32
        %lt3A_270 = arith.constant 0 : i32
        %lt3A_271 = arith.cmpi slt, %rem3A_267, %lt3A_270 : i32
        %lt3A_272 = arith.constant 0 : i32
        %lt3A_273 = arith.cmpi slt, %select_n3A_266, %lt3A_272 : i32
        %ne3A_274 = arith.xori %lt3A_271, %lt3A_273 : i1
        %and3A_275 = arith.andi %ne3A_274, %ne3A_269 : i1
        %add3A_276 = arith.addi %rem3A_267, %select_n3A_266 : i32
        %select_n3A_277 = arith.select %and3A_275, %add3A_276, %rem3A_267 : i32
        %mul3A_278 = arith.constant 64 : i32
        %mul3A_279 = arith.muli %select_n3A_277, %mul3A_278 : i32
        %add3A_280 = arith.addi %multiple_of3A, %mul3A_279 : i32
        %multiple_of3A_281 = tpu.assume_multiple %add3A_280, 64 : i32
        %jit3A_282 = arith.constant 2 : i32
        %eq3A_283 = arith.constant 0 : i32
        %eq3A_284 = arith.cmpi eq, %jit3A_282, %eq3A_283 : i32
        %jit3A_285 = arith.constant 1 : i32
        %select_n3A_286 = arith.select %eq3A_284, %jit3A_285, %jit3A_282 : i32
        %rem3A_287 = arith.remsi %add3A_246, %select_n3A_286 : i32
        %ne3A_288 = arith.constant 0 : i32
        %ne3A_289 = arith.cmpi ne, %rem3A_287, %ne3A_288 : i32
        %lt3A_290 = arith.constant 0 : i32
        %lt3A_291 = arith.cmpi slt, %rem3A_287, %lt3A_290 : i32
        %lt3A_292 = arith.constant 0 : i32
        %lt3A_293 = arith.cmpi slt, %select_n3A_286, %lt3A_292 : i32
        %ne3A_294 = arith.xori %lt3A_291, %lt3A_293 : i1
        %and3A_295 = arith.andi %ne3A_294, %ne3A_289 : i1
        %add3A_296 = arith.addi %rem3A_287, %select_n3A_286 : i32
        %select_n3A_297 = arith.select %and3A_295, %add3A_296, %rem3A_287 : i32
        %mul3A_298 = arith.constant 64 : i32
        %mul3A_299 = arith.muli %select_n3A_297, %mul3A_298 : i32
        %dma_start3A_300 = tpu.memref_slice %arg6[%select_n3A, %mul3A_299] : memref<50x128xi32, #tpu.memory_space<vmem>> -> memref<1x64xi32, #tpu.memory_space<vmem>>
        %dma_start3A_301 = tpu.memref_squeeze %dma_start3A_300 : memref<1x64xi32, #tpu.memory_space<vmem>> -> memref<64xi32, #tpu.memory_space<vmem>>
        %dma_start3A_302 = arith.constant 0 : i32
        %dma_start3A_303 = arith.constant 0 : i32
        %dma_start3A_304 = tpu.memref_slice %arg4[%dma_start3A_302, %dma_start3A_303] : memref<100000x128xf32, #tpu.memory_space<hbm>> -> memref<100000x128xf32, #tpu.memory_space<hbm>>
        tpu.enqueue_indirect_dma source(%dma_start3A_304 : memref<100000x128xf32, #tpu.memory_space<hbm>>) target(%arg12 : memref<64x128xf32, #tpu.memory_space<vmem>>) offsets(%dma_start3A_301 : memref<64xi32, #tpu.memory_space<vmem>>) semaphore(%arg21 : memref<!tpu.dma_semaphore, #tpu.memory_space<semaphore_mem>>)
        %dma_start3A_305 = arith.constant 0 : i32
        %dma_start3A_306 = tpu.memref_slice %arg2[%select_n3A, %multiple_of3A_281, %dma_start3A_305] : memref<50x4096x128xf32, #tpu.memory_space<hbm>> -> memref<1x64x128xf32, #tpu.memory_space<hbm>>
        %dma_start3A_307 = tpu.memref_squeeze %dma_start3A_306 : memref<1x64x128xf32, #tpu.memory_space<hbm>> -> memref<64x128xf32, #tpu.memory_space<hbm>>
        %dma_start3A_308 = arith.constant 0 : i32
        %dma_start3A_309 = tpu.memref_slice %arg2[%select_n3A, %multiple_of3A_281, %dma_start3A_308] : memref<50x4096x128xf32, #tpu.memory_space<hbm>> -> memref<1x64x128xf32, #tpu.memory_space<hbm>>
        %dma_start3A_310 = tpu.memref_squeeze %dma_start3A_309 : memref<1x64x128xf32, #tpu.memory_space<hbm>> -> memref<64x128xf32, #tpu.memory_space<hbm>>
        tpu.enqueue_dma source(%dma_start3A_310 : memref<64x128xf32, #tpu.memory_space<hbm>>) target(%arg11 : memref<64x128xf32, #tpu.memory_space<vmem>>) target_semaphore(%arg20 : memref<!tpu.dma_semaphore, #tpu.memory_space<semaphore_mem>>)
      } else {
      }
      %mul3A_210 = arith.constant 4 : i32
      %mul3A_211 = arith.muli %scan3A_100, %mul3A_210 : i32
      %add3A_212 = arith.constant 3 : i32
      %add3A_213 = arith.addi %mul3A_211, %add3A_212 : i32
      %dma_wait3A_214 = arith.constant 0 : i32
      %dma_wait3A_215 = arith.constant 0 : i32
      %dma_wait3A_216 = arith.constant 0 : i32
      %dma_wait3A_217 = tpu.memref_slice %arg2[%dma_wait3A_214, %dma_wait3A_215, %dma_wait3A_216] : memref<50x4096x128xf32, #tpu.memory_space<hbm>> -> memref<1x64x128xf32, #tpu.memory_space<hbm>>
      %dma_wait3A_218 = tpu.memref_squeeze %dma_wait3A_217 : memref<1x64x128xf32, #tpu.memory_space<hbm>> -> memref<64x128xf32, #tpu.memory_space<hbm>>
      %dma_wait3A_219 = arith.constant 0 : i32
      %dma_wait3A_220 = arith.constant 0 : i32
      %dma_wait3A_221 = tpu.memref_slice %arg2[%dma_wait3A_214, %dma_wait3A_219, %dma_wait3A_220] : memref<50x4096x128xf32, #tpu.memory_space<hbm>> -> memref<1x64x128xf32, #tpu.memory_space<hbm>>
      %dma_wait3A_222 = tpu.memref_squeeze %dma_wait3A_221 : memref<1x64x128xf32, #tpu.memory_space<hbm>> -> memref<64x128xf32, #tpu.memory_space<hbm>>
      tpu.wait_dma2 semaphore(%arg22 : memref<!tpu.dma_semaphore, #tpu.memory_space<semaphore_mem>>) src(%dma_wait3A_222 : memref<64x128xf32, #tpu.memory_space<hbm>>) dst(%arg13 : memref<64x128xf32, #tpu.memory_space<vmem>>)
      %dma_wait3A_223 = arith.constant 0 : i32
      %dma_wait3A_224 = arith.constant 0 : i32
      %dma_wait3A_225 = arith.constant 0 : i32
      %dma_wait3A_226 = tpu.memref_slice %arg2[%dma_wait3A_223, %dma_wait3A_224, %dma_wait3A_225] : memref<50x4096x128xf32, #tpu.memory_space<hbm>> -> memref<1x64x128xf32, #tpu.memory_space<hbm>>
      %dma_wait3A_227 = tpu.memref_squeeze %dma_wait3A_226 : memref<1x64x128xf32, #tpu.memory_space<hbm>> -> memref<64x128xf32, #tpu.memory_space<hbm>>
      %dma_wait3A_228 = arith.constant 0 : i32
      %dma_wait3A_229 = arith.constant 0 : i32
      %dma_wait3A_230 = tpu.memref_slice %arg2[%dma_wait3A_223, %dma_wait3A_228, %dma_wait3A_229] : memref<50x4096x128xf32, #tpu.memory_space<hbm>> -> memref<1x64x128xf32, #tpu.memory_space<hbm>>
      %dma_wait3A_231 = tpu.memref_squeeze %dma_wait3A_230 : memref<1x64x128xf32, #tpu.memory_space<hbm>> -> memref<64x128xf32, #tpu.memory_space<hbm>>
      tpu.wait_dma2 semaphore(%arg23 : memref<!tpu.dma_semaphore, #tpu.memory_space<semaphore_mem>>) src(%dma_wait3A_231 : memref<64x128xf32, #tpu.memory_space<hbm>>) dst(%arg14 : memref<64x128xf32, #tpu.memory_space<vmem>>)
      %scan3A_232 = arith.constant 0 : i32
      %scan3A_233 = arith.constant 16 : i32
      %scan3A_234 = arith.addi %scan3A_232, %scan3A_233 : i32
      %scan3A_235 = arith.constant 1 : i32
      %scan3A_236:8 = scf.for %scan3A_245 = %scan3A_232 to %scan3A_234 step %scan3A_235 iter_args(%scan3A_246 = %scan3A_201#0, %scan3A_247 = %scan3A_201#1, %scan3A_248 = %scan3A_201#2, %scan3A_249 = %scan3A_201#3, %scan3A_250 = %scan3A_201#4, %scan3A_251 = %scan3A_201#5, %scan3A_252 = %scan3A_201#6, %scan3A_253 = %scan3A_201#7) -> (vector<16xf32>, vector<16xf32>, vector<16xf32>, vector<16xf32>, vector<16xf32>, vector<16xf32>, vector<16xf32>, vector<16xf32>)  : i32 {
        %mul3A_254 = arith.constant 4 : i32
        %mul3A_255 = arith.muli %scan3A_245, %mul3A_254 : i32
        %add3A_256 = arith.constant 0 : i32
        %add3A_257 = arith.addi %mul3A_255, %add3A_256 : i32
        %get3A = arith.index_cast %add3A_257 : i32 to index
        %get3A_258 = arith.constant 0 : index
        %get3A_259 = tpu.vector_load %arg13[%get3A, %get3A_258] {strides = array<i32>} : memref<64x128xf32, #tpu.memory_space<vmem>>, vector<1x16xf32>,
        %get3A_260 = vector.shape_cast %get3A_259 : vector<1x16xf32> to vector<16xf32>
        %get3A_261 = arith.index_cast %add3A_257 : i32 to index
        %get3A_262 = arith.constant 0 : index
        %get3A_263 = tpu.vector_load %arg14[%get3A_261, %get3A_262] {strides = array<i32>} : memref<64x128xf32, #tpu.memory_space<vmem>>, vector<1x16xf32>,
        %get3A_264 = vector.shape_cast %get3A_263 : vector<1x16xf32> to vector<16xf32>
        %sub3A = arith.subf %get3A_260, %get3A_264 : vector<16xf32>
        %mul3A_265 = arith.mulf %sub3A, %sub3A : vector<16xf32>
        %add3A_266 = arith.addf %scan3A_246, %mul3A_265 : vector<16xf32>
        %get3A_267 = arith.index_cast %add3A_257 : i32 to index
        %get3A_268 = arith.constant 16 : index
        %get3A_269 = tpu.vector_load %arg13[%get3A_267, %get3A_268] {strides = array<i32>} : memref<64x128xf32, #tpu.memory_space<vmem>>, vector<1x16xf32>,
        %get3A_270 = vector.shape_cast %get3A_269 : vector<1x16xf32> to vector<16xf32>
        %get3A_271 = arith.index_cast %add3A_257 : i32 to index
        %get3A_272 = arith.constant 16 : index
        %get3A_273 = tpu.vector_load %arg14[%get3A_271, %get3A_272] {strides = array<i32>} : memref<64x128xf32, #tpu.memory_space<vmem>>, vector<1x16xf32>,
        %get3A_274 = vector.shape_cast %get3A_273 : vector<1x16xf32> to vector<16xf32>
        %sub3A_275 = arith.subf %get3A_270, %get3A_274 : vector<16xf32>
        %mul3A_276 = arith.mulf %sub3A_275, %sub3A_275 : vector<16xf32>
        %add3A_277 = arith.addf %scan3A_247, %mul3A_276 : vector<16xf32>
        %get3A_278 = arith.index_cast %add3A_257 : i32 to index
        %get3A_279 = arith.constant 32 : index
        %get3A_280 = tpu.vector_load %arg13[%get3A_278, %get3A_279] {strides = array<i32>} : memref<64x128xf32, #tpu.memory_space<vmem>>, vector<1x16xf32>,
        %get3A_281 = vector.shape_cast %get3A_280 : vector<1x16xf32> to vector<16xf32>
        %get3A_282 = arith.index_cast %add3A_257 : i32 to index
        %get3A_283 = arith.constant 32 : index
        %get3A_284 = tpu.vector_load %arg14[%get3A_282, %get3A_283] {strides = array<i32>} : memref<64x128xf32, #tpu.memory_space<vmem>>, vector<1x16xf32>,
        %get3A_285 = vector.shape_cast %get3A_284 : vector<1x16xf32> to vector<16xf32>
        %sub3A_286 = arith.subf %get3A_281, %get3A_285 : vector<16xf32>
        %mul3A_287 = arith.mulf %sub3A_286, %sub3A_286 : vector<16xf32>
        %add3A_288 = arith.addf %scan3A_248, %mul3A_287 : vector<16xf32>
        %get3A_289 = arith.index_cast %add3A_257 : i32 to index
        %get3A_290 = arith.constant 48 : index
        %get3A_291 = tpu.vector_load %arg13[%get3A_289, %get3A_290] {strides = array<i32>} : memref<64x128xf32, #tpu.memory_space<vmem>>, vector<1x16xf32>,
        %get3A_292 = vector.shape_cast %get3A_291 : vector<1x16xf32> to vector<16xf32>
        %get3A_293 = arith.index_cast %add3A_257 : i32 to index
        %get3A_294 = arith.constant 48 : index
        %get3A_295 = tpu.vector_load %arg14[%get3A_293, %get3A_294] {strides = array<i32>} : memref<64x128xf32, #tpu.memory_space<vmem>>, vector<1x16xf32>,
        %get3A_296 = vector.shape_cast %get3A_295 : vector<1x16xf32> to vector<16xf32>
        %sub3A_297 = arith.subf %get3A_292, %get3A_296 : vector<16xf32>
        %mul3A_298 = arith.mulf %sub3A_297, %sub3A_297 : vector<16xf32>
        %add3A_299 = arith.addf %scan3A_249, %mul3A_298 : vector<16xf32>
        %get3A_300 = arith.index_cast %add3A_257 : i32 to index
        %get3A_301 = arith.constant 64 : index
        %get3A_302 = tpu.vector_load %arg13[%get3A_300, %get3A_301] {strides = array<i32>} : memref<64x128xf32, #tpu.memory_space<vmem>>, vector<1x16xf32>,
        %get3A_303 = vector.shape_cast %get3A_302 : vector<1x16xf32> to vector<16xf32>
        %get3A_304 = arith.index_cast %add3A_257 : i32 to index
        %get3A_305 = arith.constant 64 : index
        %get3A_306 = tpu.vector_load %arg14[%get3A_304, %get3A_305] {strides = array<i32>} : memref<64x128xf32, #tpu.memory_space<vmem>>, vector<1x16xf32>,
        %get3A_307 = vector.shape_cast %get3A_306 : vector<1x16xf32> to vector<16xf32>
        %sub3A_308 = arith.subf %get3A_303, %get3A_307 : vector<16xf32>
        %mul3A_309 = arith.mulf %sub3A_308, %sub3A_308 : vector<16xf32>
        %add3A_310 = arith.addf %scan3A_250, %mul3A_309 : vector<16xf32>
        %get3A_311 = arith.index_cast %add3A_257 : i32 to index
        %get3A_312 = arith.constant 80 : index
        %get3A_313 = tpu.vector_load %arg13[%get3A_311, %get3A_312] {strides = array<i32>} : memref<64x128xf32, #tpu.memory_space<vmem>>, vector<1x16xf32>,
        %get3A_314 = vector.shape_cast %get3A_313 : vector<1x16xf32> to vector<16xf32>
        %get3A_315 = arith.index_cast %add3A_257 : i32 to index
        %get3A_316 = arith.constant 80 : index
        %get3A_317 = tpu.vector_load %arg14[%get3A_315, %get3A_316] {strides = array<i32>} : memref<64x128xf32, #tpu.memory_space<vmem>>, vector<1x16xf32>,
        %get3A_318 = vector.shape_cast %get3A_317 : vector<1x16xf32> to vector<16xf32>
        %sub3A_319 = arith.subf %get3A_314, %get3A_318 : vector<16xf32>
        %mul3A_320 = arith.mulf %sub3A_319, %sub3A_319 : vector<16xf32>
        %add3A_321 = arith.addf %scan3A_251, %mul3A_320 : vector<16xf32>
        %get3A_322 = arith.index_cast %add3A_257 : i32 to index
        %get3A_323 = arith.constant 96 : index
        %get3A_324 = tpu.vector_load %arg13[%get3A_322, %get3A_323] {strides = array<i32>} : memref<64x128xf32, #tpu.memory_space<vmem>>, vector<1x16xf32>,
        %get3A_325 = vector.shape_cast %get3A_324 : vector<1x16xf32> to vector<16xf32>
        %get3A_326 = arith.index_cast %add3A_257 : i32 to index
        %get3A_327 = arith.constant 96 : index
        %get3A_328 = tpu.vector_load %arg14[%get3A_326, %get3A_327] {strides = array<i32>} : memref<64x128xf32, #tpu.memory_space<vmem>>, vector<1x16xf32>,
        %get3A_329 = vector.shape_cast %get3A_328 : vector<1x16xf32> to vector<16xf32>
        %sub3A_330 = arith.subf %get3A_325, %get3A_329 : vector<16xf32>
        %mul3A_331 = arith.mulf %sub3A_330, %sub3A_330 : vector<16xf32>
        %add3A_332 = arith.addf %scan3A_252, %mul3A_331 : vector<16xf32>
        %get3A_333 = arith.index_cast %add3A_257 : i32 to index
        %get3A_334 = arith.constant 112 : index
        %get3A_335 = tpu.vector_load %arg13[%get3A_333, %get3A_334] {strides = array<i32>} : memref<64x128xf32, #tpu.memory_space<vmem>>, vector<1x16xf32>,
        %get3A_336 = vector.shape_cast %get3A_335 : vector<1x16xf32> to vector<16xf32>
        %get3A_337 = arith.index_cast %add3A_257 : i32 to index
        %get3A_338 = arith.constant 112 : index
        %get3A_339 = tpu.vector_load %arg14[%get3A_337, %get3A_338] {strides = array<i32>} : memref<64x128xf32, #tpu.memory_space<vmem>>, vector<1x16xf32>,
        %get3A_340 = vector.shape_cast %get3A_339 : vector<1x16xf32> to vector<16xf32>
        %sub3A_341 = arith.subf %get3A_336, %get3A_340 : vector<16xf32>
        %mul3A_342 = arith.mulf %sub3A_341, %sub3A_341 : vector<16xf32>
        %add3A_343 = arith.addf %scan3A_253, %mul3A_342 : vector<16xf32>
        %mul3A_344 = arith.constant 4 : i32
        %mul3A_345 = arith.muli %scan3A_245, %mul3A_344 : i32
        %add3A_346 = arith.constant 1 : i32
        %add3A_347 = arith.addi %mul3A_345, %add3A_346 : i32
        %get3A_348 = arith.index_cast %add3A_347 : i32 to index
        %get3A_349 = arith.constant 0 : index
        %get3A_350 = tpu.vector_load %arg13[%get3A_348, %get3A_349] {strides = array<i32>} : memref<64x128xf32, #tpu.memory_space<vmem>>, vector<1x16xf32>,
        %get3A_351 = vector.shape_cast %get3A_350 : vector<1x16xf32> to vector<16xf32>
        %get3A_352 = arith.index_cast %add3A_347 : i32 to index
        %get3A_353 = arith.constant 0 : index
        %get3A_354 = tpu.vector_load %arg14[%get3A_352, %get3A_353] {strides = array<i32>} : memref<64x128xf32, #tpu.memory_space<vmem>>, vector<1x16xf32>,
        %get3A_355 = vector.shape_cast %get3A_354 : vector<1x16xf32> to vector<16xf32>
        %sub3A_356 = arith.subf %get3A_351, %get3A_355 : vector<16xf32>
        %mul3A_357 = arith.mulf %sub3A_356, %sub3A_356 : vector<16xf32>
        %add3A_358 = arith.addf %add3A_266, %mul3A_357 : vector<16xf32>
        %get3A_359 = arith.index_cast %add3A_347 : i32 to index
        %get3A_360 = arith.constant 16 : index
        %get3A_361 = tpu.vector_load %arg13[%get3A_359, %get3A_360] {strides = array<i32>} : memref<64x128xf32, #tpu.memory_space<vmem>>, vector<1x16xf32>,
        %get3A_362 = vector.shape_cast %get3A_361 : vector<1x16xf32> to vector<16xf32>
        %get3A_363 = arith.index_cast %add3A_347 : i32 to index
        %get3A_364 = arith.constant 16 : index
        %get3A_365 = tpu.vector_load %arg14[%get3A_363, %get3A_364] {strides = array<i32>} : memref<64x128xf32, #tpu.memory_space<vmem>>, vector<1x16xf32>,
        %get3A_366 = vector.shape_cast %get3A_365 : vector<1x16xf32> to vector<16xf32>
        %sub3A_367 = arith.subf %get3A_362, %get3A_366 : vector<16xf32>
        %mul3A_368 = arith.mulf %sub3A_367, %sub3A_367 : vector<16xf32>
        %add3A_369 = arith.addf %add3A_277, %mul3A_368 : vector<16xf32>
        %get3A_370 = arith.index_cast %add3A_347 : i32 to index
        %get3A_371 = arith.constant 32 : index
        %get3A_372 = tpu.vector_load %arg13[%get3A_370, %get3A_371] {strides = array<i32>} : memref<64x128xf32, #tpu.memory_space<vmem>>, vector<1x16xf32>,
        %get3A_373 = vector.shape_cast %get3A_372 : vector<1x16xf32> to vector<16xf32>
        %get3A_374 = arith.index_cast %add3A_347 : i32 to index
        %get3A_375 = arith.constant 32 : index
        %get3A_376 = tpu.vector_load %arg14[%get3A_374, %get3A_375] {strides = array<i32>} : memref<64x128xf32, #tpu.memory_space<vmem>>, vector<1x16xf32>,
        %get3A_377 = vector.shape_cast %get3A_376 : vector<1x16xf32> to vector<16xf32>
        %sub3A_378 = arith.subf %get3A_373, %get3A_377 : vector<16xf32>
        %mul3A_379 = arith.mulf %sub3A_378, %sub3A_378 : vector<16xf32>
        %add3A_380 = arith.addf %add3A_288, %mul3A_379 : vector<16xf32>
        %get3A_381 = arith.index_cast %add3A_347 : i32 to index
        %get3A_382 = arith.constant 48 : index
        %get3A_383 = tpu.vector_load %arg13[%get3A_381, %get3A_382] {strides = array<i32>} : memref<64x128xf32, #tpu.memory_space<vmem>>, vector<1x16xf32>,
        %get3A_384 = vector.shape_cast %get3A_383 : vector<1x16xf32> to vector<16xf32>
        %get3A_385 = arith.index_cast %add3A_347 : i32 to index
        %get3A_386 = arith.constant 48 : index
        %get3A_387 = tpu.vector_load %arg14[%get3A_385, %get3A_386] {strides = array<i32>} : memref<64x128xf32, #tpu.memory_space<vmem>>, vector<1x16xf32>,
        %get3A_388 = vector.shape_cast %get3A_387 : vector<1x16xf32> to vector<16xf32>
        %sub3A_389 = arith.subf %get3A_384, %get3A_388 : vector<16xf32>
        %mul3A_390 = arith.mulf %sub3A_389, %sub3A_389 : vector<16xf32>
        %add3A_391 = arith.addf %add3A_299, %mul3A_390 : vector<16xf32>
        %get3A_392 = arith.index_cast %add3A_347 : i32 to index
        %get3A_393 = arith.constant 64 : index
        %get3A_394 = tpu.vector_load %arg13[%get3A_392, %get3A_393] {strides = array<i32>} : memref<64x128xf32, #tpu.memory_space<vmem>>, vector<1x16xf32>,
        %get3A_395 = vector.shape_cast %get3A_394 : vector<1x16xf32> to vector<16xf32>
        %get3A_396 = arith.index_cast %add3A_347 : i32 to index
        %get3A_397 = arith.constant 64 : index
        %get3A_398 = tpu.vector_load %arg14[%get3A_396, %get3A_397] {strides = array<i32>} : memref<64x128xf32, #tpu.memory_space<vmem>>, vector<1x16xf32>,
        %get3A_399 = vector.shape_cast %get3A_398 : vector<1x16xf32> to vector<16xf32>
        %sub3A_400 = arith.subf %get3A_395, %get3A_399 : vector<16xf32>
        %mul3A_401 = arith.mulf %sub3A_400, %sub3A_400 : vector<16xf32>
        %add3A_402 = arith.addf %add3A_310, %mul3A_401 : vector<16xf32>
        %get3A_403 = arith.index_cast %add3A_347 : i32 to index
        %get3A_404 = arith.constant 80 : index
        %get3A_405 = tpu.vector_load %arg13[%get3A_403, %get3A_404] {strides = array<i32>} : memref<64x128xf32, #tpu.memory_space<vmem>>, vector<1x16xf32>,
        %get3A_406 = vector.shape_cast %get3A_405 : vector<1x16xf32> to vector<16xf32>
        %get3A_407 = arith.index_cast %add3A_347 : i32 to index
        %get3A_408 = arith.constant 80 : index
        %get3A_409 = tpu.vector_load %arg14[%get3A_407, %get3A_408] {strides = array<i32>} : memref<64x128xf32, #tpu.memory_space<vmem>>, vector<1x16xf32>,
        %get3A_410 = vector.shape_cast %get3A_409 : vector<1x16xf32> to vector<16xf32>
        %sub3A_411 = arith.subf %get3A_406, %get3A_410 : vector<16xf32>
        %mul3A_412 = arith.mulf %sub3A_411, %sub3A_411 : vector<16xf32>
        %add3A_413 = arith.addf %add3A_321, %mul3A_412 : vector<16xf32>
        %get3A_414 = arith.index_cast %add3A_347 : i32 to index
        %get3A_415 = arith.constant 96 : index
        %get3A_416 = tpu.vector_load %arg13[%get3A_414, %get3A_415] {strides = array<i32>} : memref<64x128xf32, #tpu.memory_space<vmem>>, vector<1x16xf32>,
        %get3A_417 = vector.shape_cast %get3A_416 : vector<1x16xf32> to vector<16xf32>
        %get3A_418 = arith.index_cast %add3A_347 : i32 to index
        %get3A_419 = arith.constant 96 : index
        %get3A_420 = tpu.vector_load %arg14[%get3A_418, %get3A_419] {strides = array<i32>} : memref<64x128xf32, #tpu.memory_space<vmem>>, vector<1x16xf32>,
        %get3A_421 = vector.shape_cast %get3A_420 : vector<1x16xf32> to vector<16xf32>
        %sub3A_422 = arith.subf %get3A_417, %get3A_421 : vector<16xf32>
        %mul3A_423 = arith.mulf %sub3A_422, %sub3A_422 : vector<16xf32>
        %add3A_424 = arith.addf %add3A_332, %mul3A_423 : vector<16xf32>
        %get3A_425 = arith.index_cast %add3A_347 : i32 to index
        %get3A_426 = arith.constant 112 : index
        %get3A_427 = tpu.vector_load %arg13[%get3A_425, %get3A_426] {strides = array<i32>} : memref<64x128xf32, #tpu.memory_space<vmem>>, vector<1x16xf32>,
        %get3A_428 = vector.shape_cast %get3A_427 : vector<1x16xf32> to vector<16xf32>
        %get3A_429 = arith.index_cast %add3A_347 : i32 to index
        %get3A_430 = arith.constant 112 : index
        %get3A_431 = tpu.vector_load %arg14[%get3A_429, %get3A_430] {strides = array<i32>} : memref<64x128xf32, #tpu.memory_space<vmem>>, vector<1x16xf32>,
        %get3A_432 = vector.shape_cast %get3A_431 : vector<1x16xf32> to vector<16xf32>
        %sub3A_433 = arith.subf %get3A_428, %get3A_432 : vector<16xf32>
        %mul3A_434 = arith.mulf %sub3A_433, %sub3A_433 : vector<16xf32>
        %add3A_435 = arith.addf %add3A_343, %mul3A_434 : vector<16xf32>
        %mul3A_436 = arith.constant 4 : i32
        %mul3A_437 = arith.muli %scan3A_245, %mul3A_436 : i32
        %add3A_438 = arith.constant 2 : i32
        %add3A_439 = arith.addi %mul3A_437, %add3A_438 : i32
        %get3A_440 = arith.index_cast %add3A_439 : i32 to index
        %get3A_441 = arith.constant 0 : index
        %get3A_442 = tpu.vector_load %arg13[%get3A_440, %get3A_441] {strides = array<i32>} : memref<64x128xf32, #tpu.memory_space<vmem>>, vector<1x16xf32>,
        %get3A_443 = vector.shape_cast %get3A_442 : vector<1x16xf32> to vector<16xf32>
        %get3A_444 = arith.index_cast %add3A_439 : i32 to index
        %get3A_445 = arith.constant 0 : index
        %get3A_446 = tpu.vector_load %arg14[%get3A_444, %get3A_445] {strides = array<i32>} : memref<64x128xf32, #tpu.memory_space<vmem>>, vector<1x16xf32>,
        %get3A_447 = vector.shape_cast %get3A_446 : vector<1x16xf32> to vector<16xf32>
        %sub3A_448 = arith.subf %get3A_443, %get3A_447 : vector<16xf32>
        %mul3A_449 = arith.mulf %sub3A_448, %sub3A_448 : vector<16xf32>
        %add3A_450 = arith.addf %add3A_358, %mul3A_449 : vector<16xf32>
        %get3A_451 = arith.index_cast %add3A_439 : i32 to index
        %get3A_452 = arith.constant 16 : index
        %get3A_453 = tpu.vector_load %arg13[%get3A_451, %get3A_452] {strides = array<i32>} : memref<64x128xf32, #tpu.memory_space<vmem>>, vector<1x16xf32>,
        %get3A_454 = vector.shape_cast %get3A_453 : vector<1x16xf32> to vector<16xf32>
        %get3A_455 = arith.index_cast %add3A_439 : i32 to index
        %get3A_456 = arith.constant 16 : index
        %get3A_457 = tpu.vector_load %arg14[%get3A_455, %get3A_456] {strides = array<i32>} : memref<64x128xf32, #tpu.memory_space<vmem>>, vector<1x16xf32>,
        %get3A_458 = vector.shape_cast %get3A_457 : vector<1x16xf32> to vector<16xf32>
        %sub3A_459 = arith.subf %get3A_454, %get3A_458 : vector<16xf32>
        %mul3A_460 = arith.mulf %sub3A_459, %sub3A_459 : vector<16xf32>
        %add3A_461 = arith.addf %add3A_369, %mul3A_460 : vector<16xf32>
        %get3A_462 = arith.index_cast %add3A_439 : i32 to index
        %get3A_463 = arith.constant 32 : index
        %get3A_464 = tpu.vector_load %arg13[%get3A_462, %get3A_463] {strides = array<i32>} : memref<64x128xf32, #tpu.memory_space<vmem>>, vector<1x16xf32>,
        %get3A_465 = vector.shape_cast %get3A_464 : vector<1x16xf32> to vector<16xf32>
        %get3A_466 = arith.index_cast %add3A_439 : i32 to index
        %get3A_467 = arith.constant 32 : index
        %get3A_468 = tpu.vector_load %arg14[%get3A_466, %get3A_467] {strides = array<i32>} : memref<64x128xf32, #tpu.memory_space<vmem>>, vector<1x16xf32>,
        %get3A_469 = vector.shape_cast %get3A_468 : vector<1x16xf32> to vector<16xf32>
        %sub3A_470 = arith.subf %get3A_465, %get3A_469 : vector<16xf32>
        %mul3A_471 = arith.mulf %sub3A_470, %sub3A_470 : vector<16xf32>
        %add3A_472 = arith.addf %add3A_380, %mul3A_471 : vector<16xf32>
        %get3A_473 = arith.index_cast %add3A_439 : i32 to index
        %get3A_474 = arith.constant 48 : index
        %get3A_475 = tpu.vector_load %arg13[%get3A_473, %get3A_474] {strides = array<i32>} : memref<64x128xf32, #tpu.memory_space<vmem>>, vector<1x16xf32>,
        %get3A_476 = vector.shape_cast %get3A_475 : vector<1x16xf32> to vector<16xf32>
        %get3A_477 = arith.index_cast %add3A_439 : i32 to index
        %get3A_478 = arith.constant 48 : index
        %get3A_479 = tpu.vector_load %arg14[%get3A_477, %get3A_478] {strides = array<i32>} : memref<64x128xf32, #tpu.memory_space<vmem>>, vector<1x16xf32>,
        %get3A_480 = vector.shape_cast %get3A_479 : vector<1x16xf32> to vector<16xf32>
        %sub3A_481 = arith.subf %get3A_476, %get3A_480 : vector<16xf32>
        %mul3A_482 = arith.mulf %sub3A_481, %sub3A_481 : vector<16xf32>
        %add3A_483 = arith.addf %add3A_391, %mul3A_482 : vector<16xf32>
        %get3A_484 = arith.index_cast %add3A_439 : i32 to index
        %get3A_485 = arith.constant 64 : index
        %get3A_486 = tpu.vector_load %arg13[%get3A_484, %get3A_485] {strides = array<i32>} : memref<64x128xf32, #tpu.memory_space<vmem>>, vector<1x16xf32>,
        %get3A_487 = vector.shape_cast %get3A_486 : vector<1x16xf32> to vector<16xf32>
        %get3A_488 = arith.index_cast %add3A_439 : i32 to index
        %get3A_489 = arith.constant 64 : index
        %get3A_490 = tpu.vector_load %arg14[%get3A_488, %get3A_489] {strides = array<i32>} : memref<64x128xf32, #tpu.memory_space<vmem>>, vector<1x16xf32>,
        %get3A_491 = vector.shape_cast %get3A_490 : vector<1x16xf32> to vector<16xf32>
        %sub3A_492 = arith.subf %get3A_487, %get3A_491 : vector<16xf32>
        %mul3A_493 = arith.mulf %sub3A_492, %sub3A_492 : vector<16xf32>
        %add3A_494 = arith.addf %add3A_402, %mul3A_493 : vector<16xf32>
        %get3A_495 = arith.index_cast %add3A_439 : i32 to index
        %get3A_496 = arith.constant 80 : index
        %get3A_497 = tpu.vector_load %arg13[%get3A_495, %get3A_496] {strides = array<i32>} : memref<64x128xf32, #tpu.memory_space<vmem>>, vector<1x16xf32>,
        %get3A_498 = vector.shape_cast %get3A_497 : vector<1x16xf32> to vector<16xf32>
        %get3A_499 = arith.index_cast %add3A_439 : i32 to index
        %get3A_500 = arith.constant 80 : index
        %get3A_501 = tpu.vector_load %arg14[%get3A_499, %get3A_500] {strides = array<i32>} : memref<64x128xf32, #tpu.memory_space<vmem>>, vector<1x16xf32>,
        %get3A_502 = vector.shape_cast %get3A_501 : vector<1x16xf32> to vector<16xf32>
        %sub3A_503 = arith.subf %get3A_498, %get3A_502 : vector<16xf32>
        %mul3A_504 = arith.mulf %sub3A_503, %sub3A_503 : vector<16xf32>
        %add3A_505 = arith.addf %add3A_413, %mul3A_504 : vector<16xf32>
        %get3A_506 = arith.index_cast %add3A_439 : i32 to index
        %get3A_507 = arith.constant 96 : index
        %get3A_508 = tpu.vector_load %arg13[%get3A_506, %get3A_507] {strides = array<i32>} : memref<64x128xf32, #tpu.memory_space<vmem>>, vector<1x16xf32>,
        %get3A_509 = vector.shape_cast %get3A_508 : vector<1x16xf32> to vector<16xf32>
        %get3A_510 = arith.index_cast %add3A_439 : i32 to index
        %get3A_511 = arith.constant 96 : index
        %get3A_512 = tpu.vector_load %arg14[%get3A_510, %get3A_511] {strides = array<i32>} : memref<64x128xf32, #tpu.memory_space<vmem>>, vector<1x16xf32>,
        %get3A_513 = vector.shape_cast %get3A_512 : vector<1x16xf32> to vector<16xf32>
        %sub3A_514 = arith.subf %get3A_509, %get3A_513 : vector<16xf32>
        %mul3A_515 = arith.mulf %sub3A_514, %sub3A_514 : vector<16xf32>
        %add3A_516 = arith.addf %add3A_424, %mul3A_515 : vector<16xf32>
        %get3A_517 = arith.index_cast %add3A_439 : i32 to index
        %get3A_518 = arith.constant 112 : index
        %get3A_519 = tpu.vector_load %arg13[%get3A_517, %get3A_518] {strides = array<i32>} : memref<64x128xf32, #tpu.memory_space<vmem>>, vector<1x16xf32>,
        %get3A_520 = vector.shape_cast %get3A_519 : vector<1x16xf32> to vector<16xf32>
        %get3A_521 = arith.index_cast %add3A_439 : i32 to index
        %get3A_522 = arith.constant 112 : index
        %get3A_523 = tpu.vector_load %arg14[%get3A_521, %get3A_522] {strides = array<i32>} : memref<64x128xf32, #tpu.memory_space<vmem>>, vector<1x16xf32>,
        %get3A_524 = vector.shape_cast %get3A_523 : vector<1x16xf32> to vector<16xf32>
        %sub3A_525 = arith.subf %get3A_520, %get3A_524 : vector<16xf32>
        %mul3A_526 = arith.mulf %sub3A_525, %sub3A_525 : vector<16xf32>
        %add3A_527 = arith.addf %add3A_435, %mul3A_526 : vector<16xf32>
        %mul3A_528 = arith.constant 4 : i32
        %mul3A_529 = arith.muli %scan3A_245, %mul3A_528 : i32
        %add3A_530 = arith.constant 3 : i32
        %add3A_531 = arith.addi %mul3A_529, %add3A_530 : i32
        %get3A_532 = arith.index_cast %add3A_531 : i32 to index
        %get3A_533 = arith.constant 0 : index
        %get3A_534 = tpu.vector_load %arg13[%get3A_532, %get3A_533] {strides = array<i32>} : memref<64x128xf32, #tpu.memory_space<vmem>>, vector<1x16xf32>,
        %get3A_535 = vector.shape_cast %get3A_534 : vector<1x16xf32> to vector<16xf32>
        %get3A_536 = arith.index_cast %add3A_531 : i32 to index
        %get3A_537 = arith.constant 0 : index
        %get3A_538 = tpu.vector_load %arg14[%get3A_536, %get3A_537] {strides = array<i32>} : memref<64x128xf32, #tpu.memory_space<vmem>>, vector<1x16xf32>,
        %get3A_539 = vector.shape_cast %get3A_538 : vector<1x16xf32> to vector<16xf32>
        %sub3A_540 = arith.subf %get3A_535, %get3A_539 : vector<16xf32>
        %mul3A_541 = arith.mulf %sub3A_540, %sub3A_540 : vector<16xf32>
        %add3A_542 = arith.addf %add3A_450, %mul3A_541 : vector<16xf32>
        %get3A_543 = arith.index_cast %add3A_531 : i32 to index
        %get3A_544 = arith.constant 16 : index
        %get3A_545 = tpu.vector_load %arg13[%get3A_543, %get3A_544] {strides = array<i32>} : memref<64x128xf32, #tpu.memory_space<vmem>>, vector<1x16xf32>,
        %get3A_546 = vector.shape_cast %get3A_545 : vector<1x16xf32> to vector<16xf32>
        %get3A_547 = arith.index_cast %add3A_531 : i32 to index
        %get3A_548 = arith.constant 16 : index
        %get3A_549 = tpu.vector_load %arg14[%get3A_547, %get3A_548] {strides = array<i32>} : memref<64x128xf32, #tpu.memory_space<vmem>>, vector<1x16xf32>,
        %get3A_550 = vector.shape_cast %get3A_549 : vector<1x16xf32> to vector<16xf32>
        %sub3A_551 = arith.subf %get3A_546, %get3A_550 : vector<16xf32>
        %mul3A_552 = arith.mulf %sub3A_551, %sub3A_551 : vector<16xf32>
        %add3A_553 = arith.addf %add3A_461, %mul3A_552 : vector<16xf32>
        %get3A_554 = arith.index_cast %add3A_531 : i32 to index
        %get3A_555 = arith.constant 32 : index
        %get3A_556 = tpu.vector_load %arg13[%get3A_554, %get3A_555] {strides = array<i32>} : memref<64x128xf32, #tpu.memory_space<vmem>>, vector<1x16xf32>,
        %get3A_557 = vector.shape_cast %get3A_556 : vector<1x16xf32> to vector<16xf32>
        %get3A_558 = arith.index_cast %add3A_531 : i32 to index
        %get3A_559 = arith.constant 32 : index
        %get3A_560 = tpu.vector_load %arg14[%get3A_558, %get3A_559] {strides = array<i32>} : memref<64x128xf32, #tpu.memory_space<vmem>>, vector<1x16xf32>,
        %get3A_561 = vector.shape_cast %get3A_560 : vector<1x16xf32> to vector<16xf32>
        %sub3A_562 = arith.subf %get3A_557, %get3A_561 : vector<16xf32>
        %mul3A_563 = arith.mulf %sub3A_562, %sub3A_562 : vector<16xf32>
        %add3A_564 = arith.addf %add3A_472, %mul3A_563 : vector<16xf32>
        %get3A_565 = arith.index_cast %add3A_531 : i32 to index
        %get3A_566 = arith.constant 48 : index
        %get3A_567 = tpu.vector_load %arg13[%get3A_565, %get3A_566] {strides = array<i32>} : memref<64x128xf32, #tpu.memory_space<vmem>>, vector<1x16xf32>,
        %get3A_568 = vector.shape_cast %get3A_567 : vector<1x16xf32> to vector<16xf32>
        %get3A_569 = arith.index_cast %add3A_531 : i32 to index
        %get3A_570 = arith.constant 48 : index
        %get3A_571 = tpu.vector_load %arg14[%get3A_569, %get3A_570] {strides = array<i32>} : memref<64x128xf32, #tpu.memory_space<vmem>>, vector<1x16xf32>,
        %get3A_572 = vector.shape_cast %get3A_571 : vector<1x16xf32> to vector<16xf32>
        %sub3A_573 = arith.subf %get3A_568, %get3A_572 : vector<16xf32>
        %mul3A_574 = arith.mulf %sub3A_573, %sub3A_573 : vector<16xf32>
        %add3A_575 = arith.addf %add3A_483, %mul3A_574 : vector<16xf32>
        %get3A_576 = arith.index_cast %add3A_531 : i32 to index
        %get3A_577 = arith.constant 64 : index
        %get3A_578 = tpu.vector_load %arg13[%get3A_576, %get3A_577] {strides = array<i32>} : memref<64x128xf32, #tpu.memory_space<vmem>>, vector<1x16xf32>,
        %get3A_579 = vector.shape_cast %get3A_578 : vector<1x16xf32> to vector<16xf32>
        %get3A_580 = arith.index_cast %add3A_531 : i32 to index
        %get3A_581 = arith.constant 64 : index
        %get3A_582 = tpu.vector_load %arg14[%get3A_580, %get3A_581] {strides = array<i32>} : memref<64x128xf32, #tpu.memory_space<vmem>>, vector<1x16xf32>,
        %get3A_583 = vector.shape_cast %get3A_582 : vector<1x16xf32> to vector<16xf32>
        %sub3A_584 = arith.subf %get3A_579, %get3A_583 : vector<16xf32>
        %mul3A_585 = arith.mulf %sub3A_584, %sub3A_584 : vector<16xf32>
        %add3A_586 = arith.addf %add3A_494, %mul3A_585 : vector<16xf32>
        %get3A_587 = arith.index_cast %add3A_531 : i32 to index
        %get3A_588 = arith.constant 80 : index
        %get3A_589 = tpu.vector_load %arg13[%get3A_587, %get3A_588] {strides = array<i32>} : memref<64x128xf32, #tpu.memory_space<vmem>>, vector<1x16xf32>,
        %get3A_590 = vector.shape_cast %get3A_589 : vector<1x16xf32> to vector<16xf32>
        %get3A_591 = arith.index_cast %add3A_531 : i32 to index
        %get3A_592 = arith.constant 80 : index
        %get3A_593 = tpu.vector_load %arg14[%get3A_591, %get3A_592] {strides = array<i32>} : memref<64x128xf32, #tpu.memory_space<vmem>>, vector<1x16xf32>,
        %get3A_594 = vector.shape_cast %get3A_593 : vector<1x16xf32> to vector<16xf32>
        %sub3A_595 = arith.subf %get3A_590, %get3A_594 : vector<16xf32>
        %mul3A_596 = arith.mulf %sub3A_595, %sub3A_595 : vector<16xf32>
        %add3A_597 = arith.addf %add3A_505, %mul3A_596 : vector<16xf32>
        %get3A_598 = arith.index_cast %add3A_531 : i32 to index
        %get3A_599 = arith.constant 96 : index
        %get3A_600 = tpu.vector_load %arg13[%get3A_598, %get3A_599] {strides = array<i32>} : memref<64x128xf32, #tpu.memory_space<vmem>>, vector<1x16xf32>,
        %get3A_601 = vector.shape_cast %get3A_600 : vector<1x16xf32> to vector<16xf32>
        %get3A_602 = arith.index_cast %add3A_531 : i32 to index
        %get3A_603 = arith.constant 96 : index
        %get3A_604 = tpu.vector_load %arg14[%get3A_602, %get3A_603] {strides = array<i32>} : memref<64x128xf32, #tpu.memory_space<vmem>>, vector<1x16xf32>,
        %get3A_605 = vector.shape_cast %get3A_604 : vector<1x16xf32> to vector<16xf32>
        %sub3A_606 = arith.subf %get3A_601, %get3A_605 : vector<16xf32>
        %mul3A_607 = arith.mulf %sub3A_606, %sub3A_606 : vector<16xf32>
        %add3A_608 = arith.addf %add3A_516, %mul3A_607 : vector<16xf32>
        %get3A_609 = arith.index_cast %add3A_531 : i32 to index
        %get3A_610 = arith.constant 112 : index
        %get3A_611 = tpu.vector_load %arg13[%get3A_609, %get3A_610] {strides = array<i32>} : memref<64x128xf32, #tpu.memory_space<vmem>>, vector<1x16xf32>,
        %get3A_612 = vector.shape_cast %get3A_611 : vector<1x16xf32> to vector<16xf32>
        %get3A_613 = arith.index_cast %add3A_531 : i32 to index
        %get3A_614 = arith.constant 112 : index
        %get3A_615 = tpu.vector_load %arg14[%get3A_613, %get3A_614] {strides = array<i32>} : memref<64x128xf32, #tpu.memory_space<vmem>>, vector<1x16xf32>,
        %get3A_616 = vector.shape_cast %get3A_615 : vector<1x16xf32> to vector<16xf32>
        %sub3A_617 = arith.subf %get3A_612, %get3A_616 : vector<16xf32>
        %mul3A_618 = arith.mulf %sub3A_617, %sub3A_617 : vector<16xf32>
        %add3A_619 = arith.addf %add3A_527, %mul3A_618 : vector<16xf32>
        scf.yield %add3A_542, %add3A_553, %add3A_564, %add3A_575, %add3A_586, %add3A_597, %add3A_608, %add3A_619 : vector<16xf32>, vector<16xf32>, vector<16xf32>, vector<16xf32>, vector<16xf32>, vector<16xf32>, vector<16xf32>, vector<16xf32>
      }
      %scan3A_237 = arith.constant 16 : i32
      %add3A_238 = arith.constant 4 : i32
      %add3A_239 = arith.addi %add3A_213, %add3A_238 : i32
      %lt3A_240 = arith.constant 100 : i32
      %lt3A_241 = arith.cmpi slt, %add3A_239, %lt3A_240 : i32
      %convert_element_type3A_242 = arith.extui %lt3A_241 : i1 to i32
      %cond3A_243 = arith.constant 0 : i32
      %cond3A_244 = arith.cmpi ne, %convert_element_type3A_242, %cond3A_243 : i32
      scf.if %cond3A_244 {
        %add3A_245 = arith.constant 4 : i32
        %add3A_246 = arith.addi %add3A_213, %add3A_245 : i32
        %jit3A = arith.constant 2 : i32
        %div3A = arith.divsi %add3A_246, %jit3A : i32
        %sign3A = arith.constant 0 : i32
        %sign3A_247 = arith.cmpi sgt, %add3A_246, %sign3A : i32
        %sign3A_248 = arith.extui %sign3A_247 : i1 to i32
        %sign3A_249 = arith.constant 0 : i32
        %sign3A_250 = arith.cmpi slt, %add3A_246, %sign3A_249 : i32
        %sign3A_251 = arith.extui %sign3A_250 : i1 to i32
        %sign3A_252 = arith.subi %sign3A_248, %sign3A_251 : i32
        %sign3A_253 = arith.constant 0 : i32
        %sign3A_254 = arith.cmpi sgt, %jit3A, %sign3A_253 : i32
        %sign3A_255 = arith.extui %sign3A_254 : i1 to i32
        %sign3A_256 = arith.constant 0 : i32
        %sign3A_257 = arith.cmpi slt, %jit3A, %sign3A_256 : i32
        %sign3A_258 = arith.extui %sign3A_257 : i1 to i32
        %sign3A_259 = arith.subi %sign3A_255, %sign3A_258 : i32
        %ne3A = arith.cmpi ne, %sign3A_252, %sign3A_259 : i32
        %rem3A = arith.remsi %add3A_246, %jit3A : i32
        %ne3A_260 = arith.constant 0 : i32
        %ne3A_261 = arith.cmpi ne, %rem3A, %ne3A_260 : i32
        %and3A = arith.andi %ne3A, %ne3A_261 : i1
        %sub3A = arith.constant 1 : i32
        %sub3A_262 = arith.subi %div3A, %sub3A : i32
        %select_n3A = arith.select %and3A, %sub3A_262, %div3A : i32
        %jit3A_263 = arith.constant 2 : i32
        %eq3A = arith.constant 0 : i32
        %eq3A_264 = arith.cmpi eq, %jit3A_263, %eq3A : i32
        %jit3A_265 = arith.constant 1 : i32
        %select_n3A_266 = arith.select %eq3A_264, %jit3A_265, %jit3A_263 : i32
        %rem3A_267 = arith.remsi %add3A_246, %select_n3A_266 : i32
        %ne3A_268 = arith.constant 0 : i32
        %ne3A_269 = arith.cmpi ne, %rem3A_267, %ne3A_268 : i32
        %lt3A_270 = arith.constant 0 : i32
        %lt3A_271 = arith.cmpi slt, %rem3A_267, %lt3A_270 : i32
        %lt3A_272 = arith.constant 0 : i32
        %lt3A_273 = arith.cmpi slt, %select_n3A_266, %lt3A_272 : i32
        %ne3A_274 = arith.xori %lt3A_271, %lt3A_273 : i1
        %and3A_275 = arith.andi %ne3A_274, %ne3A_269 : i1
        %add3A_276 = arith.addi %rem3A_267, %select_n3A_266 : i32
        %select_n3A_277 = arith.select %and3A_275, %add3A_276, %rem3A_267 : i32
        %mul3A_278 = arith.constant 64 : i32
        %mul3A_279 = arith.muli %select_n3A_277, %mul3A_278 : i32
        %add3A_280 = arith.addi %multiple_of3A, %mul3A_279 : i32
        %multiple_of3A_281 = tpu.assume_multiple %add3A_280, 64 : i32
        %jit3A_282 = arith.constant 2 : i32
        %eq3A_283 = arith.constant 0 : i32
        %eq3A_284 = arith.cmpi eq, %jit3A_282, %eq3A_283 : i32
        %jit3A_285 = arith.constant 1 : i32
        %select_n3A_286 = arith.select %eq3A_284, %jit3A_285, %jit3A_282 : i32
        %rem3A_287 = arith.remsi %add3A_246, %select_n3A_286 : i32
        %ne3A_288 = arith.constant 0 : i32
        %ne3A_289 = arith.cmpi ne, %rem3A_287, %ne3A_288 : i32
        %lt3A_290 = arith.constant 0 : i32
        %lt3A_291 = arith.cmpi slt, %rem3A_287, %lt3A_290 : i32
        %lt3A_292 = arith.constant 0 : i32
        %lt3A_293 = arith.cmpi slt, %select_n3A_286, %lt3A_292 : i32
        %ne3A_294 = arith.xori %lt3A_291, %lt3A_293 : i1
        %and3A_295 = arith.andi %ne3A_294, %ne3A_289 : i1
        %add3A_296 = arith.addi %rem3A_287, %select_n3A_286 : i32
        %select_n3A_297 = arith.select %and3A_295, %add3A_296, %rem3A_287 : i32
        %mul3A_298 = arith.constant 64 : i32
        %mul3A_299 = arith.muli %select_n3A_297, %mul3A_298 : i32
        %dma_start3A_300 = tpu.memref_slice %arg6[%select_n3A, %mul3A_299] : memref<50x128xi32, #tpu.memory_space<vmem>> -> memref<1x64xi32, #tpu.memory_space<vmem>>
        %dma_start3A_301 = tpu.memref_squeeze %dma_start3A_300 : memref<1x64xi32, #tpu.memory_space<vmem>> -> memref<64xi32, #tpu.memory_space<vmem>>
        %dma_start3A_302 = arith.constant 0 : i32
        %dma_start3A_303 = arith.constant 0 : i32
        %dma_start3A_304 = tpu.memref_slice %arg4[%dma_start3A_302, %dma_start3A_303] : memref<100000x128xf32, #tpu.memory_space<hbm>> -> memref<100000x128xf32, #tpu.memory_space<hbm>>
        tpu.enqueue_indirect_dma source(%dma_start3A_304 : memref<100000x128xf32, #tpu.memory_space<hbm>>) target(%arg14 : memref<64x128xf32, #tpu.memory_space<vmem>>) offsets(%dma_start3A_301 : memref<64xi32, #tpu.memory_space<vmem>>) semaphore(%arg23 : memref<!tpu.dma_semaphore, #tpu.memory_space<semaphore_mem>>)
        %dma_start3A_305 = arith.constant 0 : i32
        %dma_start3A_306 = tpu.memref_slice %arg2[%select_n3A, %multiple_of3A_281, %dma_start3A_305] : memref<50x4096x128xf32, #tpu.memory_space<hbm>> -> memref<1x64x128xf32, #tpu.memory_space<hbm>>
        %dma_start3A_307 = tpu.memref_squeeze %dma_start3A_306 : memref<1x64x128xf32, #tpu.memory_space<hbm>> -> memref<64x128xf32, #tpu.memory_space<hbm>>
        %dma_start3A_308 = arith.constant 0 : i32
        %dma_start3A_309 = tpu.memref_slice %arg2[%select_n3A, %multiple_of3A_281, %dma_start3A_308] : memref<50x4096x128xf32, #tpu.memory_space<hbm>> -> memref<1x64x128xf32, #tpu.memory_space<hbm>>
        %dma_start3A_310 = tpu.memref_squeeze %dma_start3A_309 : memref<1x64x128xf32, #tpu.memory_space<hbm>> -> memref<64x128xf32, #tpu.memory_space<hbm>>
        tpu.enqueue_dma source(%dma_start3A_310 : memref<64x128xf32, #tpu.memory_space<hbm>>) target(%arg13 : memref<64x128xf32, #tpu.memory_space<vmem>>) target_semaphore(%arg22 : memref<!tpu.dma_semaphore, #tpu.memory_space<semaphore_mem>>)
      } else {
      }
      scf.yield %scan3A_236#0, %scan3A_236#1, %scan3A_236#2, %scan3A_236#3, %scan3A_236#4, %scan3A_236#5, %scan3A_236#6, %scan3A_236#7 : vector<16xf32>, vector<16xf32>, vector<16xf32>, vector<16xf32>, vector<16xf32>, vector<16xf32>, vector<16xf32>, vector<16xf32>
    }
    %scan3A_89 = arith.constant 25 : i32
    %add3A_90 = arith.addf %scan3A_88#0, %scan3A_88#1 : vector<16xf32>
    %add3A_91 = arith.addf %add3A_90, %scan3A_88#2 : vector<16xf32>
    %add3A_92 = arith.addf %add3A_91, %scan3A_88#3 : vector<16xf32>
    %add3A_93 = arith.addf %add3A_92, %scan3A_88#4 : vector<16xf32>
    %add3A_94 = arith.addf %add3A_93, %scan3A_88#5 : vector<16xf32>
    %add3A_95 = arith.addf %add3A_94, %scan3A_88#6 : vector<16xf32>
    %add3A_96 = arith.addf %add3A_95, %scan3A_88#7 : vector<16xf32>
    %swap3A = arith.constant 0 : index
    %swap3A_97 = tpu.vector_load %arg15[%swap3A] {strides = array<i32>} : memref<16xf32, #tpu.memory_space<vmem>>, vector<16xf32>,
    %swap3A_98 = vector.shape_cast %swap3A_97 : vector<16xf32> to vector<16xf32>
    %swap3A_99 = vector.shape_cast %add3A_96 : vector<16xf32> to vector<16xf32>
    tpu.vector_store %arg15[%swap3A], %swap3A_99 {strides = array<i32>} : memref<16xf32, #tpu.memory_space<vmem>>, vector<16xf32>,
    "tpu.region"() ({
      %run_scoped3A = tpu.sem_alloc : memref<!tpu.dma_semaphore, #tpu.memory_space<semaphore_mem>>
      %dma_start3A_100 = arith.constant 0 : i32
      %dma_start3A_101 = tpu.memref_slice %arg5[%add3A, %dma_start3A_100] : memref<32x16xf32, #tpu.memory_space<hbm>> -> memref<1x16xf32, #tpu.memory_space<hbm>>
      %dma_start3A_102 = tpu.memref_squeeze %dma_start3A_101 : memref<1x16xf32, #tpu.memory_space<hbm>> -> memref<16xf32, #tpu.memory_space<hbm>>
      %dma_start3A_103 = arith.constant 0 : i32
      %dma_start3A_104 = tpu.memref_slice %arg5[%add3A, %dma_start3A_103] : memref<32x16xf32, #tpu.memory_space<hbm>> -> memref<1x16xf32, #tpu.memory_space<hbm>>
      %dma_start3A_105 = tpu.memref_squeeze %dma_start3A_104 : memref<1x16xf32, #tpu.memory_space<hbm>> -> memref<16xf32, #tpu.memory_space<hbm>>
      tpu.enqueue_dma source(%arg15 : memref<16xf32, #tpu.memory_space<vmem>>) target(%dma_start3A_105 : memref<16xf32, #tpu.memory_space<hbm>>) target_semaphore(%run_scoped3A : memref<!tpu.dma_semaphore, #tpu.memory_space<semaphore_mem>>)
      %dma_wait3A = arith.constant 0 : i32
      %dma_wait3A_106 = tpu.memref_slice %arg5[%add3A, %dma_wait3A] : memref<32x16xf32, #tpu.memory_space<hbm>> -> memref<1x16xf32, #tpu.memory_space<hbm>>
      %dma_wait3A_107 = tpu.memref_squeeze %dma_wait3A_106 : memref<1x16xf32, #tpu.memory_space<hbm>> -> memref<16xf32, #tpu.memory_space<hbm>>
      %dma_wait3A_108 = arith.constant 0 : i32
      %dma_wait3A_109 = tpu.memref_slice %arg5[%add3A, %dma_wait3A_108] : memref<32x16xf32, #tpu.memory_space<hbm>> -> memref<1x16xf32, #tpu.memory_space<hbm>>
      %dma_wait3A_110 = tpu.memref_squeeze %dma_wait3A_109 : memref<1x16xf32, #tpu.memory_space<hbm>> -> memref<16xf32, #tpu.memory_space<hbm>>
      tpu.wait_dma2 semaphore(%run_scoped3A : memref<!tpu.dma_semaphore, #tpu.memory_space<semaphore_mem>>) src(%arg15 : memref<16xf32, #tpu.memory_space<vmem>>) dst(%dma_wait3A_110 : memref<16xf32, #tpu.memory_space<hbm>>)
      tpu.yield
    }) : () -> ()
    return
  }
}

</mosaic_0001>

<sc_bundles>
// kernel: _sc_partials.3.cloned.1.call-start
scs
__scs_entry_jumppad:
0x0: {  	(pc) =	sbr.rel $0x88, $3  }
0x1: {  	(tag) =	ssettag $0x0;
	lr =	simm.s32 $0x1  }
0x2: {  	[smem:$0x3F9E] =	sst lr;
	_ =	strace $0xD0000000  }
0x3: {  	_ = 	snop  }
0x4: {  	_ = 	snop  }
0x5: {  	_ = 	snop  }
0x6: {  	_ = 	snop  }
0x7: {  	_ = 	snop  }
__scs_overlays_trampoline_lowered:
0x8: {  	[smem:$0x3FAD] =	sst s0  }
0x9: {  	[smem:$0x3FAE] =	sst s1  }
0xa: {  	[smem:$0x3FAF] =	sst s2  }
0xb: {  	[smem:$0x3FB0] =	sst s3  }
0xc: {  	[smem:$0x3FB1] =	sst s4  }
0xd: {  	[smem:$0x3FB2] =	sst s5  }
0xe: {  	[smem:$0x3FB3] =	sst s6  }
0xf: {  	[smem:$0x3FB4] =	sst s7  }
0x10: {  	[smem:$0x3FB5] =	sst s8  }
0x11: {  	[smem:$0x3FB6] =	sst s9;
	s0 =	simm.s32 @!p0 $0x0  }
0x12: {  	s1 =	sld [smem:$0x3F9C];
	s0 =	simm.s32 @p0 $0x1  }
0x13: {  	[smem:$0x3FB7] =	sst s0;
	s0 =	simm.s32 @!p1 $0x0  }
0x14: {  	s2 =	sld [smem:$0x3F9B];
	s0 =	simm.s32 @p1 $0x1  }
0x15: {  	[smem:$0x3FB8] =	sst s0;
	s0 =	simm.s32 @!p2 $0x0  }
0x16: {  	s3 =	sld [smem:$0x3FDB];
	s0 =	simm.s32 @p2 $0x1  }
0x17: {  	s4 =	simm.s32 $0x1BF5;
	[smem:$0x3FBA] =	sst s0  }
0x18: {  	s0 =	sld [smem:$0x3F9D];
	_ =	swait.ge [sflag:s4], $0x0  }
0x19: {  	s7 =	sld [smem:$0x3F9E]  }
0x1a: {  	s8 =	sadd.s32 $0xFFFFE003, lr  }
0x1b: {  	s9 =	sadd.s32 $0xFFFFFEF7, lr;
	s5 =	simm.s32 $0xFFFFFFFF;
	p2 =	slt.u32 s8, $0xFFFFF086  }
0x1c: {  	p1 =	slt.u32 s9, $0xF7A;
	s5 =	simm.s32 @!p2 $0x0  }
0x1d: {  	s5 =	simm.s32 @p1 $0x1;
	p0 =	seq.s32 s7, s2  }
0x1e: {  	s7 =	smul.u32 @!p0 $0xF7A, s2;
	p2 =	seq.s32 @!p0 s5, $0x0  }
0x1f: {  	s9 =	smul.u32 $0xF7A, s1;
	s8 =	simm.s32 @!p0 $0x1BF5;
	p2 =	por !p2, p0  }
0x20: {  	[sflag:s8] =	ssyncset.s32 @!p0 $0xFFFFF086;
	s6 =	sadd.s32 @!p0 s3, s7;
	s7 =	simm.s32 @!p0 $0x108  }
0x21: {  	s3 =	sadd.s32 s3, s9;
	s6 =	sadd.s32 @!p0 $0x88, s6;
	s7 =	simm.s32 @p2 $0x1082  }
0x22: {  	[simem:s7], [sflag:s8] =	dma.local @!p0 [hbm:s6], $0xF7A  }
0x23: {  	s9 =	sor.u32 $0xD0000000, s2;
	s6 =	simm.s32 $0x108;
	_ =	swait.ge @!p0 [sflag:s8], $0x0  }
0x24: {  	s3 =	sadd.s32 $0x88, s3;
	s6 =	simm.s32 @!p1 $0x1082;
	[sflag:s4] =	ssyncset.s32 $0xFFFFF086  }
0x25: {  	[simem:s6], [sflag:s4] =	dma.local [hbm:s3], $0xF7A  }
0x26: {  	[smem:$0x3F9E] =	sst s1;
	(tag) =	ssettag s2;
	_ =	strace s9  }
0x27: {  	s1 =	sld [smem:$0x3FAE]  }
0x28: {  	s2 =	sld [smem:$0x3FAF]  }
0x29: {  	s4 =	sld [smem:$0x3FB1]  }
0x2a: {  	p0 =	seq.s32 s5, $0x0;
	s5 =	sld [smem:$0x3FB2]  }
0x2b: {  	s6 =	sld [smem:$0x3FB3]  }
0x2c: {  	s7 =	sld [smem:$0x3FB4]  }
0x2d: {  	s3 =	simm.s32 $0x108;
	s8 =	sld [smem:$0x3FB5]  }
0x2e: {  	s3 =	simm.s32 @!p0 $0x1082;
	s9 =	sld [smem:$0x3FB6]  }
0x2f: {  	lr =	sadd.s32 s0, s3;
	s0 =	sld [smem:$0x3FAD]  }
0x30: {  	s3 =	sld [smem:$0x3FB0]  }
0x31: {  	[smem:$0x3FB9] =	sst s10  }
0x32: {  	s10 =	sld [smem:$0x3FB7];
	_ =	sdelay $0x3  }
0x33: {  	p0 =	seq.s32 s10, $0x1;
	s10 =	sld [smem:$0x3FB9];
	_ =	sdelay $0x3  }
0x34: {  	[smem:$0x3FB9] =	sst s10  }
0x35: {  	s10 =	sld [smem:$0x3FB8];
	_ =	sdelay $0x3  }
0x36: {  	p1 =	seq.s32 s10, $0x1;
	s10 =	sld [smem:$0x3FB9];
	_ =	sdelay $0x3  }
0x37: {  	[smem:$0x3FB9] =	sst s10  }
0x38: {  	s10 =	sld [smem:$0x3FBA]  }
0x39: {  	_ = 	snop;
	(pc) =	sbr.ind lr, $3  }
0x3a: {  	_ = 	snop  }
0x3b: {  	_ = 	snop  }
0x3c: {  	p2 =	seq.s32 s10, $0x1;
	s10 =	sld [smem:$0x3FB9]  }
0x3d: {  	_ =	shalt  }
0x3e: {  	_ =	shalt  }
0x3f: {  	_ =	shalt  }
0x40: {  	_ =	shalt  }
0x41: {  	_ =	shalt  }
0x42: {  	_ =	shalt  }
0x43: {  	_ =	shalt  }
0x44: {  	_ =	shalt  }
0x45: {  	_ =	shalt  }
0x46: {  	_ =	shalt  }
0x47: {  	_ =	shalt  }
0x48: {  	_ =	shalt  }
0x49: {  	_ =	shalt  }
0x4a: {  	_ =	shalt  }
0x4b: {  	_ =	shalt  }
0x4c: {  	_ =	shalt  }
0x4d: {  	_ =	shalt  }
0x4e: {  	_ =	shalt  }
0x4f: {  	_ =	shalt  }
0x50: {  	_ =	shalt  }
0x51: {  	_ =	shalt  }
0x52: {  	_ =	shalt  }
0x53: {  	_ =	shalt  }
0x54: {  	_ =	shalt  }
0x55: {  	_ =	shalt  }
0x56: {  	_ =	shalt  }
0x57: {  	_ =	shalt  }
0x58: {  	_ =	shalt  }
0x59: {  	_ =	shalt  }
0x5a: {  	_ =	shalt  }
0x5b: {  	_ =	shalt  }
0x5c: {  	_ =	shalt  }
0x5d: {  	_ =	shalt  }
0x5e: {  	_ =	shalt  }
0x5f: {  	_ =	shalt  }
0x60: {  	_ =	shalt  }
0x61: {  	_ =	shalt  }
0x62: {  	_ =	shalt  }
0x63: {  	_ =	shalt  }
0x64: {  	_ =	shalt  }
0x65: {  	_ =	shalt  }
0x66: {  	_ =	shalt  }
0x67: {  	_ =	shalt  }
0x68: {  	_ =	shalt  }
0x69: {  	_ =	shalt  }
0x6a: {  	_ =	shalt  }
0x6b: {  	_ =	shalt  }
0x6c: {  	_ =	shalt  }
0x6d: {  	_ =	shalt  }
0x6e: {  	_ =	shalt  }
0x6f: {  	_ =	shalt  }
0x70: {  	_ =	shalt  }
0x71: {  	_ =	shalt  }
0x72: {  	_ =	shalt  }
0x73: {  	_ =	shalt  }
0x74: {  	_ =	shalt  }
0x75: {  	_ =	shalt  }
0x76: {  	_ =	shalt  }
0x77: {  	_ =	shalt  }
0x78: {  	_ =	shalt  }
0x79: {  	_ =	shalt  }
0x7a: {  	_ =	shalt  }
0x7b: {  	_ =	shalt  }
0x7c: {  	_ =	shalt  }
0x7d: {  	_ =	shalt  }
0x7e: {  	_ =	shalt  }
0x7f: {  	_ =	shalt  }
0x80: {  	_ =	shalt  }
0x81: {  	_ =	shalt  }
0x82: {  	_ =	shalt  }
0x83: {  	_ =	shalt  }
0x84: {  	_ =	shalt  }
0x85: {  	_ =	shalt  }
0x86: {  	_ =	shalt  }
0x87: {  	_ =	shalt  }
.Lfunc_end0:
.L_simem_size_0:
called_computation_lowered:
.L_overlay_start_0:
0x88: {  	s2 =	sld [smem:$0x3FD9]  }
0x89: {  	s3 =	sld [smem:$0x3FFE];
	_ =	sdelay $0x1  }
0x8a: {  	s1 =	srdreg.scid  }
0x8b: {  	s0 =	sand.u32 $0x1, s1  }
0x8c: {  	s17 =	sshll.u32 s0, $0xA;
	s2 =	sadd.s32 s3, s2  }
0x8d: {  	s2 =	sadd.s32 s2, s17  }
0x8e: {  	[smem:$0x3FC5] =	sst s2  }
0x8f: {  	_ = 	snop  }
0x90: {  	s2 =	sld [smem:$0x3FC9]  }
0x91: {  	s18 =	sld [smem:$0x3FC8]  }
0x92: {  	s4 =	sld [smem:$0x3FC7];
	(tm) =	ssettm $0x1  }
0x93: {  	s5 =	sld [smem:$0x3FFB];
	_ =	sdelay $0x3  }
0x94: {  	_ =	strace s5  }
0x95: {  	s5 =	sld [smem:$0x3FFC];
	_ =	sdelay $0x3  }
0x96: {  	_ =	strace s5  }
0x97: {  	s5 =	sld [smem:$0x3FFD];
	_ =	sdelay $0x3  }
0x98: {  	_ =	strace s5  }
0x99: {  	_ =	strace $0x8FFFFFFF  }
0x9a: {  	s19 =	sld [smem:$0x3FDB];
	_ =	sdelay $0x1  }
0x9b: {  	s6 =	simm.s32 $_scs_section_size  }
0x9c: {  	s7 =	simm.s32 $_size__tile_overlayer_lowered;
	s8 =	simm.s32 $_tile_overlayer_lowered  }
0x9d: {  	s22 =	simm.s32 $0x1BFF;
	s21 =	sshll.u32 s8, $0x1;
	s5 =	sadd.s32 s6, s19  }
0x9e: {  	s9 =	simm.s32 $0x0;
	s20 =	sshll.u32 s7, $0x1;
	s7 =	sadd.s32 s21, s5  }
0x9f: {  	[timem:s9], [sflag:s22] =	dma.local [hbm:s7], s20  }
0xa0: {  	_ =	swait.ge [sflag:s22], s20  }
0xa1: {  	s6 =	ssub.s32 $0x0, s20;
	[sflag:s22] =	ssyncset.done $0x0  }
0xa2: {  	[sflag:s22] =	ssyncadd.s32 s6;
	_ =	sdelay $0x1  }
0xa3: {  	s23 =	simm.s32 $0x1B8B  }
0xa4: {  	_ =	swait.ge [sflag:s23], $0x1  }
0xa5: {  	[sflag:s23] =	ssyncset.done $0x0  }
0xa6: {  	s25 =	simm.s32 $0x1B8E;
	s24 =	sld [smem:$0x3FFE];
	[sflag:s23] =	ssyncadd.s32 $0xFFFFFFFF  }
0xa7: {  	s26 =	simm.s32 $execute0_lowered;
	[smem:$0x3FD2] =	sst s25  }
0xa8: {  	s7 =	sshll.u32 s26, $0x1;
	_ =	strace $0x80000046;
	[dreg:$0x1] =	wrdreg $0xFFFFFFFF  }
0xa9: {  	s28 =	simm.s32 $_size_execute0_lowered;
	s5 =	sadd.s32 s5, s7;
	[dreg:$0x0] =	wrdreg $0x0  }
0xaa: {  	s7 =	sshll.u32 s28, $0x1;
	[dreg:$0x2] =	wrdreg s5  }
0xab: {  	[dreg:$0x3] =	wrdreg s7  }
0xac: {  	[dreg:$0x4] =	wrdreg $0xC0  }
0xad: {  	_ =	task [dreg:s9], $0x5FFFF  }
0xae: {  	[dreg:$0x1] =	wrdreg $0xFFFFFFFF  }
0xaf: {  	[dreg:$0x0] =	wrdreg $0x60  }
0xb0: {  	[dreg:$0x2] =	wrdreg s2  }
0xb1: {  	[dreg:$0x3] =	wrdreg s18  }
0xb2: {  	[dreg:$0x4] =	wrdreg s4  }
0xb3: {  	[dreg:$0x5] =	wrdreg s24  }
0xb4: {  	[dreg:$0x6] =	wrdreg $0x9  }
0xb5: {  	_ =	task.clear_ibuf [dreg:s9], $0x7FFFF;
	_ =	strace $0x90000046  }
0xb6: {  	s29 =	simm.s32 $0x9;
	_ =	strace $0x80000048  }
0xb7: {  	_ =	swait.ge [sflag:s29], $0x1  }
0xb8: {  	[sflag:s29] =	ssyncadd.s32 $0xFFFFFFFF  }
0xb9: {  	_ =	strace $0x90000048  }
0xba: {  	_ =	sfence  }
0xbb: {  	s30 =	sld [smem:$0x0];
	_ =	sdelay $0x2  }
0xbc: {  	s31 =	sshll.u32 s1, $0xD;
	s1 =	sshrl.u32 s1, $0x2  }
0xbd: {  	s3 =	sand.u32 $0x4000, s31;
	s1 =	sadd.s32 s1, s30  }
0xbe: {  	s0 =	sor.u32 s3, s0;
	s1 =	sshll.u32 s1, $0x11  }
0xbf: {  	s0 =	sor.u32 s1, s0  }
0xc0: {  	s0 =	sadd.s32 $0x8F2B, s0  }
0xc1: {  	[sflag:s0] =	ssyncadd.remote.s32 $0x1  }
0xc2: {  	_ =	sfence.sel $0xFFFF  }
0xc3: {  	[dreg:$0x0] =	wrdreg $0xFFFFFFFF;
	(pc) =	sbr.abs _section_cstart, $3  }
0xc4: {  	[dreg:$0x1] =	wrdreg $0xFFFFFFFF  }
0xc5: {  	_ =	task.clear_ibuf [dreg:s9], $0x2FFFF;
	_ =	strace $0x9FFFFFFF  }
0xc6: {  	(tm) =	ssettm $0x7FFFFFFF  }
0xc7: {  	_ =	shalt  }
tec
execute0_lowered:
.L_overlay_start_1:
0x0: {  	(tag) =	ssettag $0x1  }
0x1: {  	s0 =	rddreg [dreg:$0x0]  }
0x2: {  	s1 =	rddreg [dreg:$0x1]  }
0x3: {  	s2 =	rddreg [dreg:$0x2]  }
0x4: {  	s4 =	rddreg [dreg:$0x3]  }
0x5: {  	s5 =	srdreg.scid;
	s6 =	stileid.u32  }
0x6: {  	s3 =	simm.s32 $0x0;
	s15 =	simm.s32 $0x9;
	s16 =	simm.s32 $0x40  }
0x7: {  	s28 =	simm.s32 $0x1;
	s29 =	simm.s32 $0x2;
	s30 =	simm.s32 $0x3  }
0x8: {  	s31 =	simm.s32 $0x4;
	s12 =	simm.s32 $0x7;
	s13 =	simm.s32 $0x8  }
0x9: {  	s14 =	simm.s32 $0x11C00;
	s5 =	sand.u32 $0x1, s5;
	s6 =	sshll.u32 s6, $0x1  }
0xa: {  	s17 =	simm.s32 $0x0;
	[smem:$0x7FF] =	sst s3;
	s6 =	sor.u32 s5, s6  }
0xb: {  	_ =	strace $0x80000047;
	s5 =	ssub.s32 $0x2, s5;
	s7 =	sshll.u32 s6, $0x4  }
0xc: {  	s24 =	sshll.u32 s6, $0x7;
	s25 =	sshrl.u32 s5, $0x1;
	s26 =	sshll.u32 s6, $0xB  }
.Ltmp0:
0xd: {  	s10 =	sadd.s32 s7, s4;
	s4 =	sadd.s32 s1, s24;
	(pc) =	sbr.rel .LBB2_1-.Ltmp0, $4  }
0xe: {  	s11 =	ssub.s32 s5, s25;
	s6 =	sadd.s32 s0, s26;
	s25 =	simm.s32 $0xFC00  }
0xf: {  	s26 =	simm.s32 $0xDC00;
	s0 =	simm.s32 $0x5;
	s1 =	simm.s32 $0x6  }
0x10: {  	s5 =	sadd.s32 $0x6000, s4;
	s7 =	sadd.s32 $0x400, s6;
	s8 =	sadd.s32 $0x10000, s6  }
0x11: {  	s9 =	sadd.s32 $0x10400, s6;
	s10 =	sadd.s32 $0x400, s10;
	s11 =	smax.u32 s11, $0x1  }
.LBB2_12:
0x12: {  	v0 =	vadd.f32 v6, v7;
	_ =	sdelay $0x1  }
0x13: {  	v0 =	vadd.f32 v5, v0;
	_ =	sdelay $0x1  }
0x14: {  	v0 =	vadd.f32 v4, v0;
	_ =	sdelay $0x1  }
0x15: {  	v0 =	vadd.f32 v3, v0;
	_ =	sdelay $0x1  }
0x16: {  	v0 =	vadd.f32 v2, v0;
	_ =	sdelay $0x1  }
0x17: {  	v0 =	vadd.f32 v9, v0;
	_ =	sdelay $0x1  }
0x18: {  	s17 =	sadd.s32 $0x1, s17;
	v0 =	vadd.f32 v1, v0  }
0x19: {  	p0 =	sne.s32 s17, s11  }
.Ltmp1:
0x1a: {  	[tilespmem:$0x11C00] =	vst v0;
	(pc) =	sbr.rel @!p0 .LBB2_13-.Ltmp1, $4  }
0x1b: {  	[hbm4b:s10+s3] =	stream.linear.scatter [tilespmem:s14], [sflag:$0x9], $0x80, $0x38;
	[tilespmem:$0x11C80] =	vst v63  }
0x1c: {  	_ =	swait.ge [sflag:s15], $0x80  }
0x1d: {  	[sflag:s15] =	ssyncset.done $0x0  }
0x1e: {  	[sflag:s15] =	ssyncadd.s32 $0xFFFFFF80  }
.LBB2_1:
0x1f: {  	s18 =	simm.s32 $0x400;
	s19 =	simm.s32 $0x8000  }
0x20: {  	[tilespmem:s3], [sflag:$0x9] =	stream.strided.gather [hbm4b:s4+s18], $0x1800, s19, s18, $0x38;
	[tilespmem:$0x11C80] =	vst v63  }
0x21: {  	s22 =	simm.s32 $0x1800  }
0x22: {  	[tilespmem:s22], [sflag:$0x9] =	stream.linear.gather [hbm4b:s5+s3], $0x100, $0x38;
	[tilespmem:$0x11C80] =	vst v63  }
0x23: {  	_ =	swait.ge [sflag:s15], $0x1900  }
0x24: {  	[sflag:s15] =	ssyncset.done $0x0  }
0x25: {  	s23 =	simm.s32 $0x3C00;
	[sflag:s15] =	ssyncadd.s32 $0xFFFFE700  }
0x26: {  	[tilespmem:s23], [sflag:$0x2] =	stream.indirect.gather [hbm4b:s2+s16], $0x80, s3, s16, $0xb8;
	[tilespmem:$0x11C80] =	vst v63  }
0x27: {  	s24 =	simm.s32 $0x1C00  }
0x28: {  	[tilespmem:s24], [sflag:$0x1] =	stream.linear.gather [hbm4b:s6+s3], $0x2000, $0x38;
	[tilespmem:$0x11C80] =	vst v63  }
0x29: {  	s19 =	simm.s32 $0x7C00  }
0x2a: {  	[tilespmem:s19], [sflag:$0x4] =	stream.indirect.gather [hbm4b:s2+s16], $0x80, s16, s16, $0xb8;
	[tilespmem:$0x11C80] =	vst v63  }
0x2b: {  	s20 =	simm.s32 $0x5C00  }
0x2c: {  	[tilespmem:s20], [sflag:$0x3] =	stream.linear.gather [hbm4b:s7+s3], $0x2000, $0x38;
	[tilespmem:$0x11C80] =	vst v63  }
0x2d: {  	s21 =	simm.s32 $0x80;
	s22 =	simm.s32 $0xBC00  }
0x2e: {  	[tilespmem:s22], [sflag:$0x6] =	stream.indirect.gather [hbm4b:s2+s16], $0x80, s21, s16, $0xb8;
	[tilespmem:$0x11C80] =	vst v63  }
0x2f: {  	s23 =	simm.s32 $0x9C00  }
0x30: {  	[tilespmem:s23], [sflag:$0x5] =	stream.linear.gather [hbm4b:s8+s3], $0x2000, $0x38;
	[tilespmem:$0x11C80] =	vst v63  }
0x31: {  	s24 =	simm.s32 $0xC0  }
0x32: {  	v1 =	vimm.f32 $0.0e+00;
	v0 =	vimm.f32 $0.0e+00;
	[tilespmem:s25], [sflag:$0x8] =	stream.indirect.gather [hbm4b:s2+s16], $0x80, s24, s16, $0xb8;
	[tilespmem:$0x11C80] =	vst v63  }
0x33: {  	v2 =	vimm.f32 $0.0e+00;
	v3 =	vimm.f32 $0.0e+00;
	v4 =	vimm.f32 $0.0e+00;
	s18 =	simm.s32 $0x0  }
0x34: {  	v5 =	vimm.f32 $0.0e+00;
	v6 =	vimm.f32 $0.0e+00;
	v7 =	vimm.f32 $0.0e+00;
	[tilespmem:s26], [sflag:$0x7] =	stream.linear.gather [hbm4b:s9+s3], $0x2000, $0x38;
	[tilespmem:$0x11C80] =	vst v63  }
.LBB2_2:
0x35: {  	[tilespmem:$0x1FFE0] =	vst v1  }
0x36: {  	_ =	swait.ge [sflag:s28], $0x2000  }
0x37: {  	[sflag:s28] =	ssyncset.done $0x0  }
0x38: {  	[sflag:s28] =	ssyncadd.s32 $0xFFFFE000  }
0x39: {  	_ =	swait.ge [sflag:s29], $0x2000  }
0x3a: {  	[sflag:s29] =	ssyncset.done $0x0  }
0x3b: {  	s19 =	simm.s32 $0x0;
	[sflag:s29] =	ssyncadd.s32 $0xFFFFE000  }
0x3c: {  	v8 =	vld [tilespmem:s19+$0x1D80]  }
0x3d: {  	v9 =	vld [tilespmem:s19+$0x3D80]  }
0x3e: {  	v10 =	vld [tilespmem:s19+$0x1D90]  }
0x3f: {  	v27 =	vld [tilespmem:s19+$0x3D90]  }
0x40: {  	v12 =	vld [tilespmem:s19+$0x1DA0]  }
0x41: {  	v13 =	vld [tilespmem:s19+$0x3DA0]  }
0x42: {  	v14 =	vld [tilespmem:s19+$0x1DB0]  }
0x43: {  	v15 =	vld [tilespmem:s19+$0x3DB0]  }
0x44: {  	v16 =	vld [tilespmem:s19+$0x1DC0]  }
0x45: {  	v17 =	vld [tilespmem:s19+$0x3DC0]  }
0x46: {  	v18 =	vld [tilespmem:s19+$0x1DD0]  }
0x47: {  	v19 =	vld [tilespmem:s19+$0x3DD0]  }
0x48: {  	v20 =	vld [tilespmem:s19+$0x1DE0]  }
0x49: {  	v21 =	vld [tilespmem:s19+$0x3DE0]  }
0x4a: {  	v22 =	vld [tilespmem:s19+$0x1DF0]  }
0x4b: {  	v23 =	vld [tilespmem:s19+$0x3DF0]  }
0x4c: {  	v24 =	vld [tilespmem:s19+$0x1D00]  }
0x4d: {  	v25 =	vld [tilespmem:s19+$0x3D00]  }
0x4e: {  	v26 =	vld [tilespmem:s19+$0x1D10]  }
0x4f: {  	v11 =	vld [tilespmem:s19+$0x3D10]  }
0x50: {  	v28 =	vld [tilespmem:s19+$0x1D20]  }
0x51: {  	v29 =	vld [tilespmem:s19+$0x3D20]  }
0x52: {  	v30 =	vld [tilespmem:s19+$0x1D30]  }
0x53: {  	v31 =	vld [tilespmem:s19+$0x3D30]  }
0x54: {  	v32 =	vld [tilespmem:s19+$0x1D40]  }
0x55: {  	v33 =	vld [tilespmem:s19+$0x3D40]  }
0x56: {  	v34 =	vld [tilespmem:s19+$0x1D50]  }
0x57: {  	v35 =	vld [tilespmem:s19+$0x3D50]  }
0x58: {  	v36 =	vld [tilespmem:s19+$0x1D60]  }
0x59: {  	v37 =	vld [tilespmem:s19+$0x3D60]  }
0x5a: {  	v38 =	vld [tilespmem:s19+$0x1D70]  }
0x5b: {  	v39 =	vld [tilespmem:s19+$0x3D70]  }
0x5c: {  	v40 =	vld [tilespmem:s19+$0x1C80]  }
0x5d: {  	v41 =	vld [tilespmem:s19+$0x3C80]  }
0x5e: {  	v42 =	vld [tilespmem:s19+$0x1C90]  }
0x5f: {  	v43 =	vld [tilespmem:s19+$0x3C90]  }
0x60: {  	v44 =	vld [tilespmem:s19+$0x1CA0]  }
0x61: {  	v45 =	vld [tilespmem:s19+$0x3CA0]  }
0x62: {  	v46 =	vld [tilespmem:s19+$0x1CB0]  }
0x63: {  	v47 =	vld [tilespmem:s19+$0x3CB0]  }
0x64: {  	v48 =	vld [tilespmem:s19+$0x1CC0]  }
0x65: {  	v49 =	vld [tilespmem:s19+$0x3CC0]  }
0x66: {  	v50 =	vld [tilespmem:s19+$0x1CD0]  }
0x67: {  	v51 =	vld [tilespmem:s19+$0x3CD0]  }
0x68: {  	v52 =	vld [tilespmem:s19+$0x1CE0]  }
0x69: {  	v53 =	vld [tilespmem:s19+$0x3CE0]  }
0x6a: {  	v54 =	vld [tilespmem:s19+$0x1CF0]  }
0x6b: {  	v55 =	vld [tilespmem:s19+$0x3CF0]  }
0x6c: {  	v56 =	vld [tilespmem:s19+$0x1C00]  }
0x6d: {  	v57 =	vld [tilespmem:s19+$0x3C00];
	v8 =	vsub.f32 v8, v9;
	v58 =	vsub.f32 v10, v27  }
0x6e: {  	v59 =	vld [tilespmem:s19+$0x1C10];
	v13 =	vsub.f32 v12, v13;
	v14 =	vsub.f32 v14, v15  }
0x6f: {  	v60 =	vld [tilespmem:s19+$0x3C10];
	v27 =	vsub.f32 v16, v17;
	v18 =	vsub.f32 v18, v19  }
0x70: {  	v61 =	vld [tilespmem:s19+$0x1C20];
	v9 =	vsub.f32 v20, v21;
	v62 =	vsub.f32 v24, v25  }
0x71: {  	v63 =	vld [tilespmem:s19+$0x3C20];
	v26 =	vsub.f32 v26, v11;
	v28 =	vsub.f32 v28, v29  }
0x72: {  	v17 =	vld [tilespmem:s19+$0x1C30];
	v30 =	vsub.f32 v30, v31;
	v31 =	vsub.f32 v32, v33  }
0x73: {  	v32 =	vld [tilespmem:s19+$0x3C30];
	v33 =	vsub.f32 v34, v35;
	v12 =	vsub.f32 v36, v37  }
0x74: {  	v34 =	vld [tilespmem:s19+$0x1C40];
	v35 =	vsub.f32 v40, v41;
	v11 =	vsub.f32 v38, v39  }
0x75: {  	v36 =	vld [tilespmem:s19+$0x3C40];
	v37 =	vsub.f32 v42, v43;
	v25 =	vsub.f32 v44, v45  }
0x76: {  	v38 =	vld [tilespmem:s19+$0x1C50];
	v24 =	vsub.f32 v46, v47;
	v20 =	vsub.f32 v48, v49  }
0x77: {  	v49 =	vld [tilespmem:s19+$0x3C50];
	v19 =	vsub.f32 v50, v51;
	[tilespmem:$0x1FFF0] =	vst v9;
	v9 =	vsub.f32 v22, v23;
	v23 =	vmul.f32 v8, v8  }
0x78: {  	v16 =	vsub.f32 v52, v53;
	v53 =	vld [tilespmem:s19+$0x1C60];
	v8 =	vmul.f32 v58, v58;
	v22 =	vmul.f32 v13, v13  }
0x79: {  	v56 =	vsub.f32 v56, v57;
	v57 =	vld [tilespmem:s19+$0x3C60];
	v21 =	vmul.f32 v14, v14;
	v14 =	vmul.f32 v27, v27  }
0x7a: {  	v58 =	vsub.f32 v59, v60;
	v59 =	vld [tilespmem:s19+$0x1C70];
	v13 =	vmul.f32 v18, v18;
	v29 =	vmul.f32 v62, v62  }
0x7b: {  	v60 =	vsub.f32 v61, v63;
	v61 =	vld [tilespmem:s19+$0x3C70];
	v27 =	vmul.f32 v26, v26;
	v28 =	vmul.f32 v28, v28  }
0x7c: {  	v15 =	vsub.f32 v54, v55;
	v26 =	vmul.f32 v30, v30;
	v18 =	vmul.f32 v31, v31  }
0x7d: {  	v35 =	vmul.f32 v35, v35;
	v39 =	vmul.f32 v56, v56;
	v63 =	vsub.f32 v17, v32  }
0x7e: {  	v32 =	vsub.f32 v34, v36;
	v17 =	vmul.f32 v33, v33;
	v30 =	vsub.f32 v38, v49  }
0x7f: {  	v34 =	vmul.f32 v37, v37;
	v37 =	vmul.f32 v58, v58;
	v33 =	vsub.f32 v53, v57  }
0x80: {  	v10 =	vmovc v0;
	s19 =	simm.s32 $0x800;
	v38 =	vmul.f32 v60, v60;
	v36 =	vmul.f32 v63, v63;
	v31 =	vsub.f32 v59, v61  }
.LBB2_3:
0x81: {  	s20 =	sshra.s32 s19, $0x2;
	v0 =	vld [tilespmem:$0x1FFE0]  }
0x82: {  	v60 =	vmul.f32 v25, v25;
	v25 =	vld [tilespmem:s20+$0x1D80]  }
0x83: {  	v61 =	vmul.f32 v24, v24;
	v24 =	vld [tilespmem:s20+$0x3D80]  }
0x84: {  	v62 =	vmul.f32 v20, v20;
	v20 =	vld [tilespmem:s20+$0x1D90]  }
0x85: {  	v63 =	vld [tilespmem:s20+$0x3D90]  }
0x86: {  	v4 =	vadd.f32 v36, v4;
	v36 =	vld [tilespmem:s20+$0x3D50]  }
0x87: {  	v6 =	vadd.f32 v37, v6;
	v37 =	vld [tilespmem:s20+$0x1D60]  }
0x88: {  	v5 =	vadd.f32 v38, v5;
	v38 =	vld [tilespmem:s20+$0x3D60]  }
0x89: {  	v7 =	vadd.f32 v39, v7;
	v39 =	vld [tilespmem:s20+$0x1D70]  }
0x8a: {  	v40 =	vld [tilespmem:s20+$0x3D70]  }
0x8b: {  	v41 =	vld [tilespmem:s20+$0x1C80]  }
0x8c: {  	v42 =	vld [tilespmem:s20+$0x3C80]  }
0x8d: {  	v43 =	vld [tilespmem:s20+$0x1C90]  }
0x8e: {  	v44 =	vld [tilespmem:s20+$0x3C90]  }
0x8f: {  	v45 =	vld [tilespmem:s20+$0x1CA0]  }
0x90: {  	v46 =	vld [tilespmem:s20+$0x3CA0]  }
0x91: {  	v47 =	vld [tilespmem:s20+$0x1CB0]  }
0x92: {  	v48 =	vld [tilespmem:s20+$0x3CB0]  }
0x93: {  	v49 =	vld [tilespmem:s20+$0x1CC0]  }
0x94: {  	v50 =	vld [tilespmem:s20+$0x3CC0]  }
0x95: {  	v51 =	vld [tilespmem:s20+$0x1CD0]  }
0x96: {  	v52 =	vld [tilespmem:s20+$0x3CD0]  }
0x97: {  	v53 =	vld [tilespmem:s20+$0x1CE0]  }
0x98: {  	v54 =	vld [tilespmem:s20+$0x3CE0]  }
0x99: {  	v55 =	vld [tilespmem:s20+$0x1CF0]  }
0x9a: {  	v56 =	vld [tilespmem:s20+$0x3CF0]  }
0x9b: {  	v32 =	vmul.f32 v32, v32;
	v57 =	vld [tilespmem:s20+$0x1C00]  }
0x9c: {  	v59 =	vld [tilespmem:s20+$0x3C00]  }
0x9d: {  	v3 =	vadd.f32 v32, v3;
	v32 =	vld [tilespmem:s20+$0x1D40]  }
0x9e: {  	v6 =	vadd.f32 v34, v6;
	v34 =	vld [tilespmem:s20+$0x1D50]  }
0x9f: {  	v4 =	vadd.f32 v61, v4;
	v61 =	vld [tilespmem:s20+$0x3C10]  }
0xa0: {  	v7 =	vadd.f32 v35, v7;
	v6 =	vadd.f32 v27, v6;
	v27 =	vld [tilespmem:s20+$0x1DA0]  }
0xa1: {  	v5 =	vadd.f32 v60, v5;
	v4 =	vadd.f32 v26, v4;
	v26 =	vld [tilespmem:s20+$0x3DA0]  }
0xa2: {  	v7 =	vadd.f32 v29, v7;
	v29 =	vmul.f32 v30, v30;
	v30 =	vld [tilespmem:s20+$0x1D30]  }
0xa3: {  	v5 =	vadd.f32 v28, v5;
	v28 =	vmul.f32 v33, v33;
	v33 =	vld [tilespmem:s20+$0x3D40]  }
0xa4: {  	v35 =	vsub.f32 v20, v63;
	v63 =	vld [tilespmem:s20+$0x1C20]  }
0xa5: {  	v20 =	vsub.f32 v49, v50;
	v50 =	vld [tilespmem:s20+$0x3C50]  }
0xa6: {  	v6 =	vadd.f32 v8, v6;
	v8 =	vld [tilespmem:s20+$0x1DB0]  }
0xa7: {  	v4 =	vadd.f32 v21, v4;
	v21 =	vld [tilespmem:s20+$0x3DB0]  }
0xa8: {  	v3 =	vadd.f32 v62, v3;
	v5 =	vadd.f32 v22, v5;
	v22 =	vld [tilespmem:s20+$0x1DC0]  }
0xa9: {  	v1 =	vadd.f32 v28, v10;
	v10 =	vld [tilespmem:$0x1FFF0]  }
0xaa: {  	v3 =	vadd.f32 v18, v3;
	v18 =	vld [tilespmem:s20+$0x3D10]  }
0xab: {  	v28 =	vld [tilespmem:s20+$0x1D20]  }
0xac: {  	v7 =	vadd.f32 v23, v7;
	v23 =	vmul.f32 v31, v31;
	v2 =	vadd.f32 v29, v2;
	v29 =	vld [tilespmem:s20+$0x3D20]  }
0xad: {  	v19 =	vmul.f32 v19, v19;
	v31 =	vld [tilespmem:s20+$0x3D30]  }
0xae: {  	v16 =	vmul.f32 v16, v16;
	v0 =	vadd.f32 v23, v0;
	v23 =	vld [tilespmem:s20+$0x3DC0]  }
0xaf: {  	v2 =	vadd.f32 v19, v2;
	v19 =	vld [tilespmem:s20+$0x1DD0]  }
0xb0: {  	v1 =	vadd.f32 v16, v1;
	v16 =	vld [tilespmem:s20+$0x1DE0]  }
0xb1: {  	v15 =	vmul.f32 v15, v15;
	v3 =	vadd.f32 v14, v3;
	v14 =	vld [tilespmem:s20+$0x3D00]  }
0xb2: {  	v12 =	vmul.f32 v12, v12;
	v26 =	vsub.f32 v27, v26;
	v27 =	vld [tilespmem:s20+$0x1C10]  }
0xb3: {  	v0 =	vadd.f32 v15, v0;
	v15 =	vld [tilespmem:s20+$0x3DD0]  }
0xb4: {  	v58 =	vsub.f32 v25, v24;
	v1 =	vadd.f32 v12, v1;
	v12 =	vld [tilespmem:s20+$0x1DF0]  }
0xb5: {  	v25 =	vsub.f32 v45, v46;
	v2 =	vadd.f32 v17, v2;
	v17 =	vld [tilespmem:s20+$0x1D10]  }
0xb6: {  	v11 =	vmul.f32 v11, v11;
	v30 =	vsub.f32 v30, v31;
	v31 =	vsub.f32 v32, v33;
	v32 =	vld [tilespmem:s20+$0x3C30]  }
0xb7: {  	v24 =	vsub.f32 v47, v48;
	v33 =	vsub.f32 v34, v36;
	v34 =	vld [tilespmem:s20+$0x1C40]  }
0xb8: {  	v57 =	vsub.f32 v57, v59;
	v10 =	vmul.f32 v10, v10;
	v0 =	vadd.f32 v11, v0;
	v11 =	vld [tilespmem:s20+$0x3DE0]  }
0xb9: {  	v9 =	vmul.f32 v9, v9;
	v21 =	vsub.f32 v8, v21;
	v2 =	vadd.f32 v13, v2;
	v13 =	vld [tilespmem:s20+$0x1D00]  }
0xba: {  	v36 =	vsub.f32 v41, v42;
	v10 =	vadd.f32 v10, v1;
	v1 =	vld [tilespmem:s20+$0x3C20]  }
0xbb: {  	v60 =	vsub.f32 v22, v23;
	v23 =	vmul.f32 v58, v58;
	v58 =	vld [tilespmem:s20+$0x3C60];
	v0 =	vadd.f32 v9, v0  }
0xbc: {  	v8 =	vmul.f32 v35, v35;
	v9 =	vld [tilespmem:s20+$0x3DF0];
	v59 =	vsub.f32 v27, v61;
	v62 =	vsub.f32 v19, v15  }
0xbd: {  	v22 =	vmul.f32 v26, v26;
	v61 =	vld [tilespmem:s20+$0x1C70];
	v17 =	vsub.f32 v17, v18;
	v18 =	vsub.f32 v28, v29  }
0xbe: {  	v21 =	vmul.f32 v21, v21;
	v28 =	vld [tilespmem:s20+$0x1C30];
	v19 =	vsub.f32 v51, v52;
	[tilespmem:$0x1FFE0] =	vst v0;
	v0 =	vsub.f32 v16, v11  }
0xbf: {  	v26 =	vmul.f32 v30, v30;
	v15 =	vsub.f32 v55, v56;
	v11 =	vsub.f32 v39, v40;
	v39 =	vld [tilespmem:s20+$0x1C50]  }
0xc0: {  	v35 =	vmul.f32 v36, v36;
	v16 =	vsub.f32 v53, v54;
	v54 =	vld [tilespmem:s20+$0x1C60];
	[tilespmem:$0x1FFF0] =	vst v0;
	v0 =	vsub.f32 v13, v14  }
0xc1: {  	v27 =	vmul.f32 v17, v17;
	v9 =	vsub.f32 v12, v9;
	v12 =	vsub.f32 v37, v38;
	v37 =	vld [tilespmem:s20+$0x3C40]  }
0xc2: {  	p0 =	sne.s32 s19, $0x7800;
	v17 =	vmul.f32 v33, v33;
	v1 =	vsub.f32 v63, v1;
	v63 =	vld [tilespmem:s20+$0x3C70];
	v14 =	vmul.f32 v60, v60  }
.Ltmp2:
0xc3: {  	v38 =	vsub.f32 v43, v44;
	v13 =	vmul.f32 v62, v62;
	v29 =	vmul.f32 v0, v0;
	(pc) =	sbr.rel @p0 .LBB2_3-.Ltmp2, $4  }
0xc4: {  	v0 =	vsub.f32 v28, v32;
	v28 =	vmul.f32 v18, v18;
	v18 =	vmul.f32 v31, v31  }
0xc5: {  	v30 =	vsub.f32 v39, v50;
	v39 =	vmul.f32 v57, v57;
	v33 =	vsub.f32 v54, v58  }
0xc6: {  	v36 =	vmul.f32 v0, v0;
	v32 =	vsub.f32 v34, v37;
	v34 =	vmul.f32 v38, v38  }
0xc7: {  	s19 =	sadd.s32 $0x800, s19;
	v31 =	vsub.f32 v61, v63;
	v37 =	vmul.f32 v59, v59;
	v38 =	vmul.f32 v1, v1  }
0xc8: {  	s19 =	sshll.u32 s18, $0x2;
	p0 =	seq.s32 s18, $0x18  }
0xc9: {  	s21 =	sadd.s32 @!p0 $0x4, s19  }
0xca: {  	s22 =	simm.s32 @!p0 $0x40;
	s20 =	sshll.u32 @!p0 s21, $0x6  }
0xcb: {  	s23 =	simm.s32 @!p0 $0x3C00;
	s21 =	sshll.u32 @!p0 s21, $0xF;
	s20 =	sand.u32 @!p0 $0x3FFFFFC0, s20  }
0xcc: {  	v4 =	vadd.f32 v36, v4;
	v24 =	vmul.f32 v24, v24;
	v6 =	vadd.f32 v37, v6;
	[tilespmem:s23], [sflag:$0x2] =	stream.indirect.gather @!p0 [hbm4b:s2+s22], $0x80, s20, s22, $0xb8;
	[tilespmem:$0x11C80] =	vst v63  }
0xcd: {  	v25 =	vmul.f32 v25, v25;
	s24 =	simm.s32 @!p0 $0x1C00;
	v5 =	vadd.f32 v38, v5;
	s22 =	sadd.s32 @!p0 s21, s6;
	s23 =	simm.s32 @!p0 $0x0  }
0xce: {  	v4 =	vadd.f32 v24, v4;
	v6 =	vadd.f32 v34, v6;
	[tilespmem:s24], [sflag:$0x1] =	stream.linear.gather @!p0 [hbm4b:s22+s23], $0x2000, $0x38;
	[tilespmem:$0x11C80] =	vst v63  }
0xcf: {  	v5 =	vadd.f32 v25, v5;
	_ =	swait.ge [sflag:s30], $0x2000  }
0xd0: {  	v26 =	vadd.f32 v26, v4;
	v6 =	vadd.f32 v27, v6;
	[sflag:s30] =	ssyncset.done $0x0  }
0xd1: {  	v27 =	vadd.f32 v28, v5;
	[sflag:s30] =	ssyncadd.s32 $0xFFFFE000  }
0xd2: {  	v5 =	vadd.f32 v8, v6;
	v6 =	vadd.f32 v21, v26;
	v21 =	vmul.f32 v33, v33;
	_ =	swait.ge [sflag:s31], $0x2000  }
0xd3: {  	[sflag:s31] =	ssyncset.done $0x0  }
0xd4: {  	s24 =	simm.s32 $0x0;
	v21 =	vadd.f32 v21, v10;
	v10 =	vld [tilespmem:$0x1FFE0];
	[sflag:s31] =	ssyncadd.s32 $0xFFFFE000  }
0xd5: {  	v0 =	vld [tilespmem:s24+$0x5D80]  }
0xd6: {  	v43 =	vld [tilespmem:s24+$0x7DA0]  }
0xd7: {  	v44 =	vld [tilespmem:s24+$0x5DB0]  }
0xd8: {  	v45 =	vld [tilespmem:s24+$0x7DB0]  }
0xd9: {  	v46 =	vld [tilespmem:s24+$0x5DC0]  }
0xda: {  	v47 =	vld [tilespmem:s24+$0x7DC0]  }
0xdb: {  	v48 =	vld [tilespmem:s24+$0x5DD0]  }
0xdc: {  	v49 =	vld [tilespmem:s24+$0x7DD0]  }
0xdd: {  	v50 =	vld [tilespmem:s24+$0x5DE0]  }
0xde: {  	v51 =	vld [tilespmem:s24+$0x7DE0]  }
0xdf: {  	v52 =	vld [tilespmem:s24+$0x5DF0]  }
0xe0: {  	v53 =	vld [tilespmem:s24+$0x7DF0]  }
0xe1: {  	v54 =	vld [tilespmem:s24+$0x5D00]  }
0xe2: {  	v55 =	vld [tilespmem:s24+$0x7D00]  }
0xe3: {  	v56 =	vld [tilespmem:s24+$0x5D10]  }
0xe4: {  	v57 =	vld [tilespmem:s24+$0x7D10]  }
0xe5: {  	v58 =	vld [tilespmem:s24+$0x5D20]  }
0xe6: {  	v59 =	vld [tilespmem:s24+$0x7D20]  }
0xe7: {  	v60 =	vld [tilespmem:s24+$0x5D30]  }
0xe8: {  	v61 =	vld [tilespmem:s24+$0x7D30]  }
0xe9: {  	v62 =	vld [tilespmem:s24+$0x5D40]  }
0xea: {  	v63 =	vld [tilespmem:s24+$0x7D40]  }
0xeb: {  	v41 =	vld [tilespmem:s24+$0x5D50]  }
0xec: {  	v40 =	vld [tilespmem:s24+$0x7D50]  }
0xed: {  	v1 =	vld [tilespmem:s24+$0x5D60]  }
0xee: {  	v42 =	vld [tilespmem:s24+$0x5D70]  }
0xef: {  	v7 =	vadd.f32 v39, v7;
	v39 =	vld [tilespmem:s24+$0x7D70]  }
0xf0: {  	v37 =	vld [tilespmem:s24+$0x5C80]  }
0xf1: {  	v7 =	vadd.f32 v35, v7;
	v35 =	vld [tilespmem:s24+$0x7C80]  }
0xf2: {  	v25 =	vld [tilespmem:s24+$0x5C90]  }
0xf3: {  	v7 =	vadd.f32 v29, v7;
	v24 =	vld [tilespmem:s24+$0x7C90]  }
0xf4: {  	v28 =	vld [tilespmem:s24+$0x5CA0]  }
0xf5: {  	v4 =	vadd.f32 v23, v7;
	v23 =	vld [tilespmem:s24+$0x7CA0]  }
0xf6: {  	v7 =	vmul.f32 v32, v32;
	v8 =	vadd.f32 v22, v27;
	v22 =	vld [tilespmem:s24+$0x5CB0]  }
0xf7: {  	v29 =	vmul.f32 v30, v30;
	v26 =	vld [tilespmem:s24+$0x7CB0]  }
0xf8: {  	v3 =	vadd.f32 v7, v3;
	v7 =	vmul.f32 v20, v20;
	v27 =	vld [tilespmem:s24+$0x5CC0]  }
0xf9: {  	v16 =	vmul.f32 v16, v16;
	v2 =	vadd.f32 v29, v2;
	v29 =	vld [tilespmem:s24+$0x7CC0]  }
0xfa: {  	v3 =	vadd.f32 v7, v3;
	v30 =	vld [tilespmem:s24+$0x5CD0]  }
0xfb: {  	v19 =	vmul.f32 v19, v19;
	v7 =	vmul.f32 v12, v12;
	v12 =	vadd.f32 v16, v21;
	v16 =	vld [tilespmem:s24+$0x7CD0]  }
0xfc: {  	v3 =	vadd.f32 v18, v3;
	v18 =	vld [tilespmem:s24+$0x5CE0]  }
0xfd: {  	v2 =	vadd.f32 v19, v2;
	v19 =	vld [tilespmem:s24+$0x7CE0]  }
0xfe: {  	v20 =	vmul.f32 v31, v31;
	[tilespmem:$0x1FF90] =	vst v0;
	v0 =	vld [tilespmem:s24+$0x7D80]  }
0xff: {  	v32 =	vld [tilespmem:s24+$0x7C00]  }
0x100: {  	v15 =	vmul.f32 v15, v15;
	v20 =	vadd.f32 v20, v10;
	v10 =	vld [tilespmem:$0x1FFF0]  }
0x101: {  	v36 =	vld [tilespmem:s24+$0x5C10]  }
0x102: {  	v15 =	vadd.f32 v15, v20;
	v20 =	vld [tilespmem:s24+$0x5C00]  }
0x103: {  	v11 =	vmul.f32 v11, v11;
	v2 =	vadd.f32 v17, v2;
	[tilespmem:$0x1FFA0] =	vst v0;
	v0 =	vld [tilespmem:s24+$0x5D90]  }
0x104: {  	v7 =	vadd.f32 v7, v12;
	v12 =	vmul.f32 v9, v9;
	v38 =	vsub.f32 v44, v45;
	v44 =	vld [tilespmem:s24+$0x7C10]  }
0x105: {  	v45 =	vsub.f32 v48, v49;
	v48 =	vld [tilespmem:s24+$0x7C20];
	v11 =	vadd.f32 v11, v15;
	v17 =	vmul.f32 v10, v10  }
0x106: {  	v9 =	vadd.f32 v13, v2;
	v10 =	vadd.f32 v14, v3;
	v3 =	vld [tilespmem:$0x1FF90]  }
0x107: {  	v2 =	vadd.f32 v17, v7;
	v7 =	vadd.f32 v12, v11;
	v11 =	vld [tilespmem:$0x1FFA0]  }
0x108: {  	[tilespmem:$0x1FFB0] =	vst v0;
	v0 =	vld [tilespmem:s24+$0x7D90]  }
0x109: {  	v40 =	vsub.f32 v41, v40;
	v41 =	vld [tilespmem:s24+$0x5C40]  }
0x10a: {  	v35 =	vsub.f32 v37, v35;
	v37 =	vld [tilespmem:s24+$0x7C40]  }
0x10b: {  	v13 =	vsub.f32 v42, v39;
	v42 =	vld [tilespmem:s24+$0x5C50]  }
0x10c: {  	v31 =	vsub.f32 v3, v11;
	v3 =	vld [tilespmem:$0x1FFB0]  }
0x10d: {  	[tilespmem:$0x1FFC0] =	vst v0;
	v0 =	vld [tilespmem:s24+$0x5DA0]  }
0x10e: {  	v11 =	vld [tilespmem:$0x1FFC0]  }
0x10f: {  	v49 =	vsub.f32 v56, v57;
	v56 =	vld [tilespmem:s24+$0x5C60]  }
0x110: {  	v39 =	vsub.f32 v25, v24;
	v15 =	vld [tilespmem:s24+$0x5CF0]  }
0x111: {  	v25 =	vsub.f32 v28, v23;
	v12 =	vsub.f32 v50, v51;
	v51 =	vld [tilespmem:s24+$0x5C30];
	[tilespmem:$0x1FF80] =	vst v2  }
0x112: {  	v24 =	vsub.f32 v22, v26;
	v22 =	vsub.f32 v27, v29;
	v2 =	vld [tilespmem:s24+$0x7CF0];
	[tilespmem:$0x1FFD0] =	vst v0  }
0x113: {  	v21 =	vsub.f32 v30, v16;
	v33 =	vsub.f32 v3, v11;
	v3 =	vld [tilespmem:$0x1FFD0]  }
0x114: {  	v18 =	vsub.f32 v18, v19;
	v27 =	vmul.f32 v49, v49;
	v50 =	vsub.f32 v58, v59;
	v0 =	vld [tilespmem:s24+$0x7D60]  }
0x115: {  	v19 =	vmul.f32 v40, v40;
	v35 =	vmul.f32 v35, v35;
	v59 =	vld [tilespmem:s24+$0x7C60];
	v36 =	vsub.f32 v36, v44  }
0x116: {  	v28 =	vmul.f32 v50, v50;
	v11 =	vsub.f32 v52, v53;
	v53 =	vsub.f32 v62, v63;
	v63 =	vld [tilespmem:s24+$0x7C30]  }
0x117: {  	v17 =	vsub.f32 v15, v2;
	v2 =	vmul.f32 v38, v38;
	v52 =	vsub.f32 v60, v61;
	v60 =	vld [tilespmem:s24+$0x5C70]  }
0x118: {  	v15 =	vmul.f32 v45, v45;
	v34 =	vsub.f32 v3, v43;
	v43 =	vsub.f32 v46, v47;
	v46 =	vld [tilespmem:s24+$0x5C20]  }
0x119: {  	v62 =	vld [tilespmem:s24+$0x7C70];
	v26 =	vmul.f32 v52, v52;
	v14 =	vsub.f32 v1, v0;
	v0 =	vmul.f32 v31, v31  }
0x11a: {  	v1 =	vmul.f32 v33, v33;
	v31 =	vsub.f32 v20, v32;
	v47 =	vsub.f32 v54, v55;
	v55 =	vld [tilespmem:s24+$0x7C50]  }
0x11b: {  	v32 =	vsub.f32 v41, v37;
	v20 =	vmul.f32 v53, v53;
	v37 =	vmul.f32 v36, v36  }
0x11c: {  	v63 =	vsub.f32 v51, v63;
	v23 =	vmul.f32 v34, v34;
	v16 =	vmul.f32 v43, v43  }
0x11d: {  	v29 =	vmul.f32 v47, v47;
	v34 =	vmul.f32 v39, v39;
	v61 =	vsub.f32 v46, v48  }
0x11e: {  	v33 =	vsub.f32 v56, v59;
	v39 =	vmul.f32 v31, v31;
	v36 =	vmul.f32 v63, v63  }
0x11f: {  	s22 =	simm.s32 $0x800;
	v31 =	vsub.f32 v60, v62;
	v30 =	vsub.f32 v42, v55;
	v38 =	vmul.f32 v61, v61  }
.LBB2_5:
0x120: {  	s23 =	sshra.s32 s22, $0x2;
	v3 =	vld [tilespmem:$0x1FF80]  }
0x121: {  	v60 =	vmul.f32 v25, v25;
	v25 =	vld [tilespmem:s23+$0x5D80]  }
0x122: {  	v61 =	vmul.f32 v24, v24;
	v24 =	vld [tilespmem:s23+$0x7D80]  }
0x123: {  	v62 =	vmul.f32 v22, v22;
	v22 =	vld [tilespmem:s23+$0x5D90]  }
0x124: {  	v63 =	vld [tilespmem:s23+$0x7D90]  }
0x125: {  	v6 =	vadd.f32 v36, v6;
	v36 =	vld [tilespmem:s23+$0x7D50]  }
0x126: {  	v5 =	vadd.f32 v37, v5;
	v37 =	vld [tilespmem:s23+$0x5D60]  }
0x127: {  	v8 =	vadd.f32 v38, v8;
	v38 =	vld [tilespmem:s23+$0x7D60]  }
0x128: {  	v40 =	vld [tilespmem:s23+$0x7D70]  }
0x129: {  	v41 =	vld [tilespmem:s23+$0x5C80]  }
0x12a: {  	v42 =	vld [tilespmem:s23+$0x7C80]  }
0x12b: {  	v43 =	vld [tilespmem:s23+$0x5C90]  }
0x12c: {  	v44 =	vld [tilespmem:s23+$0x7C90]  }
0x12d: {  	v45 =	vld [tilespmem:s23+$0x5CA0]  }
0x12e: {  	v46 =	vld [tilespmem:s23+$0x7CA0]  }
0x12f: {  	v47 =	vld [tilespmem:s23+$0x5CB0]  }
0x130: {  	v48 =	vld [tilespmem:s23+$0x7CB0]  }
0x131: {  	v49 =	vld [tilespmem:s23+$0x5CC0]  }
0x132: {  	v50 =	vld [tilespmem:s23+$0x7CC0]  }
0x133: {  	v51 =	vld [tilespmem:s23+$0x5CD0]  }
0x134: {  	v52 =	vld [tilespmem:s23+$0x7CD0]  }
0x135: {  	v53 =	vld [tilespmem:s23+$0x5CE0]  }
0x136: {  	v54 =	vld [tilespmem:s23+$0x7CE0]  }
0x137: {  	v55 =	vld [tilespmem:s23+$0x5CF0]  }
0x138: {  	v56 =	vld [tilespmem:s23+$0x7CF0]  }
0x139: {  	v32 =	vmul.f32 v32, v32;
	v57 =	vld [tilespmem:s23+$0x5C00]  }
0x13a: {  	v59 =	vld [tilespmem:s23+$0x7C00]  }
0x13b: {  	v10 =	vadd.f32 v32, v10;
	v32 =	vld [tilespmem:s23+$0x5D40]  }
0x13c: {  	v5 =	vadd.f32 v34, v5;
	v34 =	vld [tilespmem:s23+$0x5D50]  }
0x13d: {  	v6 =	vadd.f32 v61, v6;
	v61 =	vld [tilespmem:s23+$0x7C10]  }
0x13e: {  	v4 =	vadd.f32 v39, v4;
	v39 =	vld [tilespmem:s23+$0x5D70]  }
0x13f: {  	v8 =	vadd.f32 v60, v8;
	v5 =	vadd.f32 v27, v5;
	v27 =	vld [tilespmem:s23+$0x5DA0]  }
0x140: {  	v6 =	vadd.f32 v26, v6;
	v26 =	vld [tilespmem:s23+$0x7DA0]  }
0x141: {  	v8 =	vadd.f32 v28, v8;
	v28 =	vmul.f32 v33, v33;
	v33 =	vld [tilespmem:s23+$0x7D40]  }
0x142: {  	v4 =	vadd.f32 v35, v4;
	v35 =	vsub.f32 v22, v63;
	v63 =	vld [tilespmem:s23+$0x5C20]  }
0x143: {  	v22 =	vsub.f32 v49, v50;
	v50 =	vld [tilespmem:s23+$0x7C50]  }
0x144: {  	v10 =	vadd.f32 v62, v10;
	v6 =	vadd.f32 v2, v6;
	v2 =	vld [tilespmem:s23+$0x7DB0]  }
0x145: {  	v8 =	vadd.f32 v23, v8;
	v23 =	vld [tilespmem:s23+$0x5DC0]  }
0x146: {  	v10 =	vadd.f32 v20, v10;
	v20 =	vld [tilespmem:s23+$0x7D10]  }
0x147: {  	v3 =	vadd.f32 v28, v3;
	v28 =	vld [tilespmem:s23+$0x5D20]  }
0x148: {  	v5 =	vadd.f32 v1, v5;
	v1 =	vmul.f32 v31, v31;
	v31 =	vld [tilespmem:s23+$0x7D30]  }
0x149: {  	v18 =	vmul.f32 v18, v18;
	v4 =	vadd.f32 v29, v4;
	v29 =	vmul.f32 v30, v30;
	v30 =	vld [tilespmem:s23+$0x5D30]  }
0x14a: {  	v1 =	vadd.f32 v1, v7;
	v7 =	vmul.f32 v17, v17;
	v17 =	vld [tilespmem:s23+$0x7DC0]  }
0x14b: {  	v3 =	vadd.f32 v18, v3;
	v18 =	vld [tilespmem:s23+$0x5DE0]  }
0x14c: {  	v10 =	vadd.f32 v16, v10;
	v16 =	vld [tilespmem:s23+$0x7D00]  }
0x14d: {  	v9 =	vadd.f32 v29, v9;
	v29 =	vld [tilespmem:s23+$0x7D20]  }
0x14e: {  	v14 =	vmul.f32 v14, v14;
	v26 =	vsub.f32 v27, v26;
	v27 =	vld [tilespmem:s23+$0x5C10]  }
0x14f: {  	v0 =	vadd.f32 v0, v4;
	v1 =	vadd.f32 v7, v1;
	v7 =	vmul.f32 v13, v13;
	v13 =	vld [tilespmem:s23+$0x7DD0]  }
0x150: {  	v21 =	vmul.f32 v21, v21;
	v3 =	vadd.f32 v14, v3;
	v14 =	vld [tilespmem:s23+$0x5DF0]  }
0x151: {  	v58 =	vsub.f32 v25, v24;
	v25 =	vsub.f32 v45, v46;
	[tilespmem:$0x1FF70] =	vst v0;
	v0 =	vld [tilespmem:s23+$0x5DB0]  }
0x152: {  	v12 =	vmul.f32 v12, v12;
	v24 =	vsub.f32 v47, v48;
	v9 =	vadd.f32 v21, v9;
	v21 =	vld [tilespmem:s23+$0x5DD0]  }
0x153: {  	v57 =	vsub.f32 v57, v59;
	v1 =	vadd.f32 v7, v1;
	v7 =	vmul.f32 v11, v11;
	v11 =	vld [tilespmem:s23+$0x7DE0]  }
0x154: {  	v30 =	vsub.f32 v30, v31;
	v31 =	vsub.f32 v32, v33;
	v32 =	vld [tilespmem:s23+$0x7C30]  }
0x155: {  	v3 =	vadd.f32 v12, v3;
	v33 =	vsub.f32 v34, v36;
	v34 =	vld [tilespmem:s23+$0x5C40]  }
0x156: {  	v36 =	vsub.f32 v41, v42;
	v9 =	vadd.f32 v19, v9;
	v19 =	vld [tilespmem:s23+$0x5D10]  }
0x157: {  	v60 =	vsub.f32 v23, v17;
	v7 =	vadd.f32 v7, v1;
	v1 =	vld [tilespmem:s23+$0x7DF0]  }
0x158: {  	v17 =	vsub.f32 v55, v56;
	[tilespmem:$0x1FF80] =	vst v3;
	v3 =	vld [tilespmem:s23+$0x7C20];
	v59 =	vsub.f32 v27, v61  }
0x159: {  	v61 =	vld [tilespmem:s23+$0x5C70];
	v9 =	vadd.f32 v15, v9;
	v2 =	vsub.f32 v0, v2  }
0x15a: {  	v15 =	vld [tilespmem:s23+$0x5D00];
	v62 =	vsub.f32 v21, v13;
	v13 =	vsub.f32 v39, v40  }
0x15b: {  	v23 =	vmul.f32 v26, v26;
	v39 =	vld [tilespmem:s23+$0x5C50];
	v21 =	vsub.f32 v51, v52;
	v12 =	vsub.f32 v18, v11  }
0x15c: {  	v0 =	vmul.f32 v58, v58;
	v58 =	vld [tilespmem:s23+$0x7C60];
	v18 =	vsub.f32 v53, v54;
	v19 =	vsub.f32 v19, v20  }
0x15d: {  	v26 =	vmul.f32 v30, v30;
	v54 =	vld [tilespmem:s23+$0x5C60];
	v20 =	vsub.f32 v28, v29;
	v11 =	vsub.f32 v14, v1  }
0x15e: {  	v28 =	vld [tilespmem:s23+$0x5C30];
	v2 =	vmul.f32 v2, v2;
	v14 =	vsub.f32 v37, v38;
	v38 =	vsub.f32 v43, v44  }
0x15f: {  	v37 =	vld [tilespmem:s23+$0x7C40];
	v1 =	vmul.f32 v35, v35;
	v3 =	vsub.f32 v63, v3;
	v35 =	vmul.f32 v36, v36  }
0x160: {  	p1 =	sne.s32 s22, $0x7800;
	v63 =	vld [tilespmem:s23+$0x7C70];
	v4 =	vsub.f32 v15, v16;
	v16 =	vmul.f32 v60, v60;
	v15 =	vmul.f32 v62, v62  }
.Ltmp3:
0x161: {  	v27 =	vmul.f32 v19, v19;
	v19 =	vmul.f32 v33, v33;
	v30 =	vsub.f32 v39, v50;
	(pc) =	sbr.rel @p1 .LBB2_5-.Ltmp3, $4  }
0x162: {  	v39 =	vmul.f32 v57, v57;
	v29 =	vmul.f32 v4, v4;
	v33 =	vsub.f32 v54, v58  }
0x163: {  	v4 =	vsub.f32 v28, v32;
	v28 =	vmul.f32 v20, v20;
	v20 =	vmul.f32 v31, v31  }
0x164: {  	v32 =	vsub.f32 v34, v37;
	v34 =	vmul.f32 v38, v38;
	v37 =	vmul.f32 v59, v59  }
0x165: {  	s22 =	sadd.s32 $0x800, s22;
	v38 =	vmul.f32 v3, v3;
	v31 =	vsub.f32 v61, v63;
	v36 =	vmul.f32 v4, v4;
	v4 =	vld [tilespmem:$0x1FF70]  }
0x166: {  	s20 =	sadd.s32 @!p0 $0x40, s20;
	s22 =	simm.s32 @!p0 $0x40;
	s23 =	simm.s32 @!p0 $0x7C00  }
0x167: {  	[tilespmem:s23], [sflag:$0x4] =	stream.indirect.gather @!p0 [hbm4b:s2+s22], $0x80, s20, s22, $0xb8;
	[tilespmem:$0x11C80] =	vst v63  }
0x168: {  	s20 =	sadd.s32 @!p0 s21, s7;
	s21 =	simm.s32 @!p0 $0x0;
	s22 =	simm.s32 @!p0 $0x5C00  }
0x169: {  	[tilespmem:s22], [sflag:$0x3] =	stream.linear.gather @!p0 [hbm4b:s20+s21], $0x2000, $0x38;
	[tilespmem:$0x11C80] =	vst v63  }
0x16a: {  	_ =	swait.ge [sflag:s0], $0x2000  }
0x16b: {  	[sflag:s0] =	ssyncset.done $0x0  }
0x16c: {  	[sflag:s0] =	ssyncadd.s32 $0xFFFFE000  }
0x16d: {  	_ =	swait.ge [sflag:s1], $0x2000  }
0x16e: {  	[sflag:s1] =	ssyncset.done $0x0  }
0x16f: {  	s24 =	simm.s32 $0x0;
	[sflag:s1] =	ssyncadd.s32 $0xFFFFE000  }
0x170: {  	v3 =	vld [tilespmem:s24+$0x9D80];
	_ =	sdelay $0x4  }
0x171: {  	[tilespmem:$0x1FF00] =	vst v3;
	v3 =	vld [tilespmem:s24+$0xBD80];
	_ =	sdelay $0x4  }
0x172: {  	[tilespmem:$0x1FF10] =	vst v3;
	v3 =	vld [tilespmem:s24+$0x9D90]  }
0x173: {  	v47 =	vld [tilespmem:s24+$0xBDB0]  }
0x174: {  	v48 =	vld [tilespmem:s24+$0x9DC0]  }
0x175: {  	v49 =	vld [tilespmem:s24+$0xBDC0]  }
0x176: {  	v50 =	vld [tilespmem:s24+$0x9DD0]  }
0x177: {  	[tilespmem:$0x1FF20] =	vst v3;
	v3 =	vld [tilespmem:s24+$0xBD90]  }
0x178: {  	v51 =	vld [tilespmem:s24+$0xBDD0]  }
0x179: {  	v52 =	vld [tilespmem:s24+$0x9DE0]  }
0x17a: {  	v53 =	vld [tilespmem:s24+$0xBDE0]  }
0x17b: {  	v54 =	vld [tilespmem:s24+$0x9DF0]  }
0x17c: {  	[tilespmem:$0x1FF30] =	vst v3;
	v3 =	vld [tilespmem:s24+$0x9DA0]  }
0x17d: {  	v55 =	vld [tilespmem:s24+$0xBDF0]  }
0x17e: {  	v56 =	vld [tilespmem:s24+$0x9D00]  }
0x17f: {  	v57 =	vld [tilespmem:s24+$0xBD00]  }
0x180: {  	v58 =	vld [tilespmem:s24+$0x9D10]  }
0x181: {  	[tilespmem:$0x1FF40] =	vst v3;
	v3 =	vld [tilespmem:s24+$0xBDA0]  }
0x182: {  	v59 =	vld [tilespmem:s24+$0xBD10]  }
0x183: {  	v60 =	vld [tilespmem:s24+$0x9D20]  }
0x184: {  	v61 =	vld [tilespmem:s24+$0xBD20]  }
0x185: {  	v62 =	vld [tilespmem:s24+$0x9D30]  }
0x186: {  	[tilespmem:$0x1FF50] =	vst v3;
	v3 =	vld [tilespmem:s24+$0x9DB0]  }
0x187: {  	v63 =	vld [tilespmem:s24+$0xBD30]  }
0x188: {  	v45 =	vld [tilespmem:s24+$0x9D40]  }
0x189: {  	v43 =	vld [tilespmem:s24+$0xBD40]  }
0x18a: {  	v44 =	vld [tilespmem:s24+$0x9D50]  }
0x18b: {  	v41 =	vld [tilespmem:s24+$0xBD50];
	[tilespmem:$0x1FF60] =	vst v3;
	v3 =	vadd.f32 v39, v4;
	v4 =	vadd.f32 v37, v5  }
0x18c: {  	v24 =	vmul.f32 v24, v24;
	v6 =	vadd.f32 v36, v6;
	v42 =	vld [tilespmem:s24+$0x9D60]  }
0x18d: {  	v40 =	vld [tilespmem:s24+$0xBD60];
	v4 =	vadd.f32 v34, v4  }
0x18e: {  	v6 =	vadd.f32 v24, v6;
	v46 =	vld [tilespmem:s24+$0x9D70];
	v3 =	vadd.f32 v35, v3  }
0x18f: {  	v24 =	vld [tilespmem:s24+$0xBC90];
	v4 =	vadd.f32 v27, v4  }
0x190: {  	v6 =	vadd.f32 v26, v6;
	v26 =	vld [tilespmem:s24+$0xBCA0];
	v3 =	vadd.f32 v29, v3  }
0x191: {  	v36 =	vld [tilespmem:s24+$0x9C10];
	v1 =	vadd.f32 v1, v4;
	v4 =	vmul.f32 v30, v30  }
0x192: {  	v18 =	vmul.f32 v18, v18;
	v43 =	vsub.f32 v45, v43;
	v45 =	vld [tilespmem:s24+$0xBC30];
	v0 =	vadd.f32 v0, v3  }
0x193: {  	v3 =	vmul.f32 v32, v32;
	v4 =	vadd.f32 v4, v9;
	v9 =	vmul.f32 v21, v21;
	v21 =	vld [tilespmem:$0x1FF80]  }
0x194: {  	v2 =	vadd.f32 v2, v6;
	v6 =	vmul.f32 v33, v33;
	v41 =	vsub.f32 v44, v41;
	v44 =	vld [tilespmem:s24+$0xBC50]  }
0x195: {  	v39 =	vld [tilespmem:s24+$0xBD70];
	v5 =	vadd.f32 v38, v8;
	v3 =	vadd.f32 v3, v10;
	v10 =	vmul.f32 v31, v31  }
0x196: {  	v8 =	vmul.f32 v25, v25;
	v25 =	vld [tilespmem:s24+$0x9C80];
	v38 =	vsub.f32 v48, v49;
	v48 =	vsub.f32 v50, v51  }
0x197: {  	v49 =	vld [tilespmem:s24+$0x9C20];
	v50 =	vsub.f32 v56, v57;
	v7 =	vadd.f32 v10, v7;
	v10 =	vmul.f32 v17, v17  }
0x198: {  	v51 =	vld [tilespmem:s24+$0xBC20];
	v5 =	vadd.f32 v8, v5;
	v8 =	vmul.f32 v22, v22;
	v6 =	vadd.f32 v6, v21  }
0x199: {  	v56 =	vld [tilespmem:s24+$0xBC60];
	v4 =	vadd.f32 v9, v4;
	v9 =	vmul.f32 v13, v13;
	v7 =	vadd.f32 v10, v7  }
0x19a: {  	v35 =	vld [tilespmem:s24+$0xBC80];
	v3 =	vadd.f32 v8, v3;
	v8 =	vmul.f32 v14, v14;
	v6 =	vadd.f32 v18, v6  }
0x19b: {  	v11 =	vmul.f32 v11, v11;
	v34 =	vld [tilespmem:s24+$0x9C90];
	v4 =	vadd.f32 v19, v4;
	v9 =	vadd.f32 v9, v7  }
0x19c: {  	v22 =	vld [tilespmem:s24+$0x9CC0];
	v3 =	vadd.f32 v20, v3;
	v10 =	vmul.f32 v12, v12;
	v8 =	vadd.f32 v8, v6  }
0x19d: {  	v6 =	vadd.f32 v15, v4;
	v4 =	vadd.f32 v11, v9;
	v9 =	vld [tilespmem:$0x1FF10]  }
0x19e: {  	v7 =	vadd.f32 v16, v3;
	v3 =	vadd.f32 v10, v8;
	v8 =	vld [tilespmem:$0x1FF00]  }
0x19f: {  	v27 =	vld [tilespmem:s24+$0x9CA0]  }
0x1a0: {  	v5 =	vadd.f32 v28, v5;
	v28 =	vld [tilespmem:s24+$0xBCB0]  }
0x1a1: {  	v29 =	vld [tilespmem:s24+$0x9C00]  }
0x1a2: {  	v5 =	vadd.f32 v23, v5;
	v23 =	vld [tilespmem:s24+$0x9CB0]  }
0x1a3: {  	v30 =	vsub.f32 v8, v9;
	v8 =	vld [tilespmem:$0x1FF20]  }
0x1a4: {  	v9 =	vld [tilespmem:$0x1FF30]  }
0x1a5: {  	v31 =	vld [tilespmem:s24+$0xBC00]  }
0x1a6: {  	v17 =	vld [tilespmem:s24+$0x9CD0]  }
0x1a7: {  	v14 =	vld [tilespmem:s24+$0xBCD0]  }
0x1a8: {  	v13 =	vld [tilespmem:s24+$0x9CE0]  }
0x1a9: {  	v32 =	vsub.f32 v8, v9;
	v8 =	vld [tilespmem:$0x1FF40]  }
0x1aa: {  	v9 =	vld [tilespmem:$0x1FF50]  }
0x1ab: {  	v12 =	vld [tilespmem:s24+$0xBCE0]  }
0x1ac: {  	v20 =	vld [tilespmem:s24+$0xBCF0]  }
0x1ad: {  	v21 =	vld [tilespmem:s24+$0xBCC0]  }
0x1ae: {  	v35 =	vsub.f32 v25, v35;
	v34 =	vsub.f32 v34, v24;
	v16 =	vld [tilespmem:s24+$0x9CF0]  }
0x1af: {  	v25 =	vsub.f32 v27, v26;
	v33 =	vsub.f32 v8, v9;
	v8 =	vld [tilespmem:$0x1FF60]  }
0x1b0: {  	v35 =	vmul.f32 v35, v35;
	v34 =	vmul.f32 v34, v34;
	v11 =	vsub.f32 v42, v40;
	v42 =	vld [tilespmem:s24+$0x9C50]  }
0x1b1: {  	v24 =	vsub.f32 v23, v28;
	v31 =	vsub.f32 v29, v31;
	v29 =	vmul.f32 v50, v50;
	v40 =	vld [tilespmem:s24+$0x9C40]  }
0x1b2: {  	v18 =	vsub.f32 v17, v14;
	v17 =	vmul.f32 v43, v43;
	v10 =	vsub.f32 v46, v39;
	v39 =	vld [tilespmem:s24+$0xBC40]  }
0x1b3: {  	v15 =	vsub.f32 v13, v12;
	v13 =	vmul.f32 v38, v38;
	v19 =	vsub.f32 v22, v21;
	v46 =	vld [tilespmem:s24+$0x9C60]  }
0x1b4: {  	v12 =	vmul.f32 v48, v48;
	v14 =	vsub.f32 v16, v20;
	v37 =	vsub.f32 v8, v47;
	v47 =	vld [tilespmem:s24+$0xBC10]  }
0x1b5: {  	v23 =	vmul.f32 v30, v30;
	v30 =	vsub.f32 v42, v44;
	v8 =	vsub.f32 v54, v55;
	v54 =	vld [tilespmem:s24+$0x9C30]  }
0x1b6: {  	v16 =	vmul.f32 v41, v41;
	v9 =	vsub.f32 v52, v53;
	v53 =	vsub.f32 v60, v61;
	v61 =	vld [tilespmem:s24+$0x9C70]  }
0x1b7: {  	v20 =	vmul.f32 v32, v32;
	v52 =	vsub.f32 v58, v59;
	v55 =	vsub.f32 v62, v63;
	v63 =	vld [tilespmem:s24+$0xBC70]  }
0x1b8: {  	v32 =	vsub.f32 v40, v39;
	v39 =	vmul.f32 v31, v31;
	v22 =	vmul.f32 v33, v33  }
0x1b9: {  	v27 =	vmul.f32 v52, v52;
	v28 =	vmul.f32 v53, v53;
	v62 =	vsub.f32 v49, v51  }
0x1ba: {  	v21 =	vmul.f32 v37, v37;
	v60 =	vsub.f32 v36, v47;
	v45 =	vsub.f32 v54, v45  }
0x1bb: {  	v33 =	vsub.f32 v46, v56;
	v26 =	vmul.f32 v55, v55;
	v38 =	vmul.f32 v62, v62  }
0x1bc: {  	s20 =	simm.s32 $0x800;
	v31 =	vsub.f32 v61, v63;
	v37 =	vmul.f32 v60, v60;
	v36 =	vmul.f32 v45, v45  }
.LBB2_7:
0x1bd: {  	s21 =	sshra.s32 s20, $0x2  }
0x1be: {  	v60 =	vmul.f32 v25, v25;
	v25 =	vld [tilespmem:s21+$0x9D80]  }
0x1bf: {  	v61 =	vmul.f32 v24, v24;
	v24 =	vld [tilespmem:s21+$0xBD80]  }
0x1c0: {  	v62 =	vmul.f32 v19, v19;
	v19 =	vld [tilespmem:s21+$0x9D90]  }
0x1c1: {  	v63 =	vld [tilespmem:s21+$0xBD90]  }
0x1c2: {  	v2 =	vadd.f32 v36, v2;
	v36 =	vld [tilespmem:s21+$0xBD50]  }
0x1c3: {  	v5 =	vadd.f32 v38, v5;
	v38 =	vld [tilespmem:s21+$0xBD60]  }
0x1c4: {  	v40 =	vld [tilespmem:s21+$0xBD70]  }
0x1c5: {  	v41 =	vld [tilespmem:s21+$0x9C80]  }
0x1c6: {  	v42 =	vld [tilespmem:s21+$0xBC80]  }
0x1c7: {  	v43 =	vld [tilespmem:s21+$0x9C90]  }
0x1c8: {  	v44 =	vld [tilespmem:s21+$0xBC90]  }
0x1c9: {  	v45 =	vld [tilespmem:s21+$0x9CA0]  }
0x1ca: {  	v46 =	vld [tilespmem:s21+$0xBCA0]  }
0x1cb: {  	v47 =	vld [tilespmem:s21+$0x9CB0]  }
0x1cc: {  	v48 =	vld [tilespmem:s21+$0xBCB0]  }
0x1cd: {  	v49 =	vld [tilespmem:s21+$0x9CC0]  }
0x1ce: {  	v50 =	vld [tilespmem:s21+$0xBCC0]  }
0x1cf: {  	v51 =	vld [tilespmem:s21+$0x9CD0]  }
0x1d0: {  	v52 =	vld [tilespmem:s21+$0xBCD0]  }
0x1d1: {  	v53 =	vld [tilespmem:s21+$0x9CE0]  }
0x1d2: {  	v54 =	vld [tilespmem:s21+$0xBCE0]  }
0x1d3: {  	v55 =	vld [tilespmem:s21+$0x9CF0]  }
0x1d4: {  	v56 =	vld [tilespmem:s21+$0xBCF0]  }
0x1d5: {  	v32 =	vmul.f32 v32, v32;
	v57 =	vld [tilespmem:s21+$0x9C00]  }
0x1d6: {  	v59 =	vld [tilespmem:s21+$0xBC00]  }
0x1d7: {  	v7 =	vadd.f32 v32, v7;
	v32 =	vld [tilespmem:s21+$0x9D40]  }
0x1d8: {  	v2 =	vadd.f32 v61, v2;
	v61 =	vld [tilespmem:s21+$0xBC10]  }
0x1d9: {  	v1 =	vadd.f32 v37, v1;
	v37 =	vld [tilespmem:s21+$0x9D60]  }
0x1da: {  	v5 =	vadd.f32 v60, v5;
	v0 =	vadd.f32 v39, v0;
	v39 =	vld [tilespmem:s21+$0x9D70]  }
0x1db: {  	v2 =	vadd.f32 v26, v2;
	v26 =	vld [tilespmem:s21+$0xBDA0]  }
0x1dc: {  	v5 =	vadd.f32 v28, v5;
	v28 =	vmul.f32 v33, v33;
	v33 =	vld [tilespmem:s21+$0xBD40]  }
0x1dd: {  	v1 =	vadd.f32 v34, v1;
	v34 =	vld [tilespmem:s21+$0x9D50]  }
0x1de: {  	v0 =	vadd.f32 v35, v0;
	v35 =	vsub.f32 v19, v63;
	v63 =	vld [tilespmem:s21+$0x9C20]  }
0x1df: {  	v19 =	vsub.f32 v49, v50;
	v50 =	vld [tilespmem:s21+$0xBC50]  }
0x1e0: {  	v7 =	vadd.f32 v62, v7;
	v2 =	vadd.f32 v21, v2;
	v21 =	vld [tilespmem:s21+$0xBDB0]  }
0x1e1: {  	v5 =	vadd.f32 v22, v5;
	v22 =	vld [tilespmem:s21+$0x9DC0]  }
0x1e2: {  	v7 =	vadd.f32 v17, v7;
	v17 =	vld [tilespmem:s21+$0xBD10]  }
0x1e3: {  	v3 =	vadd.f32 v28, v3;
	v28 =	vld [tilespmem:s21+$0x9D20]  }
0x1e4: {  	v15 =	vmul.f32 v15, v15;
	v1 =	vadd.f32 v27, v1;
	v27 =	vld [tilespmem:s21+$0x9DA0]  }
0x1e5: {  	v0 =	vadd.f32 v29, v0;
	v29 =	vmul.f32 v30, v30;
	v30 =	vld [tilespmem:s21+$0x9D30]  }
0x1e6: {  	v3 =	vadd.f32 v15, v3;
	v15 =	vld [tilespmem:s21+$0x9DE0]  }
0x1e7: {  	v7 =	vadd.f32 v13, v7;
	v13 =	vld [tilespmem:s21+$0xBD00]  }
0x1e8: {  	v11 =	vmul.f32 v11, v11;
	v6 =	vadd.f32 v29, v6;
	v29 =	vld [tilespmem:s21+$0xBD20]  }
0x1e9: {  	v0 =	vadd.f32 v23, v0;
	v23 =	vmul.f32 v31, v31;
	v31 =	vld [tilespmem:s21+$0xBD30]  }
0x1ea: {  	v3 =	vadd.f32 v11, v3;
	v11 =	vld [tilespmem:s21+$0x9DF0]  }
0x1eb: {  	v18 =	vmul.f32 v18, v18;
	[tilespmem:$0x1FEF0] =	vst v0;
	v0 =	vadd.f32 v20, v1;
	v20 =	vld [tilespmem:s21+$0x9DB0]  }
0x1ec: {  	v4 =	vadd.f32 v23, v4;
	v23 =	vld [tilespmem:s21+$0xBDC0]  }
0x1ed: {  	v6 =	vadd.f32 v18, v6;
	v18 =	vld [tilespmem:s21+$0x9DD0]  }
0x1ee: {  	v14 =	vmul.f32 v14, v14;
	v58 =	vsub.f32 v25, v24;
	v1 =	vld [tilespmem:s21+$0xBC20]  }
0x1ef: {  	v25 =	vsub.f32 v45, v46;
	v26 =	vsub.f32 v27, v26;
	v27 =	vld [tilespmem:s21+$0x9C10]  }
0x1f0: {  	v24 =	vsub.f32 v47, v48;
	v4 =	vadd.f32 v14, v4;
	v14 =	vld [tilespmem:s21+$0xBDD0]  }
0x1f1: {  	v9 =	vmul.f32 v9, v9;
	v57 =	vsub.f32 v57, v59;
	v6 =	vadd.f32 v16, v6;
	v16 =	vld [tilespmem:s21+$0x9D10]  }
0x1f2: {  	v10 =	vmul.f32 v10, v10;
	v30 =	vsub.f32 v30, v31;
	v31 =	vsub.f32 v32, v33;
	v32 =	vld [tilespmem:s21+$0xBC30]  }
0x1f3: {  	v3 =	vadd.f32 v9, v3;
	v33 =	vsub.f32 v34, v36;
	v34 =	vld [tilespmem:s21+$0x9C40]  }
0x1f4: {  	v36 =	vsub.f32 v41, v42;
	v4 =	vadd.f32 v10, v4;
	v10 =	vld [tilespmem:s21+$0xBDE0]  }
0x1f5: {  	v8 =	vmul.f32 v8, v8;
	v6 =	vadd.f32 v12, v6;
	v12 =	vld [tilespmem:s21+$0x9D00];
	v21 =	vsub.f32 v20, v21  }
0x1f6: {  	v60 =	vsub.f32 v22, v23;
	v23 =	vmul.f32 v58, v58;
	v58 =	vld [tilespmem:s21+$0xBC60];
	v1 =	vsub.f32 v63, v1  }
0x1f7: {  	v20 =	vmul.f32 v35, v35;
	v4 =	vadd.f32 v8, v4;
	v8 =	vld [tilespmem:s21+$0xBDF0];
	v59 =	vsub.f32 v27, v61  }
0x1f8: {  	v22 =	vmul.f32 v26, v26;
	v63 =	vld [tilespmem:s21+$0xBC70];
	v62 =	vsub.f32 v18, v14;
	v16 =	vsub.f32 v16, v17  }
0x1f9: {  	v26 =	vmul.f32 v30, v30;
	v61 =	vld [tilespmem:s21+$0x9C70];
	v17 =	vsub.f32 v28, v29;
	v18 =	vsub.f32 v51, v52  }
0x1fa: {  	v35 =	vmul.f32 v36, v36;
	v28 =	vld [tilespmem:s21+$0x9C30];
	v14 =	vsub.f32 v55, v56;
	v9 =	vsub.f32 v15, v10  }
0x1fb: {  	[tilespmem:$0x1FEE0] =	vst v0;
	v21 =	vmul.f32 v21, v21;
	v0 =	vsub.f32 v12, v13;
	v10 =	vsub.f32 v39, v40;
	v39 =	vld [tilespmem:s21+$0x9C50]  }
0x1fc: {  	v13 =	vmul.f32 v60, v60;
	v8 =	vsub.f32 v11, v8;
	v11 =	vsub.f32 v37, v38;
	v37 =	vld [tilespmem:s21+$0xBC40]  }
0x1fd: {  	p1 =	sne.s32 s20, $0x7800;
	v15 =	vsub.f32 v53, v54;
	v54 =	vld [tilespmem:s21+$0x9C60];
	v12 =	vmul.f32 v62, v62;
	v27 =	vmul.f32 v16, v16  }
.Ltmp4:
0x1fe: {  	v16 =	vmul.f32 v33, v33;
	v38 =	vsub.f32 v43, v44;
	v29 =	vmul.f32 v0, v0;
	(pc) =	sbr.rel @p1 .LBB2_7-.Ltmp4, $4  }
0x1ff: {  	v0 =	vsub.f32 v28, v32;
	v28 =	vmul.f32 v17, v17;
	v17 =	vmul.f32 v31, v31  }
0x200: {  	v31 =	vsub.f32 v61, v63;
	v30 =	vsub.f32 v39, v50;
	v39 =	vmul.f32 v57, v57  }
0x201: {  	v36 =	vmul.f32 v0, v0;
	v0 =	vld [tilespmem:$0x1FEF0];
	v32 =	vsub.f32 v34, v37;
	v34 =	vmul.f32 v38, v38  }
0x202: {  	s20 =	sadd.s32 $0x800, s20;
	v33 =	vsub.f32 v54, v58;
	v37 =	vmul.f32 v59, v59;
	v38 =	vmul.f32 v1, v1;
	v1 =	vld [tilespmem:$0x1FEE0]  }
0x203: {  	s20 =	sadd.s32 @!p0 $0x6, s19  }
0x204: {  	s22 =	simm.s32 @!p0 $0x40;
	s21 =	sshll.u32 @!p0 s20, $0x6  }
0x205: {  	s23 =	simm.s32 @!p0 $0xBC00;
	s20 =	sshll.u32 @!p0 s20, $0xF;
	s21 =	sand.u32 @!p0 $0x3FFFFFC0, s21  }
0x206: {  	[tilespmem:s23], [sflag:$0x6] =	stream.indirect.gather @!p0 [hbm4b:s2+s22], $0x80, s21, s22, $0xb8;
	[tilespmem:$0x11C80] =	vst v63  }
0x207: {  	s20 =	sadd.s32 @!p0 s20, s6;
	s21 =	simm.s32 @!p0 $0x0;
	s22 =	simm.s32 @!p0 $0x9C00  }
0x208: {  	[tilespmem:s22], [sflag:$0x5] =	stream.linear.gather @!p0 [hbm4b:s20+s21], $0x2000, $0x38;
	[tilespmem:$0x11C80] =	vst v63  }
0x209: {  	_ =	swait.ge [sflag:s12], $0x2000  }
0x20a: {  	[sflag:s12] =	ssyncset.done $0x0  }
0x20b: {  	[sflag:s12] =	ssyncadd.s32 $0xFFFFE000  }
0x20c: {  	_ =	swait.ge [sflag:s13], $0x2000  }
0x20d: {  	[sflag:s13] =	ssyncset.done $0x0  }
0x20e: {  	s24 =	simm.s32 $0x0;
	[sflag:s13] =	ssyncadd.s32 $0xFFFFE000  }
0x20f: {  	v40 =	vld [tilespmem:s24+$0xDD80]  }
0x210: {  	v51 =	vld [tilespmem:s24+$0xFD80]  }
0x211: {  	v52 =	vld [tilespmem:s24+$0xDD90]  }
0x212: {  	v53 =	vld [tilespmem:s24+$0xFD90]  }
0x213: {  	v54 =	vld [tilespmem:s24+$0xDDA0]  }
0x214: {  	v55 =	vld [tilespmem:s24+$0xFDA0]  }
0x215: {  	v56 =	vld [tilespmem:s24+$0xDDB0]  }
0x216: {  	v47 =	vld [tilespmem:s24+$0xFDB0]  }
0x217: {  	v48 =	vld [tilespmem:s24+$0xDDC0]  }
0x218: {  	v49 =	vld [tilespmem:s24+$0xFDC0]  }
0x219: {  	v50 =	vld [tilespmem:s24+$0xDDD0]  }
0x21a: {  	v57 =	vld [tilespmem:s24+$0xFD00]  }
0x21b: {  	v58 =	vld [tilespmem:s24+$0xDD10]  }
0x21c: {  	v59 =	vld [tilespmem:s24+$0xFD10]  }
0x21d: {  	v60 =	vld [tilespmem:s24+$0xDD20]  }
0x21e: {  	v61 =	vld [tilespmem:s24+$0xFD20]  }
0x21f: {  	v62 =	vld [tilespmem:s24+$0xDD30]  }
0x220: {  	v63 =	vld [tilespmem:s24+$0xFD30]  }
0x221: {  	v45 =	vld [tilespmem:s24+$0xDD40]  }
0x222: {  	v43 =	vld [tilespmem:s24+$0xFD40]  }
0x223: {  	v44 =	vld [tilespmem:s24+$0xDD50]  }
0x224: {  	v41 =	vld [tilespmem:s24+$0xFD50]  }
0x225: {  	v42 =	vld [tilespmem:s24+$0xDD60]  }
0x226: {  	v25 =	vmul.f32 v25, v25;
	v5 =	vadd.f32 v38, v5;
	v46 =	vld [tilespmem:s24+$0xDD70]  }
0x227: {  	v2 =	vadd.f32 v36, v2;
	v24 =	vmul.f32 v24, v24;
	v0 =	vadd.f32 v39, v0;
	v39 =	vld [tilespmem:s24+$0xFD70]  }
0x228: {  	v5 =	vadd.f32 v25, v5;
	v1 =	vadd.f32 v37, v1;
	v37 =	vld [tilespmem:s24+$0xDC80]  }
0x229: {  	v2 =	vadd.f32 v24, v2;
	v0 =	vadd.f32 v35, v0;
	v35 =	vld [tilespmem:s24+$0xFC80]  }
0x22a: {  	v5 =	vadd.f32 v28, v5;
	v1 =	vadd.f32 v34, v1;
	v25 =	vld [tilespmem:s24+$0xDC90]  }
0x22b: {  	v26 =	vadd.f32 v26, v2;
	v0 =	vadd.f32 v29, v0;
	v24 =	vld [tilespmem:s24+$0xFC90]  }
0x22c: {  	v2 =	vadd.f32 v22, v5;
	v1 =	vadd.f32 v27, v1;
	v27 =	vld [tilespmem:s24+$0xDCA0]  }
0x22d: {  	v5 =	vadd.f32 v21, v26;
	v0 =	vadd.f32 v23, v0;
	v23 =	vmul.f32 v32, v32;
	v28 =	vld [tilespmem:s24+$0xFCA0]  }
0x22e: {  	v21 =	vmul.f32 v33, v33;
	v1 =	vadd.f32 v20, v1;
	v20 =	vmul.f32 v30, v30;
	v22 =	vld [tilespmem:s24+$0xDCB0]  }
0x22f: {  	v7 =	vadd.f32 v23, v7;
	v23 =	vld [tilespmem:s24+$0xFCB0]  }
0x230: {  	v15 =	vmul.f32 v15, v15;
	v3 =	vadd.f32 v21, v3;
	v6 =	vadd.f32 v20, v6;
	v20 =	vld [tilespmem:s24+$0xDCC0]  }
0x231: {  	v26 =	vmul.f32 v31, v31;
	v21 =	vld [tilespmem:s24+$0xFCC0]  }
0x232: {  	v3 =	vadd.f32 v15, v3;
	v15 =	vld [tilespmem:s24+$0xFCD0]  }
0x233: {  	v4 =	vadd.f32 v26, v4;
	v26 =	vld [tilespmem:s24+$0xDCF0]  }
0x234: {  	v29 =	vld [tilespmem:s24+$0xFCF0]  }
0x235: {  	v19 =	vmul.f32 v19, v19;
	v30 =	vld [tilespmem:s24+$0xDC00]  }
0x236: {  	v18 =	vmul.f32 v18, v18;
	v14 =	vmul.f32 v14, v14;
	v32 =	vld [tilespmem:s24+$0xFC00]  }
0x237: {  	v11 =	vmul.f32 v11, v11;
	v36 =	vld [tilespmem:s24+$0xDC10];
	v7 =	vadd.f32 v19, v7  }
0x238: {  	v10 =	vmul.f32 v10, v10;
	v4 =	vadd.f32 v14, v4;
	v19 =	vld [tilespmem:s24+$0xDCD0];
	v6 =	vadd.f32 v18, v6  }
0x239: {  	v9 =	vmul.f32 v9, v9;
	[tilespmem:$0x1FE60] =	vst v2;
	v3 =	vadd.f32 v11, v3;
	v7 =	vadd.f32 v17, v7;
	v17 =	vld [tilespmem:s24+$0xDCE0]  }
0x23a: {  	v4 =	vadd.f32 v10, v4;
	v11 =	vmul.f32 v8, v8;
	v6 =	vadd.f32 v16, v6;
	v16 =	vld [tilespmem:s24+$0xFCE0];
	[tilespmem:$0x1FE70] =	vst v40  }
0x23b: {  	[tilespmem:$0x1FE80] =	vst v51;
	v2 =	vld [tilespmem:$0x1FE70]  }
0x23c: {  	v3 =	vadd.f32 v9, v3;
	v9 =	vadd.f32 v11, v4;
	v4 =	vld [tilespmem:$0x1FE80]  }
0x23d: {  	v51 =	vld [tilespmem:s24+$0xFDD0]  }
0x23e: {  	[tilespmem:$0x1FE90] =	vst v52;
	v52 =	vld [tilespmem:s24+$0xDDE0]  }
0x23f: {  	[tilespmem:$0x1FEA0] =	vst v53;
	v53 =	vld [tilespmem:s24+$0xFDE0]  }
0x240: {  	[tilespmem:$0x1FEB0] =	vst v54;
	v54 =	vld [tilespmem:s24+$0xDDF0]  }
0x241: {  	v31 =	vsub.f32 v2, v4;
	v2 =	vld [tilespmem:$0x1FE90]  }
0x242: {  	v4 =	vld [tilespmem:$0x1FEA0]  }
0x243: {  	[tilespmem:$0x1FEC0] =	vst v55;
	v55 =	vld [tilespmem:s24+$0xFDF0]  }
0x244: {  	[tilespmem:$0x1FED0] =	vst v56;
	v56 =	vld [tilespmem:s24+$0xDD00]  }
0x245: {  	v40 =	vld [tilespmem:s24+$0xFD60]  }
0x246: {  	v43 =	vsub.f32 v45, v43;
	v45 =	vld [tilespmem:s24+$0xFC30]  }
0x247: {  	v33 =	vsub.f32 v2, v4;
	v2 =	vld [tilespmem:$0x1FEB0]  }
0x248: {  	v8 =	vadd.f32 v13, v7;
	v4 =	vld [tilespmem:$0x1FEC0]  }
0x249: {  	v41 =	vsub.f32 v44, v41;
	v35 =	vsub.f32 v37, v35;
	v37 =	vld [tilespmem:s24+$0xFC40]  }
0x24a: {  	v10 =	vadd.f32 v12, v6;
	v12 =	vsub.f32 v52, v53;
	v52 =	vld [tilespmem:s24+$0xFC20]  }
0x24b: {  	v13 =	vsub.f32 v46, v39;
	v11 =	vsub.f32 v54, v55;
	v55 =	vld [tilespmem:s24+$0xDC30]  }
0x24c: {  	v39 =	vsub.f32 v25, v24;
	v14 =	vsub.f32 v42, v40;
	v40 =	vld [tilespmem:s24+$0xDC40]  }
0x24d: {  	v7 =	vsub.f32 v20, v21;
	v34 =	vsub.f32 v2, v4;
	v2 =	vld [tilespmem:$0x1FED0]  }
0x24e: {  	v32 =	vsub.f32 v30, v32;
	v53 =	vsub.f32 v58, v59;
	v58 =	vld [tilespmem:s24+$0xFC50]  }
0x24f: {  	v6 =	vsub.f32 v22, v23;
	v25 =	vsub.f32 v19, v15;
	v19 =	vmul.f32 v43, v43;
	v59 =	vld [tilespmem:s24+$0xDC60]  }
0x250: {  	v20 =	vmul.f32 v41, v41;
	v18 =	vsub.f32 v17, v16;
	v54 =	vsub.f32 v60, v61;
	v60 =	vld [tilespmem:s24+$0xFC60]  }
0x251: {  	v17 =	vsub.f32 v26, v29;
	v61 =	vld [tilespmem:s24+$0xDC70];
	v29 =	vmul.f32 v53, v53;
	v45 =	vsub.f32 v55, v45  }
0x252: {  	v26 =	vmul.f32 v54, v54;
	v38 =	vsub.f32 v2, v47;
	v47 =	vsub.f32 v48, v49;
	v48 =	vld [tilespmem:s24+$0xFC10]  }
0x253: {  	v21 =	vmul.f32 v31, v31;
	v31 =	vsub.f32 v40, v37;
	v49 =	vsub.f32 v50, v51;
	v50 =	vld [tilespmem:s24+$0xDC20]  }
0x254: {  	v37 =	vmul.f32 v45, v45;
	v22 =	vmul.f32 v33, v33;
	v51 =	vsub.f32 v56, v57;
	v57 =	vld [tilespmem:s24+$0xDC50]  }
0x255: {  	v23 =	vmul.f32 v34, v34;
	v34 =	vmul.f32 v35, v35;
	v56 =	vsub.f32 v62, v63;
	v63 =	vld [tilespmem:s24+$0xFC70]  }
0x256: {  	v33 =	vsub.f32 v59, v60;
	v35 =	vmul.f32 v39, v39;
	v24 =	vmul.f32 v38, v38  }
0x257: {  	v4 =	vsub.f32 v27, v28;
	v15 =	vmul.f32 v47, v47;
	v16 =	vmul.f32 v49, v49  }
0x258: {  	v28 =	vmul.f32 v51, v51;
	v36 =	vsub.f32 v36, v48;
	v62 =	vsub.f32 v50, v52  }
0x259: {  	v27 =	vmul.f32 v56, v56;
	v38 =	vmul.f32 v32, v32;
	v30 =	vsub.f32 v57, v58  }
0x25a: {  	s20 =	simm.s32 $0x800;
	v32 =	vsub.f32 v61, v63;
	v39 =	vmul.f32 v36, v36;
	v36 =	vmul.f32 v62, v62  }
.LBB2_9:
0x25b: {  	s21 =	sshra.s32 s20, $0x2;
	v2 =	vld [tilespmem:$0x1FE60]  }
0x25c: {  	v60 =	vmul.f32 v4, v4;
	v4 =	vld [tilespmem:s21+$0xDD80]  }
0x25d: {  	v61 =	vmul.f32 v6, v6;
	v6 =	vld [tilespmem:s21+$0xFD80]  }
0x25e: {  	v62 =	vmul.f32 v7, v7;
	v7 =	vld [tilespmem:s21+$0xDD90]  }
0x25f: {  	v63 =	vld [tilespmem:s21+$0xFD90]  }
0x260: {  	v5 =	vadd.f32 v37, v5;
	v37 =	vld [tilespmem:s21+$0xDD60]  }
0x261: {  	v40 =	vld [tilespmem:s21+$0xFD70]  }
0x262: {  	v41 =	vld [tilespmem:s21+$0xDC80]  }
0x263: {  	v42 =	vld [tilespmem:s21+$0xFC80]  }
0x264: {  	v43 =	vld [tilespmem:s21+$0xDC90]  }
0x265: {  	v44 =	vld [tilespmem:s21+$0xFC90]  }
0x266: {  	v45 =	vld [tilespmem:s21+$0xDCA0]  }
0x267: {  	v46 =	vld [tilespmem:s21+$0xFCA0]  }
0x268: {  	v47 =	vld [tilespmem:s21+$0xDCB0]  }
0x269: {  	v48 =	vld [tilespmem:s21+$0xFCB0]  }
0x26a: {  	v49 =	vld [tilespmem:s21+$0xDCC0]  }
0x26b: {  	v50 =	vld [tilespmem:s21+$0xFCC0]  }
0x26c: {  	v51 =	vld [tilespmem:s21+$0xDCD0]  }
0x26d: {  	v52 =	vld [tilespmem:s21+$0xFCD0]  }
0x26e: {  	v53 =	vld [tilespmem:s21+$0xDCE0]  }
0x26f: {  	v54 =	vld [tilespmem:s21+$0xFCE0]  }
0x270: {  	v55 =	vld [tilespmem:s21+$0xDCF0]  }
0x271: {  	v56 =	vld [tilespmem:s21+$0xFCF0]  }
0x272: {  	v31 =	vmul.f32 v31, v31;
	v57 =	vld [tilespmem:s21+$0xDC00]  }
0x273: {  	v59 =	vld [tilespmem:s21+$0xFC00]  }
0x274: {  	v8 =	vadd.f32 v31, v8;
	v31 =	vld [tilespmem:s21+$0xFD30]  }
0x275: {  	v5 =	vadd.f32 v61, v5;
	v0 =	vadd.f32 v38, v0;
	v38 =	vld [tilespmem:s21+$0xFD60]  }
0x276: {  	v1 =	vadd.f32 v39, v1;
	v39 =	vld [tilespmem:s21+$0xDD70]  }
0x277: {  	v5 =	vadd.f32 v27, v5;
	v27 =	vmul.f32 v33, v33;
	v33 =	vld [tilespmem:s21+$0xFD40]  }
0x278: {  	v2 =	vadd.f32 v36, v2;
	v36 =	vld [tilespmem:s21+$0xFD50]  }
0x279: {  	v8 =	vadd.f32 v62, v8;
	v62 =	vld [tilespmem:s21+$0xFC10]  }
0x27a: {  	v0 =	vadd.f32 v34, v0;
	v1 =	vadd.f32 v35, v1;
	v34 =	vld [tilespmem:s21+$0xDD50]  }
0x27b: {  	v35 =	vsub.f32 v7, v63;
	v7 =	vsub.f32 v49, v50;
	v50 =	vld [tilespmem:s21+$0xFC50]  }
0x27c: {  	v5 =	vadd.f32 v24, v5;
	v24 =	vld [tilespmem:s21+$0xDDC0]  }
0x27d: {  	v8 =	vadd.f32 v19, v8;
	v19 =	vld [tilespmem:s21+$0xDD10]  }
0x27e: {  	v3 =	vadd.f32 v27, v3;
	v27 =	vld [tilespmem:s21+$0xDD20]  }
0x27f: {  	v2 =	vadd.f32 v60, v2;
	v0 =	vadd.f32 v28, v0;
	v28 =	vld [tilespmem:s21+$0xDDA0]  }
0x280: {  	v18 =	vmul.f32 v18, v18;
	v1 =	vadd.f32 v29, v1;
	v29 =	vmul.f32 v30, v30;
	v30 =	vld [tilespmem:s21+$0xDD30]  }
0x281: {  	v2 =	vadd.f32 v26, v2;
	v26 =	vld [tilespmem:s21+$0xFDA0]  }
0x282: {  	v3 =	vadd.f32 v18, v3;
	v18 =	vld [tilespmem:s21+$0xDDE0]  }
0x283: {  	v8 =	vadd.f32 v15, v8;
	v15 =	vld [tilespmem:s21+$0xDD00]  }
0x284: {  	v14 =	vmul.f32 v14, v14;
	v0 =	vadd.f32 v21, v0;
	v21 =	vld [tilespmem:s21+$0xDDB0]  }
0x285: {  	v25 =	vmul.f32 v25, v25;
	v10 =	vadd.f32 v29, v10;
	v29 =	vld [tilespmem:s21+$0xFD20]  }
0x286: {  	v3 =	vadd.f32 v14, v3;
	v14 =	vld [tilespmem:s21+$0xDDF0]  }
0x287: {  	v10 =	vadd.f32 v25, v10;
	v25 =	vld [tilespmem:s21+$0xDDD0]  }
0x288: {  	[tilespmem:$0x1FE40] =	vst v0;
	v0 =	vadd.f32 v22, v1;
	v22 =	vmul.f32 v32, v32;
	v32 =	vld [tilespmem:s21+$0xDD40]  }
0x289: {  	v30 =	vsub.f32 v30, v31;
	v31 =	vld [tilespmem:s21+$0xFC30]  }
0x28a: {  	[tilespmem:$0x1FE50] =	vst v0;
	v0 =	vadd.f32 v23, v2;
	v23 =	vld [tilespmem:s21+$0xFDB0]  }
0x28b: {  	v9 =	vadd.f32 v22, v9;
	v22 =	vld [tilespmem:s21+$0xFDC0]  }
0x28c: {  	v10 =	vadd.f32 v20, v10;
	v20 =	vld [tilespmem:s21+$0xFD10]  }
0x28d: {  	v17 =	vmul.f32 v17, v17;
	v26 =	vsub.f32 v28, v26;
	v28 =	vld [tilespmem:s21+$0xDC10]  }
0x28e: {  	v12 =	vmul.f32 v12, v12;
	v58 =	vsub.f32 v4, v6;
	v4 =	vsub.f32 v45, v46;
	v2 =	vld [tilespmem:s21+$0xFC20]  }
0x28f: {  	v6 =	vsub.f32 v47, v48;
	v9 =	vadd.f32 v17, v9;
	v17 =	vld [tilespmem:s21+$0xFDD0]  }
0x290: {  	v13 =	vmul.f32 v13, v13;
	v3 =	vadd.f32 v12, v3;
	v10 =	vadd.f32 v16, v10;
	v16 =	vld [tilespmem:s21+$0xFD00]  }
0x291: {  	[tilespmem:$0x1FE60] =	vst v0;
	v0 =	vld [tilespmem:s21+$0xDC20];
	v32 =	vsub.f32 v32, v33;
	v33 =	vsub.f32 v34, v36  }
0x292: {  	v34 =	vld [tilespmem:s21+$0xDC40];
	v36 =	vsub.f32 v41, v42;
	v9 =	vadd.f32 v13, v9  }
0x293: {  	v11 =	vmul.f32 v11, v11;
	v13 =	vld [tilespmem:s21+$0xFDE0];
	v60 =	vsub.f32 v21, v23;
	v61 =	vsub.f32 v24, v22  }
0x294: {  	v19 =	vsub.f32 v19, v20;
	v20 =	vsub.f32 v27, v29;
	v27 =	vld [tilespmem:s21+$0xDC30];
	v21 =	vmul.f32 v58, v58  }
0x295: {  	v22 =	vmul.f32 v35, v35;
	v58 =	vsub.f32 v57, v59;
	v9 =	vadd.f32 v11, v9;
	v11 =	vld [tilespmem:s21+$0xFDF0]  }
0x296: {  	v59 =	vld [tilespmem:s21+$0xFC60];
	v23 =	vmul.f32 v26, v26;
	v63 =	vsub.f32 v25, v17;
	v1 =	vsub.f32 v15, v16  }
0x297: {  	v25 =	vsub.f32 v51, v52;
	v24 =	vmul.f32 v60, v60;
	v60 =	vsub.f32 v28, v62;
	v62 =	vld [tilespmem:s21+$0xDC70]  }
0x298: {  	v17 =	vsub.f32 v55, v56;
	v15 =	vmul.f32 v61, v61;
	v0 =	vsub.f32 v0, v2;
	v2 =	vld [tilespmem:s21+$0xFC70]  }
0x299: {  	v29 =	vmul.f32 v19, v19;
	v12 =	vsub.f32 v18, v13;
	v13 =	vsub.f32 v39, v40;
	v39 =	vld [tilespmem:s21+$0xDC50]  }
0x29a: {  	v26 =	vmul.f32 v20, v20;
	v11 =	vsub.f32 v14, v11;
	v14 =	vsub.f32 v37, v38;
	v37 =	vld [tilespmem:s21+$0xFC40]  }
0x29b: {  	p1 =	sne.s32 s20, $0x7800;
	v19 =	vmul.f32 v32, v32;
	v20 =	vmul.f32 v33, v33;
	v18 =	vsub.f32 v53, v54;
	v54 =	vld [tilespmem:s21+$0xDC60]  }
.Ltmp5:
0x29c: {  	v16 =	vmul.f32 v63, v63;
	v28 =	vmul.f32 v1, v1;
	v38 =	vsub.f32 v43, v44;
	(pc) =	sbr.rel @p1 .LBB2_9-.Ltmp5, $4  }
0x29d: {  	v1 =	vsub.f32 v27, v31;
	v27 =	vmul.f32 v30, v30;
	v32 =	vsub.f32 v62, v2  }
0x29e: {  	v35 =	vmul.f32 v38, v38;
	v38 =	vmul.f32 v58, v58;
	v30 =	vsub.f32 v39, v50  }
0x29f: {  	v31 =	vsub.f32 v34, v37;
	v34 =	vmul.f32 v36, v36;
	v36 =	vmul.f32 v0, v0;
	v0 =	vld [tilespmem:$0x1FE40]  }
0x2a0: {  	s20 =	sadd.s32 $0x800, s20;
	v39 =	vmul.f32 v60, v60;
	v33 =	vsub.f32 v54, v59;
	v37 =	vmul.f32 v1, v1;
	v1 =	vld [tilespmem:$0x1FE50]  }
0x2a1: {  	v2 =	vmul.f32 v4, v4;
	v4 =	vld [tilespmem:$0x1FE60];
	_ =	sdelay $0x3  }
0x2a2: {  	v5 =	vadd.f32 v37, v5;
	v63 =	vmul.f32 v33, v33;
	v0 =	vadd.f32 v38, v0  }
0x2a3: {  	v1 =	vadd.f32 v39, v1;
	v4 =	vadd.f32 v36, v4  }
0x2a4: {  	v6 =	vmul.f32 v6, v6;
	v3 =	vadd.f32 v63, v3;
	v0 =	vadd.f32 v34, v0  }
0x2a5: {  	v61 =	vmul.f32 v7, v7;
	v1 =	vadd.f32 v35, v1;
	v2 =	vadd.f32 v2, v4  }
0x2a6: {  	v25 =	vmul.f32 v25, v25;
	v4 =	vadd.f32 v6, v5;
	v0 =	vadd.f32 v28, v0  }
0x2a7: {  	v31 =	vmul.f32 v31, v31;
	v1 =	vadd.f32 v29, v1;
	v2 =	vadd.f32 v26, v2  }
0x2a8: {  	v62 =	vmul.f32 v30, v30;
	v4 =	vadd.f32 v27, v4;
	v7 =	vadd.f32 v21, v0  }
0x2a9: {  	v0 =	vmul.f32 v32, v32;
	v6 =	vadd.f32 v22, v1;
	v1 =	vadd.f32 v31, v8  }
0x2aa: {  	v8 =	vmul.f32 v18, v18;
	v5 =	vadd.f32 v23, v2;
	v4 =	vadd.f32 v24, v4  }
0x2ab: {  	v2 =	vadd.f32 v62, v10;
	v0 =	vadd.f32 v0, v9;
	v9 =	vmul.f32 v17, v17  }
0x2ac: {  	v10 =	vmul.f32 v14, v14;
	v1 =	vadd.f32 v61, v1;
	v3 =	vadd.f32 v8, v3  }
.Ltmp6:
0x2ad: {  	v8 =	vmul.f32 v13, v13;
	v2 =	vadd.f32 v25, v2;
	v0 =	vadd.f32 v9, v0;
	(pc) =	sbr.rel @p0 .LBB2_12-.Ltmp6, $4  }
0x2ae: {  	v9 =	vmul.f32 v12, v12;
	v1 =	vadd.f32 v19, v1;
	v10 =	vadd.f32 v10, v3  }
0x2af: {  	v2 =	vadd.f32 v20, v2;
	v0 =	vadd.f32 v8, v0;
	v8 =	vmul.f32 v11, v11  }
0x2b0: {  	v3 =	vadd.f32 v15, v1;
	v9 =	vadd.f32 v9, v10  }
0x2b1: {  	v2 =	vadd.f32 v16, v2;
	v1 =	vadd.f32 v8, v0  }
0x2b2: {  	s19 =	sadd.s32 $0x6, s19  }
0x2b3: {  	s20 =	sshll.u32 s19, $0x6  }
.Ltmp7:
0x2b4: {  	s20 =	sand.u32 $0x3FFFFFC0, s20;
	(pc) =	sbr.rel .LBB2_2-.Ltmp7, $4  }
0x2b5: {  	s19 =	sshll.u32 s19, $0xF;
	s20 =	sadd.s32 $0x40, s20  }
0x2b6: {  	[tilespmem:s25], [sflag:$0x8] =	stream.indirect.gather [hbm4b:s2+s16], $0x80, s20, s16, $0xb8;
	[tilespmem:$0x11C80] =	vst v63  }
0x2b7: {  	s18 =	sadd.s32 $0x1, s18;
	s19 =	sadd.s32 s19, s7  }
0x2b8: {  	v0 =	vmov v9;
	[tilespmem:s26], [sflag:$0x7] =	stream.linear.gather [hbm4b:s19+s3], $0x2000, $0x38;
	[tilespmem:$0x11C80] =	vst v63  }
.LBB2_13:
0x2b9: {  	_ =	sfence.sel $0x180000  }
0x2ba: {  	[bflag:$0x0] =	sbarrier.arrive $0xFFFF  }
0x2bb: {  	_ =	strace $0x90000047  }
0x2bc: {  	s0 =	stileid.u32;
	[bflag:$0x2] =	sbarrier.arrive $0xFFFF  }
0x2bd: {  	p0 =	sne.s32 s0, $0x0;
	s0 =	rddreg [dreg:$0x4]  }
0x2be: {  	s0 =	sadd.s32 @!p0 $0x100000, s0  }
0x2bf: {  	[sflag:s0] =	ssyncadd.tile.s32 @!p0 $0x1;
	_ =	shalt  }
.Lfunc_end2:
_tile_overlayer_lowered:
.L_overlay_start_2:
0x2c0: {  	(tag) =	ssettag $0x2  }
0x2c1: {  	s0 =	rddreg [dreg:$0x0];
	s2 =	stileid.u32  }
0x2c2: {  	s1 =	rddreg [dreg:$0x1];
	p0 =	sne.s32 s2, $0x0  }
0x2c3: {  	s3 =	rddreg [dreg:$0x2];
	[bflag:$0x3] =	sbarrier.arrive $0xFFFF;
	s2 =	simm.s32 @!p0 $0x1C09  }
0x2c4: {  	[timem:s3], [sflag:s2] =	dma.local @!p0 [hbm:s0], s1  }
0x2c5: {  	s0 =	simm.s32 @!p0 $0x9  }
0x2c6: {  	_ =	swait.ge @!p0 [sflag:s0], s1  }
0x2c7: {  	s1 =	ssub.s32 @!p0 $0x0, s1;
	[sflag:s0] =	ssyncset.done @!p0 $0x0  }
0x2c8: {  	[sflag:s0] =	ssyncadd.s32 @!p0 s1  }
0x2c9: {  	[bflag:$0x3] =	sbarrier.arrive $0xFFFF  }
0x2ca: {  	_ =	shalt  }

</sc_bundles>
